<compile_context>
chip_gen: v7x
topology: tpu7x:2x2x1
jax: 0.10.2.dev20260603
libtpu: 0.0.44.dev20260713+nightly
codegen_flags: <defaults>
</compile_context>

<pallas_src>
import functools

import jax
import jax.numpy as jnp
from jax import lax
from jax.experimental import pallas as pl
from jax.experimental.pallas import tpu as pltpu
from jax.experimental.pallas import tpu_sc as plsc


@functools.lru_cache(maxsize=None)
def _make_detile(V, D):
    info = plsc.get_sparse_core_info()
    NC, NS, L = info.num_cores, info.num_subcores, info.num_lanes
    NW = NC * NS
    NBF = V // 128
    Vp = NBF * 128 + 128
    mesh = plsc.VectorSubcoreMesh(core_axis_name="c", subcore_axis_name="s")

    @functools.partial(
        pl.kernel,
        mesh=mesh,
        out_type=jax.ShapeDtypeStruct((Vp, 128), jnp.float32),
        scratch_types=[
            pltpu.VMEM((2, D, 128), jnp.float32),
            pltpu.VMEM((2, 128, 128), jnp.float32),
            [pltpu.SemaphoreType.DMA] * 2,
            [pltpu.SemaphoreType.DMA] * 2,
        ],
        compiler_params=pltpu.CompilerParams(use_tc_tiling_on_sc=True, needs_layout_passes=False),
    )
    def detile_kernel(emb_t, tail_pad, out, stage_v, tout_v, gsems, osems):
        wid = lax.axis_index("s") * NC + lax.axis_index("c")

        @pl.when(wid == 0)
        def _():
            pltpu.sync_copy(tail_pad, tout_v.at[0])
            pltpu.sync_copy(tout_v.at[0], out.at[pl.ds(NBF * 128, 128)])

        nb = (NBF + NW - 1) // NW

        def col(g):
            return lax.rem(wid + g * NW, NBF)

        def src_slice(b):
            return emb_t.at[:, pl.ds(b * 128, 128)]

        def start_in(b, slot):
            pltpu.async_copy(src_slice(b), stage_v.at[slot], gsems[slot])

        def wait_in(b, slot):
            pltpu.make_async_copy(
                src_slice(b), stage_v.at[slot], gsems[slot]
            ).wait()

        def dst_slice(b):
            return out.at[pl.ds(b * 128, 128)]

        def start_out(b, slot):
            pltpu.async_copy(tout_v.at[slot], dst_slice(b), osems[slot])

        def wait_out(b, slot):
            pltpu.make_async_copy(
                tout_v.at[slot], dst_slice(b), osems[slot]
            ).wait()

        lane = lax.iota(jnp.int32, L)
        rowv = [lane + (fg * L) for fg in range(D // L)]
        zero = jnp.zeros((L,), jnp.int32)

        def transpose(slot):
            @plsc.parallel_loop(0, 128, step=1, unroll=16)
            def _(l):
                colv = zero + l
                for fg in range(D // L):
                    vals = plsc.load_gather(stage_v.at[slot], [rowv[fg], colv])
                    tout_v[slot, l, pl.ds(fg * L, L)] = vals

        start_in(col(0), 0)
        start_in(col(1), 1)

        assert nb % 2 == 0 or nb % 2 == 1
        n_groups = nb // 2

        def body(grp, carry):
            g0 = grp * 2
            for b in range(2):
                g = g0 + b
                wait_in(col(g), b)

                @pl.when(grp > 0)
                def _():
                    wait_out(col(g - 2), b)

                transpose(b)
                start_out(col(g), b)

                @pl.when(g + 2 < nb)
                def _():
                    start_in(col(g + 2), b)

            return carry

        lax.fori_loop(0, n_groups, body, 0)
        if nb % 2 == 1:
            g = nb - 1
            wait_in(col(g), 0)
            wait_out(col(g - 2), 0)
            transpose(0)
            start_out(col(g), 0)
            wait_out(col(g - 1), 1)
            wait_out(col(g), 0)
        else:
            wait_out(col(nb - 2), 0)
            wait_out(col(nb - 1), 1)

    return detile_kernel


@functools.lru_cache(maxsize=None)
def _make_gather(V, D, R, S, Vp):
    info = plsc.get_sparse_core_info()
    NC, NS = info.num_cores, info.num_subcores
    NW = NC * NS
    assert R % (NW * 128) == 0
    mesh = plsc.VectorSubcoreMesh(core_axis_name="c", subcore_axis_name="s")

    @functools.partial(
        pl.kernel,
        mesh=mesh,
        out_type=jax.ShapeDtypeStruct((S, R, 128), jnp.float32),
        scratch_types=[
            pltpu.VMEM((4, 128), jnp.int32),
            pltpu.VMEM((4, 128, 128), jnp.float32),
            [pltpu.SemaphoreType.DMA] * 4,
            [pltpu.SemaphoreType.DMA] * 4,
            [pltpu.SemaphoreType.DMA] * 4,
        ],
        compiler_params=pltpu.CompilerParams(use_tc_tiling_on_sc=True, needs_layout_passes=False),
    )
    def gather_kernel(idx_hbm, table_hbm, out_hbm, idx_v, rows_v, isems,
                      gsems, osems):
        wid = lax.axis_index("s") * NC + lax.axis_index("c")

        def idx_slice(s):
            return idx_hbm.at[pl.ds(s * R + wid * 128, 128)]

        def start_idx(s, ib):
            pltpu.async_copy(idx_slice(s), idx_v.at[ib], isems[ib])

        def wait_idx(s, ib):
            pltpu.make_async_copy(idx_slice(s), idx_v.at[ib], isems[ib]).wait()

        def start_gather(ib):
            pltpu.async_copy(
                table_hbm.at[idx_v.at[ib]], rows_v.at[ib], gsems[ib]
            )

        def wait_gather(ib):
            pltpu.make_async_copy(
                table_hbm.at[idx_v.at[ib]], rows_v.at[ib], gsems[ib]
            ).wait()

        def out_slice(s):
            return out_hbm.at[s, pl.ds(wid * 128, 128), :]

        def start_out(s, b):
            pltpu.async_copy(rows_v.at[b], out_slice(s), osems[b])

        def wait_out(s, b):
            pltpu.make_async_copy(
                rows_v.at[b], out_slice(s), osems[b]
            ).wait()

        for p in range(4):
            start_idx(p, p)
        wait_idx(0, 0)
        start_gather(0)
        wait_idx(1, 1)
        start_gather(1)

        def body(g, carry):
            s0 = g * 2

            def do_block(b, ib_cur, ib_next):
                s = s0 + b
                wait_gather(ib_cur)

                @pl.when(g > 0)
                def _():
                    wait_out(s - 2, ib_next)

                start_out(s, ib_cur)

                @pl.when(g < S // 2 - 1)
                def _():
                    wait_idx(s + 2, ib_next)
                    start_gather(ib_next)

                @pl.when(g < S // 2 - 2)
                def _():
                    start_idx(s + 4, ib_cur)

            @pl.when(lax.rem(g, 2) == 0)
            def _():
                do_block(0, 0, 2)
                do_block(1, 1, 3)

            @pl.when(lax.rem(g, 2) == 1)
            def _():
                do_block(0, 2, 0)
                do_block(1, 3, 1)

            return carry

        lax.fori_loop(0, S // 2, body, 0)
        wait_out(S - 2, 0)
        wait_out(S - 1, 1)

    return gather_kernel


def kernel(inputs, embeddings):
    V, D = embeddings.shape
    R, S = inputs.shape
    NBF = V // 128
    Vp = NBF * 128 + 128
    tail = embeddings[NBF * 128:]
    tail_pad = jnp.pad(
        tail, ((0, 128 - tail.shape[0]), (0, 128 - D))
    )
    table_pad = _make_detile(V, D)(embeddings.T, tail_pad)
    idx_t = inputs.T.astype(jnp.int32).reshape(S * R)
    out_sr = _make_gather(V, D, R, S, Vp)(idx_t, table_pad)
    return out_sr[:, :, :D].transpose(1, 0, 2)

# --- scband reference (transcript-rebuilt; emitter-appended) ---
"""Pipeline reference for scband-embedding-inputlayer-42760694399313 (READ-ONLY COPY).

The authoritative reference and input builder live on the scoring server;
editing this copy changes nothing except your own understanding.
"""

import jax, jax.numpy as jnp
import numpy as np

VOCAB = 1000000
EMBED = 64

def setup_inputs(seed: int = 0) -> dict:
    key = jax.random.key(seed)
    k1, k2 = jax.random.split(key)
    inputs = jax.random.randint(k1, (4096, 50), 0, VOCAB, dtype=jnp.int64 if jax.config.jax_enable_x64 else jnp.int32)
    # Embedding table initialized like tf.random_uniform_initializer(-0.1, 0.1)
    embeddings = jax.random.uniform(k2, (VOCAB, EMBED), dtype=jnp.float32, minval=-0.1, maxval=0.1)
    return {"inputs": inputs, "embeddings": embeddings}

def reference(inputs, embeddings):
    # tf.nn.embedding_lookup(embeddings, inputs) -> gather rows along axis 0
    embed = jnp.take(embeddings, inputs, axis=0)
    return embed

if __name__ == "__main__":
    import jax
    _d = setup_inputs()
    print(jax.jit(kernel)(*tuple(_d.values())))

</pallas_src>

<mosaic_0001>
#map = affine_map<(d0, d1) -> (0)>
#map1 = affine_map<(d0, d1) -> (0, 0)>
#map2 = affine_map<(d0, d1) -> (0, 0, 0)>
module attributes {stable_mosaic.version = 14 : i64} {
  func.func @gather_kernel(%arg0: i32, %arg1: i32, %arg2: memref<204800xi32, #tpu.memory_space<hbm>>, %arg3: memref<1000064x128xf32, #tpu.memory_space<hbm>>, %arg4: memref<50x4096x128xf32, #tpu.memory_space<hbm>>, %arg5: memref<4x128xi32, #tpu.memory_space<vmem>>, %arg6: memref<4x128x128xf32, #tpu.memory_space<vmem>>, %arg7: memref<!tpu.dma_semaphore, #tpu.memory_space<semaphore_mem>>, %arg8: memref<!tpu.dma_semaphore, #tpu.memory_space<semaphore_mem>>, %arg9: memref<!tpu.dma_semaphore, #tpu.memory_space<semaphore_mem>>, %arg10: memref<!tpu.dma_semaphore, #tpu.memory_space<semaphore_mem>>, %arg11: memref<!tpu.dma_semaphore, #tpu.memory_space<semaphore_mem>>, %arg12: memref<!tpu.dma_semaphore, #tpu.memory_space<semaphore_mem>>, %arg13: memref<!tpu.dma_semaphore, #tpu.memory_space<semaphore_mem>>, %arg14: memref<!tpu.dma_semaphore, #tpu.memory_space<semaphore_mem>>, %arg15: memref<!tpu.dma_semaphore, #tpu.memory_space<semaphore_mem>>, %arg16: memref<!tpu.dma_semaphore, #tpu.memory_space<semaphore_mem>>, %arg17: memref<!tpu.dma_semaphore, #tpu.memory_space<semaphore_mem>>, %arg18: memref<!tpu.dma_semaphore, #tpu.memory_space<semaphore_mem>>) attributes {dimension_semantics = [#tpu.dimension_semantics<core_parallel>, #tpu.dimension_semantics<subcore_parallel>], iteration_bounds = array<i64: 2, 16>, scalar_prefetch = 0 : i64, scratch_operands = 14 : i64, tpu.core_type = #tpu.core_type<sc_vector_subcore>, window_params = [{transform_indices = #map}, {transform_indices = #map1}, {transform_indices = #map2}]} {
    %mul3A = arith.constant 2 : i32
    %mul3A_0 = arith.muli %arg1, %mul3A : i32
    %add3A = arith.addi %mul3A_0, %arg0 : i32
    %mul3A_1 = arith.constant 128 : i32
    %mul3A_2 = arith.muli %add3A, %mul3A_1 : i32
    %add3A_3 = arith.constant 0 : i32
    %add3A_4 = arith.addi %add3A_3, %mul3A_2 : i32
    %dma_start3A = arith.constant 0 : i32
    %dma_start3A_5 = arith.constant 0 : i32
    %dma_start3A_6 = tpu.memref_slice %arg5[%dma_start3A, %dma_start3A_5] : memref<4x128xi32, #tpu.memory_space<vmem>> -> memref<1x128xi32, #tpu.memory_space<vmem>>
    %dma_start3A_7 = tpu.memref_squeeze %dma_start3A_6 : memref<1x128xi32, #tpu.memory_space<vmem>> -> memref<128xi32, #tpu.memory_space<vmem>>
    %dma_start3A_8 = tpu.memref_slice %arg2[%add3A_4] : memref<204800xi32, #tpu.memory_space<hbm>> -> memref<128xi32, #tpu.memory_space<hbm>>
    %dma_start3A_9 = arith.constant 0 : i32
    %dma_start3A_10 = tpu.memref_slice %arg5[%dma_start3A, %dma_start3A_9] : memref<4x128xi32, #tpu.memory_space<vmem>> -> memref<1x128xi32, #tpu.memory_space<vmem>>
    %dma_start3A_11 = tpu.memref_squeeze %dma_start3A_10 : memref<1x128xi32, #tpu.memory_space<vmem>> -> memref<128xi32, #tpu.memory_space<vmem>>
    %dma_start3A_12 = tpu.memref_slice %arg2[%add3A_4] : memref<204800xi32, #tpu.memory_space<hbm>> -> memref<128xi32, #tpu.memory_space<hbm>>
    tpu.enqueue_dma source(%dma_start3A_12 : memref<128xi32, #tpu.memory_space<hbm>>) target(%dma_start3A_11 : memref<128xi32, #tpu.memory_space<vmem>>) target_semaphore(%arg7 : memref<!tpu.dma_semaphore, #tpu.memory_space<semaphore_mem>>)
    %mul3A_13 = arith.constant 128 : i32
    %mul3A_14 = arith.muli %add3A, %mul3A_13 : i32
    %add3A_15 = arith.constant 4096 : i32
    %add3A_16 = arith.addi %add3A_15, %mul3A_14 : i32
    %dma_start3A_17 = arith.constant 1 : i32
    %dma_start3A_18 = arith.constant 0 : i32
    %dma_start3A_19 = tpu.memref_slice %arg5[%dma_start3A_17, %dma_start3A_18] : memref<4x128xi32, #tpu.memory_space<vmem>> -> memref<1x128xi32, #tpu.memory_space<vmem>>
    %dma_start3A_20 = tpu.memref_squeeze %dma_start3A_19 : memref<1x128xi32, #tpu.memory_space<vmem>> -> memref<128xi32, #tpu.memory_space<vmem>>
    %dma_start3A_21 = tpu.memref_slice %arg2[%add3A_16] : memref<204800xi32, #tpu.memory_space<hbm>> -> memref<128xi32, #tpu.memory_space<hbm>>
    %dma_start3A_22 = arith.constant 0 : i32
    %dma_start3A_23 = tpu.memref_slice %arg5[%dma_start3A_17, %dma_start3A_22] : memref<4x128xi32, #tpu.memory_space<vmem>> -> memref<1x128xi32, #tpu.memory_space<vmem>>
    %dma_start3A_24 = tpu.memref_squeeze %dma_start3A_23 : memref<1x128xi32, #tpu.memory_space<vmem>> -> memref<128xi32, #tpu.memory_space<vmem>>
    %dma_start3A_25 = tpu.memref_slice %arg2[%add3A_16] : memref<204800xi32, #tpu.memory_space<hbm>> -> memref<128xi32, #tpu.memory_space<hbm>>
    tpu.enqueue_dma source(%dma_start3A_25 : memref<128xi32, #tpu.memory_space<hbm>>) target(%dma_start3A_24 : memref<128xi32, #tpu.memory_space<vmem>>) target_semaphore(%arg8 : memref<!tpu.dma_semaphore, #tpu.memory_space<semaphore_mem>>)
    %mul3A_26 = arith.constant 128 : i32
    %mul3A_27 = arith.muli %add3A, %mul3A_26 : i32
    %add3A_28 = arith.constant 8192 : i32
    %add3A_29 = arith.addi %add3A_28, %mul3A_27 : i32
    %dma_start3A_30 = arith.constant 2 : i32
    %dma_start3A_31 = arith.constant 0 : i32
    %dma_start3A_32 = tpu.memref_slice %arg5[%dma_start3A_30, %dma_start3A_31] : memref<4x128xi32, #tpu.memory_space<vmem>> -> memref<1x128xi32, #tpu.memory_space<vmem>>
    %dma_start3A_33 = tpu.memref_squeeze %dma_start3A_32 : memref<1x128xi32, #tpu.memory_space<vmem>> -> memref<128xi32, #tpu.memory_space<vmem>>
    %dma_start3A_34 = tpu.memref_slice %arg2[%add3A_29] : memref<204800xi32, #tpu.memory_space<hbm>> -> memref<128xi32, #tpu.memory_space<hbm>>
    %dma_start3A_35 = arith.constant 0 : i32
    %dma_start3A_36 = tpu.memref_slice %arg5[%dma_start3A_30, %dma_start3A_35] : memref<4x128xi32, #tpu.memory_space<vmem>> -> memref<1x128xi32, #tpu.memory_space<vmem>>
    %dma_start3A_37 = tpu.memref_squeeze %dma_start3A_36 : memref<1x128xi32, #tpu.memory_space<vmem>> -> memref<128xi32, #tpu.memory_space<vmem>>
    %dma_start3A_38 = tpu.memref_slice %arg2[%add3A_29] : memref<204800xi32, #tpu.memory_space<hbm>> -> memref<128xi32, #tpu.memory_space<hbm>>
    tpu.enqueue_dma source(%dma_start3A_38 : memref<128xi32, #tpu.memory_space<hbm>>) target(%dma_start3A_37 : memref<128xi32, #tpu.memory_space<vmem>>) target_semaphore(%arg9 : memref<!tpu.dma_semaphore, #tpu.memory_space<semaphore_mem>>)
    %mul3A_39 = arith.constant 128 : i32
    %mul3A_40 = arith.muli %add3A, %mul3A_39 : i32
    %add3A_41 = arith.constant 12288 : i32
    %add3A_42 = arith.addi %add3A_41, %mul3A_40 : i32
    %dma_start3A_43 = arith.constant 3 : i32
    %dma_start3A_44 = arith.constant 0 : i32
    %dma_start3A_45 = tpu.memref_slice %arg5[%dma_start3A_43, %dma_start3A_44] : memref<4x128xi32, #tpu.memory_space<vmem>> -> memref<1x128xi32, #tpu.memory_space<vmem>>
    %dma_start3A_46 = tpu.memref_squeeze %dma_start3A_45 : memref<1x128xi32, #tpu.memory_space<vmem>> -> memref<128xi32, #tpu.memory_space<vmem>>
    %dma_start3A_47 = tpu.memref_slice %arg2[%add3A_42] : memref<204800xi32, #tpu.memory_space<hbm>> -> memref<128xi32, #tpu.memory_space<hbm>>
    %dma_start3A_48 = arith.constant 0 : i32
    %dma_start3A_49 = tpu.memref_slice %arg5[%dma_start3A_43, %dma_start3A_48] : memref<4x128xi32, #tpu.memory_space<vmem>> -> memref<1x128xi32, #tpu.memory_space<vmem>>
    %dma_start3A_50 = tpu.memref_squeeze %dma_start3A_49 : memref<1x128xi32, #tpu.memory_space<vmem>> -> memref<128xi32, #tpu.memory_space<vmem>>
    %dma_start3A_51 = tpu.memref_slice %arg2[%add3A_42] : memref<204800xi32, #tpu.memory_space<hbm>> -> memref<128xi32, #tpu.memory_space<hbm>>
    tpu.enqueue_dma source(%dma_start3A_51 : memref<128xi32, #tpu.memory_space<hbm>>) target(%dma_start3A_50 : memref<128xi32, #tpu.memory_space<vmem>>) target_semaphore(%arg10 : memref<!tpu.dma_semaphore, #tpu.memory_space<semaphore_mem>>)
    %mul3A_52 = arith.constant 128 : i32
    %mul3A_53 = arith.muli %add3A, %mul3A_52 : i32
    %add3A_54 = arith.constant 0 : i32
    %add3A_55 = arith.addi %add3A_54, %mul3A_53 : i32
    %dma_wait3A = arith.constant 0 : i32
    %dma_wait3A_56 = arith.constant 0 : i32
    %dma_wait3A_57 = tpu.memref_slice %arg5[%dma_wait3A, %dma_wait3A_56] : memref<4x128xi32, #tpu.memory_space<vmem>> -> memref<1x128xi32, #tpu.memory_space<vmem>>
    %dma_wait3A_58 = tpu.memref_squeeze %dma_wait3A_57 : memref<1x128xi32, #tpu.memory_space<vmem>> -> memref<128xi32, #tpu.memory_space<vmem>>
    %dma_wait3A_59 = tpu.memref_slice %arg2[%add3A_55] : memref<204800xi32, #tpu.memory_space<hbm>> -> memref<128xi32, #tpu.memory_space<hbm>>
    %dma_wait3A_60 = arith.constant 0 : i32
    %dma_wait3A_61 = tpu.memref_slice %arg5[%dma_wait3A, %dma_wait3A_60] : memref<4x128xi32, #tpu.memory_space<vmem>> -> memref<1x128xi32, #tpu.memory_space<vmem>>
    %dma_wait3A_62 = tpu.memref_squeeze %dma_wait3A_61 : memref<1x128xi32, #tpu.memory_space<vmem>> -> memref<128xi32, #tpu.memory_space<vmem>>
    %dma_wait3A_63 = tpu.memref_slice %arg2[%add3A_55] : memref<204800xi32, #tpu.memory_space<hbm>> -> memref<128xi32, #tpu.memory_space<hbm>>
    tpu.wait_dma2 semaphore(%arg7 : memref<!tpu.dma_semaphore, #tpu.memory_space<semaphore_mem>>) src(%dma_wait3A_63 : memref<128xi32, #tpu.memory_space<hbm>>) dst(%dma_wait3A_62 : memref<128xi32, #tpu.memory_space<vmem>>)
    %dma_start3A_64 = arith.constant 0 : i32
    %dma_start3A_65 = arith.constant 0 : i32
    %dma_start3A_66 = arith.constant 0 : i32
    %dma_start3A_67 = arith.constant 0 : i32
    %dma_start3A_68 = tpu.memref_slice %arg6[%dma_start3A_65, %dma_start3A_66, %dma_start3A_67] : memref<4x128x128xf32, #tpu.memory_space<vmem>> -> memref<1x128x128xf32, #tpu.memory_space<vmem>>
    %dma_start3A_69 = tpu.memref_squeeze %dma_start3A_68 : memref<1x128x128xf32, #tpu.memory_space<vmem>> -> memref<128x128xf32, #tpu.memory_space<vmem>>
    %dma_start3A_70 = arith.constant 0 : i32
    %dma_start3A_71 = tpu.memref_slice %arg5[%dma_start3A_64, %dma_start3A_70] : memref<4x128xi32, #tpu.memory_space<vmem>> -> memref<1x128xi32, #tpu.memory_space<vmem>>
    %dma_start3A_72 = tpu.memref_squeeze %dma_start3A_71 : memref<1x128xi32, #tpu.memory_space<vmem>> -> memref<128xi32, #tpu.memory_space<vmem>>
    %dma_start3A_73 = arith.constant 0 : i32
    %dma_start3A_74 = arith.constant 0 : i32
    %dma_start3A_75 = tpu.memref_slice %arg3[%dma_start3A_73, %dma_start3A_74] : memref<1000064x128xf32, #tpu.memory_space<hbm>> -> memref<1000064x128xf32, #tpu.memory_space<hbm>>
    tpu.enqueue_indirect_dma source(%dma_start3A_75 : memref<1000064x128xf32, #tpu.memory_space<hbm>>) target(%dma_start3A_69 : memref<128x128xf32, #tpu.memory_space<vmem>>) offsets(%dma_start3A_72 : memref<128xi32, #tpu.memory_space<vmem>>) semaphore(%arg11 : memref<!tpu.dma_semaphore, #tpu.memory_space<semaphore_mem>>)
    %mul3A_76 = arith.constant 128 : i32
    %mul3A_77 = arith.muli %add3A, %mul3A_76 : i32
    %add3A_78 = arith.constant 4096 : i32
    %add3A_79 = arith.addi %add3A_78, %mul3A_77 : i32
    %dma_wait3A_80 = arith.constant 1 : i32
    %dma_wait3A_81 = arith.constant 0 : i32
    %dma_wait3A_82 = tpu.memref_slice %arg5[%dma_wait3A_80, %dma_wait3A_81] : memref<4x128xi32, #tpu.memory_space<vmem>> -> memref<1x128xi32, #tpu.memory_space<vmem>>
    %dma_wait3A_83 = tpu.memref_squeeze %dma_wait3A_82 : memref<1x128xi32, #tpu.memory_space<vmem>> -> memref<128xi32, #tpu.memory_space<vmem>>
    %dma_wait3A_84 = tpu.memref_slice %arg2[%add3A_79] : memref<204800xi32, #tpu.memory_space<hbm>> -> memref<128xi32, #tpu.memory_space<hbm>>
    %dma_wait3A_85 = arith.constant 0 : i32
    %dma_wait3A_86 = tpu.memref_slice %arg5[%dma_wait3A_80, %dma_wait3A_85] : memref<4x128xi32, #tpu.memory_space<vmem>> -> memref<1x128xi32, #tpu.memory_space<vmem>>
    %dma_wait3A_87 = tpu.memref_squeeze %dma_wait3A_86 : memref<1x128xi32, #tpu.memory_space<vmem>> -> memref<128xi32, #tpu.memory_space<vmem>>
    %dma_wait3A_88 = tpu.memref_slice %arg2[%add3A_79] : memref<204800xi32, #tpu.memory_space<hbm>> -> memref<128xi32, #tpu.memory_space<hbm>>
    tpu.wait_dma2 semaphore(%arg8 : memref<!tpu.dma_semaphore, #tpu.memory_space<semaphore_mem>>) src(%dma_wait3A_88 : memref<128xi32, #tpu.memory_space<hbm>>) dst(%dma_wait3A_87 : memref<128xi32, #tpu.memory_space<vmem>>)
    %dma_start3A_89 = arith.constant 1 : i32
    %dma_start3A_90 = arith.constant 1 : i32
    %dma_start3A_91 = arith.constant 0 : i32
    %dma_start3A_92 = arith.constant 0 : i32
    %dma_start3A_93 = tpu.memref_slice %arg6[%dma_start3A_90, %dma_start3A_91, %dma_start3A_92] : memref<4x128x128xf32, #tpu.memory_space<vmem>> -> memref<1x128x128xf32, #tpu.memory_space<vmem>>
    %dma_start3A_94 = tpu.memref_squeeze %dma_start3A_93 : memref<1x128x128xf32, #tpu.memory_space<vmem>> -> memref<128x128xf32, #tpu.memory_space<vmem>>
    %dma_start3A_95 = arith.constant 0 : i32
    %dma_start3A_96 = tpu.memref_slice %arg5[%dma_start3A_89, %dma_start3A_95] : memref<4x128xi32, #tpu.memory_space<vmem>> -> memref<1x128xi32, #tpu.memory_space<vmem>>
    %dma_start3A_97 = tpu.memref_squeeze %dma_start3A_96 : memref<1x128xi32, #tpu.memory_space<vmem>> -> memref<128xi32, #tpu.memory_space<vmem>>
    %dma_start3A_98 = arith.constant 0 : i32
    %dma_start3A_99 = arith.constant 0 : i32
    %dma_start3A_100 = tpu.memref_slice %arg3[%dma_start3A_98, %dma_start3A_99] : memref<1000064x128xf32, #tpu.memory_space<hbm>> -> memref<1000064x128xf32, #tpu.memory_space<hbm>>
    tpu.enqueue_indirect_dma source(%dma_start3A_100 : memref<1000064x128xf32, #tpu.memory_space<hbm>>) target(%dma_start3A_94 : memref<128x128xf32, #tpu.memory_space<vmem>>) offsets(%dma_start3A_97 : memref<128xi32, #tpu.memory_space<vmem>>) semaphore(%arg12 : memref<!tpu.dma_semaphore, #tpu.memory_space<semaphore_mem>>)
    %scan3A = arith.constant 0 : i32
    %scan3A_101 = arith.constant 0 : i32
    %scan3A_102 = arith.constant 25 : i32
    %scan3A_103 = arith.addi %scan3A_101, %scan3A_102 : i32
    %scan3A_104 = arith.constant 1 : i32
    scf.for %scan3A_142 = %scan3A_101 to %scan3A_103 step %scan3A_104  : i32 {
      %mul3A_143 = arith.constant 2 : i32
      %mul3A_144 = arith.muli %scan3A_142, %mul3A_143 : i32
      %rem3A = arith.constant 2 : i32
      %rem3A_145 = arith.remsi %scan3A_142, %rem3A : i32
      %eq3A = arith.constant 0 : i32
      %eq3A_146 = arith.cmpi eq, %rem3A_145, %eq3A : i32
      %convert_element_type3A = arith.extui %eq3A_146 : i1 to i32
      %cond3A = arith.constant 0 : i32
      %cond3A_147 = arith.cmpi ne, %convert_element_type3A, %cond3A : i32
      scf.if %cond3A_147 {
        %add3A_155 = arith.constant 0 : i32
        %add3A_156 = arith.addi %mul3A_144, %add3A_155 : i32
        %dma_wait3A_157 = arith.constant 0 : i32
        %dma_wait3A_158 = arith.constant 0 : i32
        %dma_wait3A_159 = arith.constant 0 : i32
        %dma_wait3A_160 = arith.constant 0 : i32
        %dma_wait3A_161 = tpu.memref_slice %arg6[%dma_wait3A_158, %dma_wait3A_159, %dma_wait3A_160] : memref<4x128x128xf32, #tpu.memory_space<vmem>> -> memref<1x128x128xf32, #tpu.memory_space<vmem>>
        %dma_wait3A_162 = tpu.memref_squeeze %dma_wait3A_161 : memref<1x128x128xf32, #tpu.memory_space<vmem>> -> memref<128x128xf32, #tpu.memory_space<vmem>>
        %dma_wait3A_163 = arith.constant 0 : i32
        %dma_wait3A_164 = tpu.memref_slice %arg5[%dma_wait3A_157, %dma_wait3A_163] : memref<4x128xi32, #tpu.memory_space<vmem>> -> memref<1x128xi32, #tpu.memory_space<vmem>>
        %dma_wait3A_165 = tpu.memref_squeeze %dma_wait3A_164 : memref<1x128xi32, #tpu.memory_space<vmem>> -> memref<128xi32, #tpu.memory_space<vmem>>
        %dma_wait3A_166 = arith.constant 0 : i32
        %dma_wait3A_167 = arith.constant 0 : i32
        %dma_wait3A_168 = tpu.memref_slice %arg3[%dma_wait3A_166, %dma_wait3A_167] : memref<1000064x128xf32, #tpu.memory_space<hbm>> -> memref<1000064x128xf32, #tpu.memory_space<hbm>>
        tpu.wait_indirect_dma semaphore(%arg11 : memref<!tpu.dma_semaphore, #tpu.memory_space<semaphore_mem>>) src(%dma_wait3A_168 : memref<1000064x128xf32, #tpu.memory_space<hbm>>) dst(%dma_wait3A_162 : memref<128x128xf32, #tpu.memory_space<vmem>>)
        %gt3A = arith.constant 0 : i32
        %gt3A_169 = arith.cmpi sgt, %scan3A_142, %gt3A : i32
        %convert_element_type3A_170 = arith.extui %gt3A_169 : i1 to i32
        %cond3A_171 = arith.constant 0 : i32
        %cond3A_172 = arith.cmpi ne, %convert_element_type3A_170, %cond3A_171 : i32
        scf.if %cond3A_172 {
          %sub3A = arith.constant 2 : i32
          %sub3A_245 = arith.subi %add3A_156, %sub3A : i32
          %mul3A_246 = arith.constant 128 : i32
          %mul3A_247 = arith.muli %add3A, %mul3A_246 : i32
          %dma_wait3A_248 = arith.constant 2 : i32
          %dma_wait3A_249 = arith.constant 0 : i32
          %dma_wait3A_250 = arith.constant 0 : i32
          %dma_wait3A_251 = tpu.memref_slice %arg6[%dma_wait3A_248, %dma_wait3A_249, %dma_wait3A_250] : memref<4x128x128xf32, #tpu.memory_space<vmem>> -> memref<1x128x128xf32, #tpu.memory_space<vmem>>
          %dma_wait3A_252 = tpu.memref_squeeze %dma_wait3A_251 : memref<1x128x128xf32, #tpu.memory_space<vmem>> -> memref<128x128xf32, #tpu.memory_space<vmem>>
          %dma_wait3A_253 = arith.constant 0 : i32
          %dma_wait3A_254 = tpu.memref_slice %arg4[%sub3A_245, %mul3A_247, %dma_wait3A_253] : memref<50x4096x128xf32, #tpu.memory_space<hbm>> -> memref<1x128x128xf32, #tpu.memory_space<hbm>>
          %dma_wait3A_255 = tpu.memref_squeeze %dma_wait3A_254 : memref<1x128x128xf32, #tpu.memory_space<hbm>> -> memref<128x128xf32, #tpu.memory_space<hbm>>
          %dma_wait3A_256 = arith.constant 0 : i32
          %dma_wait3A_257 = tpu.memref_slice %arg4[%sub3A_245, %mul3A_247, %dma_wait3A_256] : memref<50x4096x128xf32, #tpu.memory_space<hbm>> -> memref<1x128x128xf32, #tpu.memory_space<hbm>>
          %dma_wait3A_258 = tpu.memref_squeeze %dma_wait3A_257 : memref<1x128x128xf32, #tpu.memory_space<hbm>> -> memref<128x128xf32, #tpu.memory_space<hbm>>
          %dma_wait3A_259 = arith.constant 0 : i32
          %dma_wait3A_260 = arith.constant 0 : i32
          %dma_wait3A_261 = tpu.memref_slice %arg6[%dma_wait3A_248, %dma_wait3A_259, %dma_wait3A_260] : memref<4x128x128xf32, #tpu.memory_space<vmem>> -> memref<1x128x128xf32, #tpu.memory_space<vmem>>
          %dma_wait3A_262 = tpu.memref_squeeze %dma_wait3A_261 : memref<1x128x128xf32, #tpu.memory_space<vmem>> -> memref<128x128xf32, #tpu.memory_space<vmem>>
          tpu.wait_dma2 semaphore(%arg17 : memref<!tpu.dma_semaphore, #tpu.memory_space<semaphore_mem>>) src(%dma_wait3A_262 : memref<128x128xf32, #tpu.memory_space<vmem>>) dst(%dma_wait3A_258 : memref<128x128xf32, #tpu.memory_space<hbm>>)
        } else {
        }
        %mul3A_173 = arith.constant 128 : i32
        %mul3A_174 = arith.muli %add3A, %mul3A_173 : i32
        %dma_start3A_175 = arith.constant 0 : i32
        %dma_start3A_176 = arith.constant 0 : i32
        %dma_start3A_177 = arith.constant 0 : i32
        %dma_start3A_178 = tpu.memref_slice %arg6[%dma_start3A_175, %dma_start3A_176, %dma_start3A_177] : memref<4x128x128xf32, #tpu.memory_space<vmem>> -> memref<1x128x128xf32, #tpu.memory_space<vmem>>
        %dma_start3A_179 = tpu.memref_squeeze %dma_start3A_178 : memref<1x128x128xf32, #tpu.memory_space<vmem>> -> memref<128x128xf32, #tpu.memory_space<vmem>>
        %dma_start3A_180 = arith.constant 0 : i32
        %dma_start3A_181 = tpu.memref_slice %arg4[%add3A_156, %mul3A_174, %dma_start3A_180] : memref<50x4096x128xf32, #tpu.memory_space<hbm>> -> memref<1x128x128xf32, #tpu.memory_space<hbm>>
        %dma_start3A_182 = tpu.memref_squeeze %dma_start3A_181 : memref<1x128x128xf32, #tpu.memory_space<hbm>> -> memref<128x128xf32, #tpu.memory_space<hbm>>
        %dma_start3A_183 = arith.constant 0 : i32
        %dma_start3A_184 = tpu.memref_slice %arg4[%add3A_156, %mul3A_174, %dma_start3A_183] : memref<50x4096x128xf32, #tpu.memory_space<hbm>> -> memref<1x128x128xf32, #tpu.memory_space<hbm>>
        %dma_start3A_185 = tpu.memref_squeeze %dma_start3A_184 : memref<1x128x128xf32, #tpu.memory_space<hbm>> -> memref<128x128xf32, #tpu.memory_space<hbm>>
        %dma_start3A_186 = arith.constant 0 : i32
        %dma_start3A_187 = arith.constant 0 : i32
        %dma_start3A_188 = tpu.memref_slice %arg6[%dma_start3A_175, %dma_start3A_186, %dma_start3A_187] : memref<4x128x128xf32, #tpu.memory_space<vmem>> -> memref<1x128x128xf32, #tpu.memory_space<vmem>>
        %dma_start3A_189 = tpu.memref_squeeze %dma_start3A_188 : memref<1x128x128xf32, #tpu.memory_space<vmem>> -> memref<128x128xf32, #tpu.memory_space<vmem>>
        tpu.enqueue_dma source(%dma_start3A_189 : memref<128x128xf32, #tpu.memory_space<vmem>>) target(%dma_start3A_185 : memref<128x128xf32, #tpu.memory_space<hbm>>) target_semaphore(%arg15 : memref<!tpu.dma_semaphore, #tpu.memory_space<semaphore_mem>>)
        %lt3A = arith.constant 24 : i32
        %lt3A_190 = arith.cmpi slt, %scan3A_142, %lt3A : i32
        %convert_element_type3A_191 = arith.extui %lt3A_190 : i1 to i32
        %cond3A_192 = arith.constant 0 : i32
        %cond3A_193 = arith.cmpi ne, %convert_element_type3A_191, %cond3A_192 : i32
        scf.if %cond3A_193 {
          %add3A_245 = arith.constant 2 : i32
          %add3A_246 = arith.addi %add3A_156, %add3A_245 : i32
          %mul3A_247 = arith.constant 4096 : i32
          %mul3A_248 = arith.muli %add3A_246, %mul3A_247 : i32
          %mul3A_249 = arith.constant 128 : i32
          %mul3A_250 = arith.muli %add3A, %mul3A_249 : i32
          %add3A_251 = arith.addi %mul3A_248, %mul3A_250 : i32
          %dma_wait3A_252 = arith.constant 2 : i32
          %dma_wait3A_253 = arith.constant 0 : i32
          %dma_wait3A_254 = tpu.memref_slice %arg5[%dma_wait3A_252, %dma_wait3A_253] : memref<4x128xi32, #tpu.memory_space<vmem>> -> memref<1x128xi32, #tpu.memory_space<vmem>>
          %dma_wait3A_255 = tpu.memref_squeeze %dma_wait3A_254 : memref<1x128xi32, #tpu.memory_space<vmem>> -> memref<128xi32, #tpu.memory_space<vmem>>
          %dma_wait3A_256 = tpu.memref_slice %arg2[%add3A_251] : memref<204800xi32, #tpu.memory_space<hbm>> -> memref<128xi32, #tpu.memory_space<hbm>>
          %dma_wait3A_257 = arith.constant 0 : i32
          %dma_wait3A_258 = tpu.memref_slice %arg5[%dma_wait3A_252, %dma_wait3A_257] : memref<4x128xi32, #tpu.memory_space<vmem>> -> memref<1x128xi32, #tpu.memory_space<vmem>>
          %dma_wait3A_259 = tpu.memref_squeeze %dma_wait3A_258 : memref<1x128xi32, #tpu.memory_space<vmem>> -> memref<128xi32, #tpu.memory_space<vmem>>
          %dma_wait3A_260 = tpu.memref_slice %arg2[%add3A_251] : memref<204800xi32, #tpu.memory_space<hbm>> -> memref<128xi32, #tpu.memory_space<hbm>>
          tpu.wait_dma2 semaphore(%arg9 : memref<!tpu.dma_semaphore, #tpu.memory_space<semaphore_mem>>) src(%dma_wait3A_260 : memref<128xi32, #tpu.memory_space<hbm>>) dst(%dma_wait3A_259 : memref<128xi32, #tpu.memory_space<vmem>>)
          %dma_start3A_261 = arith.constant 2 : i32
          %dma_start3A_262 = arith.constant 2 : i32
          %dma_start3A_263 = arith.constant 0 : i32
          %dma_start3A_264 = arith.constant 0 : i32
          %dma_start3A_265 = tpu.memref_slice %arg6[%dma_start3A_262, %dma_start3A_263, %dma_start3A_264] : memref<4x128x128xf32, #tpu.memory_space<vmem>> -> memref<1x128x128xf32, #tpu.memory_space<vmem>>
          %dma_start3A_266 = tpu.memref_squeeze %dma_start3A_265 : memref<1x128x128xf32, #tpu.memory_space<vmem>> -> memref<128x128xf32, #tpu.memory_space<vmem>>
          %dma_start3A_267 = arith.constant 0 : i32
          %dma_start3A_268 = tpu.memref_slice %arg5[%dma_start3A_261, %dma_start3A_267] : memref<4x128xi32, #tpu.memory_space<vmem>> -> memref<1x128xi32, #tpu.memory_space<vmem>>
          %dma_start3A_269 = tpu.memref_squeeze %dma_start3A_268 : memref<1x128xi32, #tpu.memory_space<vmem>> -> memref<128xi32, #tpu.memory_space<vmem>>
          %dma_start3A_270 = arith.constant 0 : i32
          %dma_start3A_271 = arith.constant 0 : i32
          %dma_start3A_272 = tpu.memref_slice %arg3[%dma_start3A_270, %dma_start3A_271] : memref<1000064x128xf32, #tpu.memory_space<hbm>> -> memref<1000064x128xf32, #tpu.memory_space<hbm>>
          tpu.enqueue_indirect_dma source(%dma_start3A_272 : memref<1000064x128xf32, #tpu.memory_space<hbm>>) target(%dma_start3A_266 : memref<128x128xf32, #tpu.memory_space<vmem>>) offsets(%dma_start3A_269 : memref<128xi32, #tpu.memory_space<vmem>>) semaphore(%arg13 : memref<!tpu.dma_semaphore, #tpu.memory_space<semaphore_mem>>)
        } else {
        }
        %lt3A_194 = arith.constant 23 : i32
        %lt3A_195 = arith.cmpi slt, %scan3A_142, %lt3A_194 : i32
        %convert_element_type3A_196 = arith.extui %lt3A_195 : i1 to i32
        %cond3A_197 = arith.constant 0 : i32
        %cond3A_198 = arith.cmpi ne, %convert_element_type3A_196, %cond3A_197 : i32
        scf.if %cond3A_198 {
          %add3A_245 = arith.constant 4 : i32
          %add3A_246 = arith.addi %add3A_156, %add3A_245 : i32
          %mul3A_247 = arith.constant 4096 : i32
          %mul3A_248 = arith.muli %add3A_246, %mul3A_247 : i32
          %mul3A_249 = arith.constant 128 : i32
          %mul3A_250 = arith.muli %add3A, %mul3A_249 : i32
          %add3A_251 = arith.addi %mul3A_248, %mul3A_250 : i32
          %dma_start3A_252 = arith.constant 0 : i32
          %dma_start3A_253 = arith.constant 0 : i32
          %dma_start3A_254 = tpu.memref_slice %arg5[%dma_start3A_252, %dma_start3A_253] : memref<4x128xi32, #tpu.memory_space<vmem>> -> memref<1x128xi32, #tpu.memory_space<vmem>>
          %dma_start3A_255 = tpu.memref_squeeze %dma_start3A_254 : memref<1x128xi32, #tpu.memory_space<vmem>> -> memref<128xi32, #tpu.memory_space<vmem>>
          %dma_start3A_256 = tpu.memref_slice %arg2[%add3A_251] : memref<204800xi32, #tpu.memory_space<hbm>> -> memref<128xi32, #tpu.memory_space<hbm>>
          %dma_start3A_257 = arith.constant 0 : i32
          %dma_start3A_258 = tpu.memref_slice %arg5[%dma_start3A_252, %dma_start3A_257] : memref<4x128xi32, #tpu.memory_space<vmem>> -> memref<1x128xi32, #tpu.memory_space<vmem>>
          %dma_start3A_259 = tpu.memref_squeeze %dma_start3A_258 : memref<1x128xi32, #tpu.memory_space<vmem>> -> memref<128xi32, #tpu.memory_space<vmem>>
          %dma_start3A_260 = tpu.memref_slice %arg2[%add3A_251] : memref<204800xi32, #tpu.memory_space<hbm>> -> memref<128xi32, #tpu.memory_space<hbm>>
          tpu.enqueue_dma source(%dma_start3A_260 : memref<128xi32, #tpu.memory_space<hbm>>) target(%dma_start3A_259 : memref<128xi32, #tpu.memory_space<vmem>>) target_semaphore(%arg7 : memref<!tpu.dma_semaphore, #tpu.memory_space<semaphore_mem>>)
        } else {
        }
        %add3A_199 = arith.constant 1 : i32
        %add3A_200 = arith.addi %mul3A_144, %add3A_199 : i32
        %dma_wait3A_201 = arith.constant 1 : i32
        %dma_wait3A_202 = arith.constant 1 : i32
        %dma_wait3A_203 = arith.constant 0 : i32
        %dma_wait3A_204 = arith.constant 0 : i32
        %dma_wait3A_205 = tpu.memref_slice %arg6[%dma_wait3A_202, %dma_wait3A_203, %dma_wait3A_204] : memref<4x128x128xf32, #tpu.memory_space<vmem>> -> memref<1x128x128xf32, #tpu.memory_space<vmem>>
        %dma_wait3A_206 = tpu.memref_squeeze %dma_wait3A_205 : memref<1x128x128xf32, #tpu.memory_space<vmem>> -> memref<128x128xf32, #tpu.memory_space<vmem>>
        %dma_wait3A_207 = arith.constant 0 : i32
        %dma_wait3A_208 = tpu.memref_slice %arg5[%dma_wait3A_201, %dma_wait3A_207] : memref<4x128xi32, #tpu.memory_space<vmem>> -> memref<1x128xi32, #tpu.memory_space<vmem>>
        %dma_wait3A_209 = tpu.memref_squeeze %dma_wait3A_208 : memref<1x128xi32, #tpu.memory_space<vmem>> -> memref<128xi32, #tpu.memory_space<vmem>>
        %dma_wait3A_210 = arith.constant 0 : i32
        %dma_wait3A_211 = arith.constant 0 : i32
        %dma_wait3A_212 = tpu.memref_slice %arg3[%dma_wait3A_210, %dma_wait3A_211] : memref<1000064x128xf32, #tpu.memory_space<hbm>> -> memref<1000064x128xf32, #tpu.memory_space<hbm>>
        tpu.wait_indirect_dma semaphore(%arg12 : memref<!tpu.dma_semaphore, #tpu.memory_space<semaphore_mem>>) src(%dma_wait3A_212 : memref<1000064x128xf32, #tpu.memory_space<hbm>>) dst(%dma_wait3A_206 : memref<128x128xf32, #tpu.memory_space<vmem>>)
        %gt3A_213 = arith.constant 0 : i32
        %gt3A_214 = arith.cmpi sgt, %scan3A_142, %gt3A_213 : i32
        %convert_element_type3A_215 = arith.extui %gt3A_214 : i1 to i32
        %cond3A_216 = arith.constant 0 : i32
        %cond3A_217 = arith.cmpi ne, %convert_element_type3A_215, %cond3A_216 : i32
        scf.if %cond3A_217 {
          %sub3A = arith.constant 2 : i32
          %sub3A_245 = arith.subi %add3A_200, %sub3A : i32
          %mul3A_246 = arith.constant 128 : i32
          %mul3A_247 = arith.muli %add3A, %mul3A_246 : i32
          %dma_wait3A_248 = arith.constant 3 : i32
          %dma_wait3A_249 = arith.constant 0 : i32
          %dma_wait3A_250 = arith.constant 0 : i32
          %dma_wait3A_251 = tpu.memref_slice %arg6[%dma_wait3A_248, %dma_wait3A_249, %dma_wait3A_250] : memref<4x128x128xf32, #tpu.memory_space<vmem>> -> memref<1x128x128xf32, #tpu.memory_space<vmem>>
          %dma_wait3A_252 = tpu.memref_squeeze %dma_wait3A_251 : memref<1x128x128xf32, #tpu.memory_space<vmem>> -> memref<128x128xf32, #tpu.memory_space<vmem>>
          %dma_wait3A_253 = arith.constant 0 : i32
          %dma_wait3A_254 = tpu.memref_slice %arg4[%sub3A_245, %mul3A_247, %dma_wait3A_253] : memref<50x4096x128xf32, #tpu.memory_space<hbm>> -> memref<1x128x128xf32, #tpu.memory_space<hbm>>
          %dma_wait3A_255 = tpu.memref_squeeze %dma_wait3A_254 : memref<1x128x128xf32, #tpu.memory_space<hbm>> -> memref<128x128xf32, #tpu.memory_space<hbm>>
          %dma_wait3A_256 = arith.constant 0 : i32
          %dma_wait3A_257 = tpu.memref_slice %arg4[%sub3A_245, %mul3A_247, %dma_wait3A_256] : memref<50x4096x128xf32, #tpu.memory_space<hbm>> -> memref<1x128x128xf32, #tpu.memory_space<hbm>>
          %dma_wait3A_258 = tpu.memref_squeeze %dma_wait3A_257 : memref<1x128x128xf32, #tpu.memory_space<hbm>> -> memref<128x128xf32, #tpu.memory_space<hbm>>
          %dma_wait3A_259 = arith.constant 0 : i32
          %dma_wait3A_260 = arith.constant 0 : i32
          %dma_wait3A_261 = tpu.memref_slice %arg6[%dma_wait3A_248, %dma_wait3A_259, %dma_wait3A_260] : memref<4x128x128xf32, #tpu.memory_space<vmem>> -> memref<1x128x128xf32, #tpu.memory_space<vmem>>
          %dma_wait3A_262 = tpu.memref_squeeze %dma_wait3A_261 : memref<1x128x128xf32, #tpu.memory_space<vmem>> -> memref<128x128xf32, #tpu.memory_space<vmem>>
          tpu.wait_dma2 semaphore(%arg18 : memref<!tpu.dma_semaphore, #tpu.memory_space<semaphore_mem>>) src(%dma_wait3A_262 : memref<128x128xf32, #tpu.memory_space<vmem>>) dst(%dma_wait3A_258 : memref<128x128xf32, #tpu.memory_space<hbm>>)
        } else {
        }
        %mul3A_218 = arith.constant 128 : i32
        %mul3A_219 = arith.muli %add3A, %mul3A_218 : i32
        %dma_start3A_220 = arith.constant 1 : i32
        %dma_start3A_221 = arith.constant 0 : i32
        %dma_start3A_222 = arith.constant 0 : i32
        %dma_start3A_223 = tpu.memref_slice %arg6[%dma_start3A_220, %dma_start3A_221, %dma_start3A_222] : memref<4x128x128xf32, #tpu.memory_space<vmem>> -> memref<1x128x128xf32, #tpu.memory_space<vmem>>
        %dma_start3A_224 = tpu.memref_squeeze %dma_start3A_223 : memref<1x128x128xf32, #tpu.memory_space<vmem>> -> memref<128x128xf32, #tpu.memory_space<vmem>>
        %dma_start3A_225 = arith.constant 0 : i32
        %dma_start3A_226 = tpu.memref_slice %arg4[%add3A_200, %mul3A_219, %dma_start3A_225] : memref<50x4096x128xf32, #tpu.memory_space<hbm>> -> memref<1x128x128xf32, #tpu.memory_space<hbm>>
        %dma_start3A_227 = tpu.memref_squeeze %dma_start3A_226 : memref<1x128x128xf32, #tpu.memory_space<hbm>> -> memref<128x128xf32, #tpu.memory_space<hbm>>
        %dma_start3A_228 = arith.constant 0 : i32
        %dma_start3A_229 = tpu.memref_slice %arg4[%add3A_200, %mul3A_219, %dma_start3A_228] : memref<50x4096x128xf32, #tpu.memory_space<hbm>> -> memref<1x128x128xf32, #tpu.memory_space<hbm>>
        %dma_start3A_230 = tpu.memref_squeeze %dma_start3A_229 : memref<1x128x128xf32, #tpu.memory_space<hbm>> -> memref<128x128xf32, #tpu.memory_space<hbm>>
        %dma_start3A_231 = arith.constant 0 : i32
        %dma_start3A_232 = arith.constant 0 : i32
        %dma_start3A_233 = tpu.memref_slice %arg6[%dma_start3A_220, %dma_start3A_231, %dma_start3A_232] : memref<4x128x128xf32, #tpu.memory_space<vmem>> -> memref<1x128x128xf32, #tpu.memory_space<vmem>>
        %dma_start3A_234 = tpu.memref_squeeze %dma_start3A_233 : memref<1x128x128xf32, #tpu.memory_space<vmem>> -> memref<128x128xf32, #tpu.memory_space<vmem>>
        tpu.enqueue_dma source(%dma_start3A_234 : memref<128x128xf32, #tpu.memory_space<vmem>>) target(%dma_start3A_230 : memref<128x128xf32, #tpu.memory_space<hbm>>) target_semaphore(%arg16 : memref<!tpu.dma_semaphore, #tpu.memory_space<semaphore_mem>>)
        %lt3A_235 = arith.constant 24 : i32
        %lt3A_236 = arith.cmpi slt, %scan3A_142, %lt3A_235 : i32
        %convert_element_type3A_237 = arith.extui %lt3A_236 : i1 to i32
        %cond3A_238 = arith.constant 0 : i32
        %cond3A_239 = arith.cmpi ne, %convert_element_type3A_237, %cond3A_238 : i32
        scf.if %cond3A_239 {
          %add3A_245 = arith.constant 2 : i32
          %add3A_246 = arith.addi %add3A_200, %add3A_245 : i32
          %mul3A_247 = arith.constant 4096 : i32
          %mul3A_248 = arith.muli %add3A_246, %mul3A_247 : i32
          %mul3A_249 = arith.constant 128 : i32
          %mul3A_250 = arith.muli %add3A, %mul3A_249 : i32
          %add3A_251 = arith.addi %mul3A_248, %mul3A_250 : i32
          %dma_wait3A_252 = arith.constant 3 : i32
          %dma_wait3A_253 = arith.constant 0 : i32
          %dma_wait3A_254 = tpu.memref_slice %arg5[%dma_wait3A_252, %dma_wait3A_253] : memref<4x128xi32, #tpu.memory_space<vmem>> -> memref<1x128xi32, #tpu.memory_space<vmem>>
          %dma_wait3A_255 = tpu.memref_squeeze %dma_wait3A_254 : memref<1x128xi32, #tpu.memory_space<vmem>> -> memref<128xi32, #tpu.memory_space<vmem>>
          %dma_wait3A_256 = tpu.memref_slice %arg2[%add3A_251] : memref<204800xi32, #tpu.memory_space<hbm>> -> memref<128xi32, #tpu.memory_space<hbm>>
          %dma_wait3A_257 = arith.constant 0 : i32
          %dma_wait3A_258 = tpu.memref_slice %arg5[%dma_wait3A_252, %dma_wait3A_257] : memref<4x128xi32, #tpu.memory_space<vmem>> -> memref<1x128xi32, #tpu.memory_space<vmem>>
          %dma_wait3A_259 = tpu.memref_squeeze %dma_wait3A_258 : memref<1x128xi32, #tpu.memory_space<vmem>> -> memref<128xi32, #tpu.memory_space<vmem>>
          %dma_wait3A_260 = tpu.memref_slice %arg2[%add3A_251] : memref<204800xi32, #tpu.memory_space<hbm>> -> memref<128xi32, #tpu.memory_space<hbm>>
          tpu.wait_dma2 semaphore(%arg10 : memref<!tpu.dma_semaphore, #tpu.memory_space<semaphore_mem>>) src(%dma_wait3A_260 : memref<128xi32, #tpu.memory_space<hbm>>) dst(%dma_wait3A_259 : memref<128xi32, #tpu.memory_space<vmem>>)
          %dma_start3A_261 = arith.constant 3 : i32
          %dma_start3A_262 = arith.constant 3 : i32
          %dma_start3A_263 = arith.constant 0 : i32
          %dma_start3A_264 = arith.constant 0 : i32
          %dma_start3A_265 = tpu.memref_slice %arg6[%dma_start3A_262, %dma_start3A_263, %dma_start3A_264] : memref<4x128x128xf32, #tpu.memory_space<vmem>> -> memref<1x128x128xf32, #tpu.memory_space<vmem>>
          %dma_start3A_266 = tpu.memref_squeeze %dma_start3A_265 : memref<1x128x128xf32, #tpu.memory_space<vmem>> -> memref<128x128xf32, #tpu.memory_space<vmem>>
          %dma_start3A_267 = arith.constant 0 : i32
          %dma_start3A_268 = tpu.memref_slice %arg5[%dma_start3A_261, %dma_start3A_267] : memref<4x128xi32, #tpu.memory_space<vmem>> -> memref<1x128xi32, #tpu.memory_space<vmem>>
          %dma_start3A_269 = tpu.memref_squeeze %dma_start3A_268 : memref<1x128xi32, #tpu.memory_space<vmem>> -> memref<128xi32, #tpu.memory_space<vmem>>
          %dma_start3A_270 = arith.constant 0 : i32
          %dma_start3A_271 = arith.constant 0 : i32
          %dma_start3A_272 = tpu.memref_slice %arg3[%dma_start3A_270, %dma_start3A_271] : memref<1000064x128xf32, #tpu.memory_space<hbm>> -> memref<1000064x128xf32, #tpu.memory_space<hbm>>
          tpu.enqueue_indirect_dma source(%dma_start3A_272 : memref<1000064x128xf32, #tpu.memory_space<hbm>>) target(%dma_start3A_266 : memref<128x128xf32, #tpu.memory_space<vmem>>) offsets(%dma_start3A_269 : memref<128xi32, #tpu.memory_space<vmem>>) semaphore(%arg14 : memref<!tpu.dma_semaphore, #tpu.memory_space<semaphore_mem>>)
        } else {
        }
        %lt3A_240 = arith.constant 23 : i32
        %lt3A_241 = arith.cmpi slt, %scan3A_142, %lt3A_240 : i32
        %convert_element_type3A_242 = arith.extui %lt3A_241 : i1 to i32
        %cond3A_243 = arith.constant 0 : i32
        %cond3A_244 = arith.cmpi ne, %convert_element_type3A_242, %cond3A_243 : i32
        scf.if %cond3A_244 {
          %add3A_245 = arith.constant 4 : i32
          %add3A_246 = arith.addi %add3A_200, %add3A_245 : i32
          %mul3A_247 = arith.constant 4096 : i32
          %mul3A_248 = arith.muli %add3A_246, %mul3A_247 : i32
          %mul3A_249 = arith.constant 128 : i32
          %mul3A_250 = arith.muli %add3A, %mul3A_249 : i32
          %add3A_251 = arith.addi %mul3A_248, %mul3A_250 : i32
          %dma_start3A_252 = arith.constant 1 : i32
          %dma_start3A_253 = arith.constant 0 : i32
          %dma_start3A_254 = tpu.memref_slice %arg5[%dma_start3A_252, %dma_start3A_253] : memref<4x128xi32, #tpu.memory_space<vmem>> -> memref<1x128xi32, #tpu.memory_space<vmem>>
          %dma_start3A_255 = tpu.memref_squeeze %dma_start3A_254 : memref<1x128xi32, #tpu.memory_space<vmem>> -> memref<128xi32, #tpu.memory_space<vmem>>
          %dma_start3A_256 = tpu.memref_slice %arg2[%add3A_251] : memref<204800xi32, #tpu.memory_space<hbm>> -> memref<128xi32, #tpu.memory_space<hbm>>
          %dma_start3A_257 = arith.constant 0 : i32
          %dma_start3A_258 = tpu.memref_slice %arg5[%dma_start3A_252, %dma_start3A_257] : memref<4x128xi32, #tpu.memory_space<vmem>> -> memref<1x128xi32, #tpu.memory_space<vmem>>
          %dma_start3A_259 = tpu.memref_squeeze %dma_start3A_258 : memref<1x128xi32, #tpu.memory_space<vmem>> -> memref<128xi32, #tpu.memory_space<vmem>>
          %dma_start3A_260 = tpu.memref_slice %arg2[%add3A_251] : memref<204800xi32, #tpu.memory_space<hbm>> -> memref<128xi32, #tpu.memory_space<hbm>>
          tpu.enqueue_dma source(%dma_start3A_260 : memref<128xi32, #tpu.memory_space<hbm>>) target(%dma_start3A_259 : memref<128xi32, #tpu.memory_space<vmem>>) target_semaphore(%arg8 : memref<!tpu.dma_semaphore, #tpu.memory_space<semaphore_mem>>)
        } else {
        }
      } else {
      }
      %rem3A_148 = arith.constant 2 : i32
      %rem3A_149 = arith.remsi %scan3A_142, %rem3A_148 : i32
      %eq3A_150 = arith.constant 1 : i32
      %eq3A_151 = arith.cmpi eq, %rem3A_149, %eq3A_150 : i32
      %convert_element_type3A_152 = arith.extui %eq3A_151 : i1 to i32
      %cond3A_153 = arith.constant 0 : i32
      %cond3A_154 = arith.cmpi ne, %convert_element_type3A_152, %cond3A_153 : i32
      scf.if %cond3A_154 {
        %add3A_155 = arith.constant 0 : i32
        %add3A_156 = arith.addi %mul3A_144, %add3A_155 : i32
        %dma_wait3A_157 = arith.constant 2 : i32
        %dma_wait3A_158 = arith.constant 2 : i32
        %dma_wait3A_159 = arith.constant 0 : i32
        %dma_wait3A_160 = arith.constant 0 : i32
        %dma_wait3A_161 = tpu.memref_slice %arg6[%dma_wait3A_158, %dma_wait3A_159, %dma_wait3A_160] : memref<4x128x128xf32, #tpu.memory_space<vmem>> -> memref<1x128x128xf32, #tpu.memory_space<vmem>>
        %dma_wait3A_162 = tpu.memref_squeeze %dma_wait3A_161 : memref<1x128x128xf32, #tpu.memory_space<vmem>> -> memref<128x128xf32, #tpu.memory_space<vmem>>
        %dma_wait3A_163 = arith.constant 0 : i32
        %dma_wait3A_164 = tpu.memref_slice %arg5[%dma_wait3A_157, %dma_wait3A_163] : memref<4x128xi32, #tpu.memory_space<vmem>> -> memref<1x128xi32, #tpu.memory_space<vmem>>
        %dma_wait3A_165 = tpu.memref_squeeze %dma_wait3A_164 : memref<1x128xi32, #tpu.memory_space<vmem>> -> memref<128xi32, #tpu.memory_space<vmem>>
        %dma_wait3A_166 = arith.constant 0 : i32
        %dma_wait3A_167 = arith.constant 0 : i32
        %dma_wait3A_168 = tpu.memref_slice %arg3[%dma_wait3A_166, %dma_wait3A_167] : memref<1000064x128xf32, #tpu.memory_space<hbm>> -> memref<1000064x128xf32, #tpu.memory_space<hbm>>
        tpu.wait_indirect_dma semaphore(%arg13 : memref<!tpu.dma_semaphore, #tpu.memory_space<semaphore_mem>>) src(%dma_wait3A_168 : memref<1000064x128xf32, #tpu.memory_space<hbm>>) dst(%dma_wait3A_162 : memref<128x128xf32, #tpu.memory_space<vmem>>)
        %gt3A = arith.constant 0 : i32
        %gt3A_169 = arith.cmpi sgt, %scan3A_142, %gt3A : i32
        %convert_element_type3A_170 = arith.extui %gt3A_169 : i1 to i32
        %cond3A_171 = arith.constant 0 : i32
        %cond3A_172 = arith.cmpi ne, %convert_element_type3A_170, %cond3A_171 : i32
        scf.if %cond3A_172 {
          %sub3A = arith.constant 2 : i32
          %sub3A_245 = arith.subi %add3A_156, %sub3A : i32
          %mul3A_246 = arith.constant 128 : i32
          %mul3A_247 = arith.muli %add3A, %mul3A_246 : i32
          %dma_wait3A_248 = arith.constant 0 : i32
          %dma_wait3A_249 = arith.constant 0 : i32
          %dma_wait3A_250 = arith.constant 0 : i32
          %dma_wait3A_251 = tpu.memref_slice %arg6[%dma_wait3A_248, %dma_wait3A_249, %dma_wait3A_250] : memref<4x128x128xf32, #tpu.memory_space<vmem>> -> memref<1x128x128xf32, #tpu.memory_space<vmem>>
          %dma_wait3A_252 = tpu.memref_squeeze %dma_wait3A_251 : memref<1x128x128xf32, #tpu.memory_space<vmem>> -> memref<128x128xf32, #tpu.memory_space<vmem>>
          %dma_wait3A_253 = arith.constant 0 : i32
          %dma_wait3A_254 = tpu.memref_slice %arg4[%sub3A_245, %mul3A_247, %dma_wait3A_253] : memref<50x4096x128xf32, #tpu.memory_space<hbm>> -> memref<1x128x128xf32, #tpu.memory_space<hbm>>
          %dma_wait3A_255 = tpu.memref_squeeze %dma_wait3A_254 : memref<1x128x128xf32, #tpu.memory_space<hbm>> -> memref<128x128xf32, #tpu.memory_space<hbm>>
          %dma_wait3A_256 = arith.constant 0 : i32
          %dma_wait3A_257 = tpu.memref_slice %arg4[%sub3A_245, %mul3A_247, %dma_wait3A_256] : memref<50x4096x128xf32, #tpu.memory_space<hbm>> -> memref<1x128x128xf32, #tpu.memory_space<hbm>>
          %dma_wait3A_258 = tpu.memref_squeeze %dma_wait3A_257 : memref<1x128x128xf32, #tpu.memory_space<hbm>> -> memref<128x128xf32, #tpu.memory_space<hbm>>
          %dma_wait3A_259 = arith.constant 0 : i32
          %dma_wait3A_260 = arith.constant 0 : i32
          %dma_wait3A_261 = tpu.memref_slice %arg6[%dma_wait3A_248, %dma_wait3A_259, %dma_wait3A_260] : memref<4x128x128xf32, #tpu.memory_space<vmem>> -> memref<1x128x128xf32, #tpu.memory_space<vmem>>
          %dma_wait3A_262 = tpu.memref_squeeze %dma_wait3A_261 : memref<1x128x128xf32, #tpu.memory_space<vmem>> -> memref<128x128xf32, #tpu.memory_space<vmem>>
          tpu.wait_dma2 semaphore(%arg15 : memref<!tpu.dma_semaphore, #tpu.memory_space<semaphore_mem>>) src(%dma_wait3A_262 : memref<128x128xf32, #tpu.memory_space<vmem>>) dst(%dma_wait3A_258 : memref<128x128xf32, #tpu.memory_space<hbm>>)
        } else {
        }
        %mul3A_173 = arith.constant 128 : i32
        %mul3A_174 = arith.muli %add3A, %mul3A_173 : i32
        %dma_start3A_175 = arith.constant 2 : i32
        %dma_start3A_176 = arith.constant 0 : i32
        %dma_start3A_177 = arith.constant 0 : i32
        %dma_start3A_178 = tpu.memref_slice %arg6[%dma_start3A_175, %dma_start3A_176, %dma_start3A_177] : memref<4x128x128xf32, #tpu.memory_space<vmem>> -> memref<1x128x128xf32, #tpu.memory_space<vmem>>
        %dma_start3A_179 = tpu.memref_squeeze %dma_start3A_178 : memref<1x128x128xf32, #tpu.memory_space<vmem>> -> memref<128x128xf32, #tpu.memory_space<vmem>>
        %dma_start3A_180 = arith.constant 0 : i32
        %dma_start3A_181 = tpu.memref_slice %arg4[%add3A_156, %mul3A_174, %dma_start3A_180] : memref<50x4096x128xf32, #tpu.memory_space<hbm>> -> memref<1x128x128xf32, #tpu.memory_space<hbm>>
        %dma_start3A_182 = tpu.memref_squeeze %dma_start3A_181 : memref<1x128x128xf32, #tpu.memory_space<hbm>> -> memref<128x128xf32, #tpu.memory_space<hbm>>
        %dma_start3A_183 = arith.constant 0 : i32
        %dma_start3A_184 = tpu.memref_slice %arg4[%add3A_156, %mul3A_174, %dma_start3A_183] : memref<50x4096x128xf32, #tpu.memory_space<hbm>> -> memref<1x128x128xf32, #tpu.memory_space<hbm>>
        %dma_start3A_185 = tpu.memref_squeeze %dma_start3A_184 : memref<1x128x128xf32, #tpu.memory_space<hbm>> -> memref<128x128xf32, #tpu.memory_space<hbm>>
        %dma_start3A_186 = arith.constant 0 : i32
        %dma_start3A_187 = arith.constant 0 : i32
        %dma_start3A_188 = tpu.memref_slice %arg6[%dma_start3A_175, %dma_start3A_186, %dma_start3A_187] : memref<4x128x128xf32, #tpu.memory_space<vmem>> -> memref<1x128x128xf32, #tpu.memory_space<vmem>>
        %dma_start3A_189 = tpu.memref_squeeze %dma_start3A_188 : memref<1x128x128xf32, #tpu.memory_space<vmem>> -> memref<128x128xf32, #tpu.memory_space<vmem>>
        tpu.enqueue_dma source(%dma_start3A_189 : memref<128x128xf32, #tpu.memory_space<vmem>>) target(%dma_start3A_185 : memref<128x128xf32, #tpu.memory_space<hbm>>) target_semaphore(%arg17 : memref<!tpu.dma_semaphore, #tpu.memory_space<semaphore_mem>>)
        %lt3A = arith.constant 24 : i32
        %lt3A_190 = arith.cmpi slt, %scan3A_142, %lt3A : i32
        %convert_element_type3A_191 = arith.extui %lt3A_190 : i1 to i32
        %cond3A_192 = arith.constant 0 : i32
        %cond3A_193 = arith.cmpi ne, %convert_element_type3A_191, %cond3A_192 : i32
        scf.if %cond3A_193 {
          %add3A_245 = arith.constant 2 : i32
          %add3A_246 = arith.addi %add3A_156, %add3A_245 : i32
          %mul3A_247 = arith.constant 4096 : i32
          %mul3A_248 = arith.muli %add3A_246, %mul3A_247 : i32
          %mul3A_249 = arith.constant 128 : i32
          %mul3A_250 = arith.muli %add3A, %mul3A_249 : i32
          %add3A_251 = arith.addi %mul3A_248, %mul3A_250 : i32
          %dma_wait3A_252 = arith.constant 0 : i32
          %dma_wait3A_253 = arith.constant 0 : i32
          %dma_wait3A_254 = tpu.memref_slice %arg5[%dma_wait3A_252, %dma_wait3A_253] : memref<4x128xi32, #tpu.memory_space<vmem>> -> memref<1x128xi32, #tpu.memory_space<vmem>>
          %dma_wait3A_255 = tpu.memref_squeeze %dma_wait3A_254 : memref<1x128xi32, #tpu.memory_space<vmem>> -> memref<128xi32, #tpu.memory_space<vmem>>
          %dma_wait3A_256 = tpu.memref_slice %arg2[%add3A_251] : memref<204800xi32, #tpu.memory_space<hbm>> -> memref<128xi32, #tpu.memory_space<hbm>>
          %dma_wait3A_257 = arith.constant 0 : i32
          %dma_wait3A_258 = tpu.memref_slice %arg5[%dma_wait3A_252, %dma_wait3A_257] : memref<4x128xi32, #tpu.memory_space<vmem>> -> memref<1x128xi32, #tpu.memory_space<vmem>>
          %dma_wait3A_259 = tpu.memref_squeeze %dma_wait3A_258 : memref<1x128xi32, #tpu.memory_space<vmem>> -> memref<128xi32, #tpu.memory_space<vmem>>
          %dma_wait3A_260 = tpu.memref_slice %arg2[%add3A_251] : memref<204800xi32, #tpu.memory_space<hbm>> -> memref<128xi32, #tpu.memory_space<hbm>>
          tpu.wait_dma2 semaphore(%arg7 : memref<!tpu.dma_semaphore, #tpu.memory_space<semaphore_mem>>) src(%dma_wait3A_260 : memref<128xi32, #tpu.memory_space<hbm>>) dst(%dma_wait3A_259 : memref<128xi32, #tpu.memory_space<vmem>>)
          %dma_start3A_261 = arith.constant 0 : i32
          %dma_start3A_262 = arith.constant 0 : i32
          %dma_start3A_263 = arith.constant 0 : i32
          %dma_start3A_264 = arith.constant 0 : i32
          %dma_start3A_265 = tpu.memref_slice %arg6[%dma_start3A_262, %dma_start3A_263, %dma_start3A_264] : memref<4x128x128xf32, #tpu.memory_space<vmem>> -> memref<1x128x128xf32, #tpu.memory_space<vmem>>
          %dma_start3A_266 = tpu.memref_squeeze %dma_start3A_265 : memref<1x128x128xf32, #tpu.memory_space<vmem>> -> memref<128x128xf32, #tpu.memory_space<vmem>>
          %dma_start3A_267 = arith.constant 0 : i32
          %dma_start3A_268 = tpu.memref_slice %arg5[%dma_start3A_261, %dma_start3A_267] : memref<4x128xi32, #tpu.memory_space<vmem>> -> memref<1x128xi32, #tpu.memory_space<vmem>>
          %dma_start3A_269 = tpu.memref_squeeze %dma_start3A_268 : memref<1x128xi32, #tpu.memory_space<vmem>> -> memref<128xi32, #tpu.memory_space<vmem>>
          %dma_start3A_270 = arith.constant 0 : i32
          %dma_start3A_271 = arith.constant 0 : i32
          %dma_start3A_272 = tpu.memref_slice %arg3[%dma_start3A_270, %dma_start3A_271] : memref<1000064x128xf32, #tpu.memory_space<hbm>> -> memref<1000064x128xf32, #tpu.memory_space<hbm>>
          tpu.enqueue_indirect_dma source(%dma_start3A_272 : memref<1000064x128xf32, #tpu.memory_space<hbm>>) target(%dma_start3A_266 : memref<128x128xf32, #tpu.memory_space<vmem>>) offsets(%dma_start3A_269 : memref<128xi32, #tpu.memory_space<vmem>>) semaphore(%arg11 : memref<!tpu.dma_semaphore, #tpu.memory_space<semaphore_mem>>)
        } else {
        }
        %lt3A_194 = arith.constant 23 : i32
        %lt3A_195 = arith.cmpi slt, %scan3A_142, %lt3A_194 : i32
        %convert_element_type3A_196 = arith.extui %lt3A_195 : i1 to i32
        %cond3A_197 = arith.constant 0 : i32
        %cond3A_198 = arith.cmpi ne, %convert_element_type3A_196, %cond3A_197 : i32
        scf.if %cond3A_198 {
          %add3A_245 = arith.constant 4 : i32
          %add3A_246 = arith.addi %add3A_156, %add3A_245 : i32
          %mul3A_247 = arith.constant 4096 : i32
          %mul3A_248 = arith.muli %add3A_246, %mul3A_247 : i32
          %mul3A_249 = arith.constant 128 : i32
          %mul3A_250 = arith.muli %add3A, %mul3A_249 : i32
          %add3A_251 = arith.addi %mul3A_248, %mul3A_250 : i32
          %dma_start3A_252 = arith.constant 2 : i32
          %dma_start3A_253 = arith.constant 0 : i32
          %dma_start3A_254 = tpu.memref_slice %arg5[%dma_start3A_252, %dma_start3A_253] : memref<4x128xi32, #tpu.memory_space<vmem>> -> memref<1x128xi32, #tpu.memory_space<vmem>>
          %dma_start3A_255 = tpu.memref_squeeze %dma_start3A_254 : memref<1x128xi32, #tpu.memory_space<vmem>> -> memref<128xi32, #tpu.memory_space<vmem>>
          %dma_start3A_256 = tpu.memref_slice %arg2[%add3A_251] : memref<204800xi32, #tpu.memory_space<hbm>> -> memref<128xi32, #tpu.memory_space<hbm>>
          %dma_start3A_257 = arith.constant 0 : i32
          %dma_start3A_258 = tpu.memref_slice %arg5[%dma_start3A_252, %dma_start3A_257] : memref<4x128xi32, #tpu.memory_space<vmem>> -> memref<1x128xi32, #tpu.memory_space<vmem>>
          %dma_start3A_259 = tpu.memref_squeeze %dma_start3A_258 : memref<1x128xi32, #tpu.memory_space<vmem>> -> memref<128xi32, #tpu.memory_space<vmem>>
          %dma_start3A_260 = tpu.memref_slice %arg2[%add3A_251] : memref<204800xi32, #tpu.memory_space<hbm>> -> memref<128xi32, #tpu.memory_space<hbm>>
          tpu.enqueue_dma source(%dma_start3A_260 : memref<128xi32, #tpu.memory_space<hbm>>) target(%dma_start3A_259 : memref<128xi32, #tpu.memory_space<vmem>>) target_semaphore(%arg9 : memref<!tpu.dma_semaphore, #tpu.memory_space<semaphore_mem>>)
        } else {
        }
        %add3A_199 = arith.constant 1 : i32
        %add3A_200 = arith.addi %mul3A_144, %add3A_199 : i32
        %dma_wait3A_201 = arith.constant 3 : i32
        %dma_wait3A_202 = arith.constant 3 : i32
        %dma_wait3A_203 = arith.constant 0 : i32
        %dma_wait3A_204 = arith.constant 0 : i32
        %dma_wait3A_205 = tpu.memref_slice %arg6[%dma_wait3A_202, %dma_wait3A_203, %dma_wait3A_204] : memref<4x128x128xf32, #tpu.memory_space<vmem>> -> memref<1x128x128xf32, #tpu.memory_space<vmem>>
        %dma_wait3A_206 = tpu.memref_squeeze %dma_wait3A_205 : memref<1x128x128xf32, #tpu.memory_space<vmem>> -> memref<128x128xf32, #tpu.memory_space<vmem>>
        %dma_wait3A_207 = arith.constant 0 : i32
        %dma_wait3A_208 = tpu.memref_slice %arg5[%dma_wait3A_201, %dma_wait3A_207] : memref<4x128xi32, #tpu.memory_space<vmem>> -> memref<1x128xi32, #tpu.memory_space<vmem>>
        %dma_wait3A_209 = tpu.memref_squeeze %dma_wait3A_208 : memref<1x128xi32, #tpu.memory_space<vmem>> -> memref<128xi32, #tpu.memory_space<vmem>>
        %dma_wait3A_210 = arith.constant 0 : i32
        %dma_wait3A_211 = arith.constant 0 : i32
        %dma_wait3A_212 = tpu.memref_slice %arg3[%dma_wait3A_210, %dma_wait3A_211] : memref<1000064x128xf32, #tpu.memory_space<hbm>> -> memref<1000064x128xf32, #tpu.memory_space<hbm>>
        tpu.wait_indirect_dma semaphore(%arg14 : memref<!tpu.dma_semaphore, #tpu.memory_space<semaphore_mem>>) src(%dma_wait3A_212 : memref<1000064x128xf32, #tpu.memory_space<hbm>>) dst(%dma_wait3A_206 : memref<128x128xf32, #tpu.memory_space<vmem>>)
        %gt3A_213 = arith.constant 0 : i32
        %gt3A_214 = arith.cmpi sgt, %scan3A_142, %gt3A_213 : i32
        %convert_element_type3A_215 = arith.extui %gt3A_214 : i1 to i32
        %cond3A_216 = arith.constant 0 : i32
        %cond3A_217 = arith.cmpi ne, %convert_element_type3A_215, %cond3A_216 : i32
        scf.if %cond3A_217 {
          %sub3A = arith.constant 2 : i32
          %sub3A_245 = arith.subi %add3A_200, %sub3A : i32
          %mul3A_246 = arith.constant 128 : i32
          %mul3A_247 = arith.muli %add3A, %mul3A_246 : i32
          %dma_wait3A_248 = arith.constant 1 : i32
          %dma_wait3A_249 = arith.constant 0 : i32
          %dma_wait3A_250 = arith.constant 0 : i32
          %dma_wait3A_251 = tpu.memref_slice %arg6[%dma_wait3A_248, %dma_wait3A_249, %dma_wait3A_250] : memref<4x128x128xf32, #tpu.memory_space<vmem>> -> memref<1x128x128xf32, #tpu.memory_space<vmem>>
          %dma_wait3A_252 = tpu.memref_squeeze %dma_wait3A_251 : memref<1x128x128xf32, #tpu.memory_space<vmem>> -> memref<128x128xf32, #tpu.memory_space<vmem>>
          %dma_wait3A_253 = arith.constant 0 : i32
          %dma_wait3A_254 = tpu.memref_slice %arg4[%sub3A_245, %mul3A_247, %dma_wait3A_253] : memref<50x4096x128xf32, #tpu.memory_space<hbm>> -> memref<1x128x128xf32, #tpu.memory_space<hbm>>
          %dma_wait3A_255 = tpu.memref_squeeze %dma_wait3A_254 : memref<1x128x128xf32, #tpu.memory_space<hbm>> -> memref<128x128xf32, #tpu.memory_space<hbm>>
          %dma_wait3A_256 = arith.constant 0 : i32
          %dma_wait3A_257 = tpu.memref_slice %arg4[%sub3A_245, %mul3A_247, %dma_wait3A_256] : memref<50x4096x128xf32, #tpu.memory_space<hbm>> -> memref<1x128x128xf32, #tpu.memory_space<hbm>>
          %dma_wait3A_258 = tpu.memref_squeeze %dma_wait3A_257 : memref<1x128x128xf32, #tpu.memory_space<hbm>> -> memref<128x128xf32, #tpu.memory_space<hbm>>
          %dma_wait3A_259 = arith.constant 0 : i32
          %dma_wait3A_260 = arith.constant 0 : i32
          %dma_wait3A_261 = tpu.memref_slice %arg6[%dma_wait3A_248, %dma_wait3A_259, %dma_wait3A_260] : memref<4x128x128xf32, #tpu.memory_space<vmem>> -> memref<1x128x128xf32, #tpu.memory_space<vmem>>
          %dma_wait3A_262 = tpu.memref_squeeze %dma_wait3A_261 : memref<1x128x128xf32, #tpu.memory_space<vmem>> -> memref<128x128xf32, #tpu.memory_space<vmem>>
          tpu.wait_dma2 semaphore(%arg16 : memref<!tpu.dma_semaphore, #tpu.memory_space<semaphore_mem>>) src(%dma_wait3A_262 : memref<128x128xf32, #tpu.memory_space<vmem>>) dst(%dma_wait3A_258 : memref<128x128xf32, #tpu.memory_space<hbm>>)
        } else {
        }
        %mul3A_218 = arith.constant 128 : i32
        %mul3A_219 = arith.muli %add3A, %mul3A_218 : i32
        %dma_start3A_220 = arith.constant 3 : i32
        %dma_start3A_221 = arith.constant 0 : i32
        %dma_start3A_222 = arith.constant 0 : i32
        %dma_start3A_223 = tpu.memref_slice %arg6[%dma_start3A_220, %dma_start3A_221, %dma_start3A_222] : memref<4x128x128xf32, #tpu.memory_space<vmem>> -> memref<1x128x128xf32, #tpu.memory_space<vmem>>
        %dma_start3A_224 = tpu.memref_squeeze %dma_start3A_223 : memref<1x128x128xf32, #tpu.memory_space<vmem>> -> memref<128x128xf32, #tpu.memory_space<vmem>>
        %dma_start3A_225 = arith.constant 0 : i32
        %dma_start3A_226 = tpu.memref_slice %arg4[%add3A_200, %mul3A_219, %dma_start3A_225] : memref<50x4096x128xf32, #tpu.memory_space<hbm>> -> memref<1x128x128xf32, #tpu.memory_space<hbm>>
        %dma_start3A_227 = tpu.memref_squeeze %dma_start3A_226 : memref<1x128x128xf32, #tpu.memory_space<hbm>> -> memref<128x128xf32, #tpu.memory_space<hbm>>
        %dma_start3A_228 = arith.constant 0 : i32
        %dma_start3A_229 = tpu.memref_slice %arg4[%add3A_200, %mul3A_219, %dma_start3A_228] : memref<50x4096x128xf32, #tpu.memory_space<hbm>> -> memref<1x128x128xf32, #tpu.memory_space<hbm>>
        %dma_start3A_230 = tpu.memref_squeeze %dma_start3A_229 : memref<1x128x128xf32, #tpu.memory_space<hbm>> -> memref<128x128xf32, #tpu.memory_space<hbm>>
        %dma_start3A_231 = arith.constant 0 : i32
        %dma_start3A_232 = arith.constant 0 : i32
        %dma_start3A_233 = tpu.memref_slice %arg6[%dma_start3A_220, %dma_start3A_231, %dma_start3A_232] : memref<4x128x128xf32, #tpu.memory_space<vmem>> -> memref<1x128x128xf32, #tpu.memory_space<vmem>>
        %dma_start3A_234 = tpu.memref_squeeze %dma_start3A_233 : memref<1x128x128xf32, #tpu.memory_space<vmem>> -> memref<128x128xf32, #tpu.memory_space<vmem>>
        tpu.enqueue_dma source(%dma_start3A_234 : memref<128x128xf32, #tpu.memory_space<vmem>>) target(%dma_start3A_230 : memref<128x128xf32, #tpu.memory_space<hbm>>) target_semaphore(%arg18 : memref<!tpu.dma_semaphore, #tpu.memory_space<semaphore_mem>>)
        %lt3A_235 = arith.constant 24 : i32
        %lt3A_236 = arith.cmpi slt, %scan3A_142, %lt3A_235 : i32
        %convert_element_type3A_237 = arith.extui %lt3A_236 : i1 to i32
        %cond3A_238 = arith.constant 0 : i32
        %cond3A_239 = arith.cmpi ne, %convert_element_type3A_237, %cond3A_238 : i32
        scf.if %cond3A_239 {
          %add3A_245 = arith.constant 2 : i32
          %add3A_246 = arith.addi %add3A_200, %add3A_245 : i32
          %mul3A_247 = arith.constant 4096 : i32
          %mul3A_248 = arith.muli %add3A_246, %mul3A_247 : i32
          %mul3A_249 = arith.constant 128 : i32
          %mul3A_250 = arith.muli %add3A, %mul3A_249 : i32
          %add3A_251 = arith.addi %mul3A_248, %mul3A_250 : i32
          %dma_wait3A_252 = arith.constant 1 : i32
          %dma_wait3A_253 = arith.constant 0 : i32
          %dma_wait3A_254 = tpu.memref_slice %arg5[%dma_wait3A_252, %dma_wait3A_253] : memref<4x128xi32, #tpu.memory_space<vmem>> -> memref<1x128xi32, #tpu.memory_space<vmem>>
          %dma_wait3A_255 = tpu.memref_squeeze %dma_wait3A_254 : memref<1x128xi32, #tpu.memory_space<vmem>> -> memref<128xi32, #tpu.memory_space<vmem>>
          %dma_wait3A_256 = tpu.memref_slice %arg2[%add3A_251] : memref<204800xi32, #tpu.memory_space<hbm>> -> memref<128xi32, #tpu.memory_space<hbm>>
          %dma_wait3A_257 = arith.constant 0 : i32
          %dma_wait3A_258 = tpu.memref_slice %arg5[%dma_wait3A_252, %dma_wait3A_257] : memref<4x128xi32, #tpu.memory_space<vmem>> -> memref<1x128xi32, #tpu.memory_space<vmem>>
          %dma_wait3A_259 = tpu.memref_squeeze %dma_wait3A_258 : memref<1x128xi32, #tpu.memory_space<vmem>> -> memref<128xi32, #tpu.memory_space<vmem>>
          %dma_wait3A_260 = tpu.memref_slice %arg2[%add3A_251] : memref<204800xi32, #tpu.memory_space<hbm>> -> memref<128xi32, #tpu.memory_space<hbm>>
          tpu.wait_dma2 semaphore(%arg8 : memref<!tpu.dma_semaphore, #tpu.memory_space<semaphore_mem>>) src(%dma_wait3A_260 : memref<128xi32, #tpu.memory_space<hbm>>) dst(%dma_wait3A_259 : memref<128xi32, #tpu.memory_space<vmem>>)
          %dma_start3A_261 = arith.constant 1 : i32
          %dma_start3A_262 = arith.constant 1 : i32
          %dma_start3A_263 = arith.constant 0 : i32
          %dma_start3A_264 = arith.constant 0 : i32
          %dma_start3A_265 = tpu.memref_slice %arg6[%dma_start3A_262, %dma_start3A_263, %dma_start3A_264] : memref<4x128x128xf32, #tpu.memory_space<vmem>> -> memref<1x128x128xf32, #tpu.memory_space<vmem>>
          %dma_start3A_266 = tpu.memref_squeeze %dma_start3A_265 : memref<1x128x128xf32, #tpu.memory_space<vmem>> -> memref<128x128xf32, #tpu.memory_space<vmem>>
          %dma_start3A_267 = arith.constant 0 : i32
          %dma_start3A_268 = tpu.memref_slice %arg5[%dma_start3A_261, %dma_start3A_267] : memref<4x128xi32, #tpu.memory_space<vmem>> -> memref<1x128xi32, #tpu.memory_space<vmem>>
          %dma_start3A_269 = tpu.memref_squeeze %dma_start3A_268 : memref<1x128xi32, #tpu.memory_space<vmem>> -> memref<128xi32, #tpu.memory_space<vmem>>
          %dma_start3A_270 = arith.constant 0 : i32
          %dma_start3A_271 = arith.constant 0 : i32
          %dma_start3A_272 = tpu.memref_slice %arg3[%dma_start3A_270, %dma_start3A_271] : memref<1000064x128xf32, #tpu.memory_space<hbm>> -> memref<1000064x128xf32, #tpu.memory_space<hbm>>
          tpu.enqueue_indirect_dma source(%dma_start3A_272 : memref<1000064x128xf32, #tpu.memory_space<hbm>>) target(%dma_start3A_266 : memref<128x128xf32, #tpu.memory_space<vmem>>) offsets(%dma_start3A_269 : memref<128xi32, #tpu.memory_space<vmem>>) semaphore(%arg12 : memref<!tpu.dma_semaphore, #tpu.memory_space<semaphore_mem>>)
        } else {
        }
        %lt3A_240 = arith.constant 23 : i32
        %lt3A_241 = arith.cmpi slt, %scan3A_142, %lt3A_240 : i32
        %convert_element_type3A_242 = arith.extui %lt3A_241 : i1 to i32
        %cond3A_243 = arith.constant 0 : i32
        %cond3A_244 = arith.cmpi ne, %convert_element_type3A_242, %cond3A_243 : i32
        scf.if %cond3A_244 {
          %add3A_245 = arith.constant 4 : i32
          %add3A_246 = arith.addi %add3A_200, %add3A_245 : i32
          %mul3A_247 = arith.constant 4096 : i32
          %mul3A_248 = arith.muli %add3A_246, %mul3A_247 : i32
          %mul3A_249 = arith.constant 128 : i32
          %mul3A_250 = arith.muli %add3A, %mul3A_249 : i32
          %add3A_251 = arith.addi %mul3A_248, %mul3A_250 : i32
          %dma_start3A_252 = arith.constant 3 : i32
          %dma_start3A_253 = arith.constant 0 : i32
          %dma_start3A_254 = tpu.memref_slice %arg5[%dma_start3A_252, %dma_start3A_253] : memref<4x128xi32, #tpu.memory_space<vmem>> -> memref<1x128xi32, #tpu.memory_space<vmem>>
          %dma_start3A_255 = tpu.memref_squeeze %dma_start3A_254 : memref<1x128xi32, #tpu.memory_space<vmem>> -> memref<128xi32, #tpu.memory_space<vmem>>
          %dma_start3A_256 = tpu.memref_slice %arg2[%add3A_251] : memref<204800xi32, #tpu.memory_space<hbm>> -> memref<128xi32, #tpu.memory_space<hbm>>
          %dma_start3A_257 = arith.constant 0 : i32
          %dma_start3A_258 = tpu.memref_slice %arg5[%dma_start3A_252, %dma_start3A_257] : memref<4x128xi32, #tpu.memory_space<vmem>> -> memref<1x128xi32, #tpu.memory_space<vmem>>
          %dma_start3A_259 = tpu.memref_squeeze %dma_start3A_258 : memref<1x128xi32, #tpu.memory_space<vmem>> -> memref<128xi32, #tpu.memory_space<vmem>>
          %dma_start3A_260 = tpu.memref_slice %arg2[%add3A_251] : memref<204800xi32, #tpu.memory_space<hbm>> -> memref<128xi32, #tpu.memory_space<hbm>>
          tpu.enqueue_dma source(%dma_start3A_260 : memref<128xi32, #tpu.memory_space<hbm>>) target(%dma_start3A_259 : memref<128xi32, #tpu.memory_space<vmem>>) target_semaphore(%arg10 : memref<!tpu.dma_semaphore, #tpu.memory_space<semaphore_mem>>)
        } else {
        }
      } else {
      }
    }
    %scan3A_105 = arith.constant 25 : i32
    %mul3A_106 = arith.constant 128 : i32
    %mul3A_107 = arith.muli %add3A, %mul3A_106 : i32
    %dma_wait3A_108 = arith.constant 0 : i32
    %dma_wait3A_109 = arith.constant 48 : i32
    %dma_wait3A_110 = arith.constant 0 : i32
    %dma_wait3A_111 = arith.constant 0 : i32
    %dma_wait3A_112 = tpu.memref_slice %arg6[%dma_wait3A_108, %dma_wait3A_110, %dma_wait3A_111] : memref<4x128x128xf32, #tpu.memory_space<vmem>> -> memref<1x128x128xf32, #tpu.memory_space<vmem>>
    %dma_wait3A_113 = tpu.memref_squeeze %dma_wait3A_112 : memref<1x128x128xf32, #tpu.memory_space<vmem>> -> memref<128x128xf32, #tpu.memory_space<vmem>>
    %dma_wait3A_114 = arith.constant 0 : i32
    %dma_wait3A_115 = tpu.memref_slice %arg4[%dma_wait3A_109, %mul3A_107, %dma_wait3A_114] : memref<50x4096x128xf32, #tpu.memory_space<hbm>> -> memref<1x128x128xf32, #tpu.memory_space<hbm>>
    %dma_wait3A_116 = tpu.memref_squeeze %dma_wait3A_115 : memref<1x128x128xf32, #tpu.memory_space<hbm>> -> memref<128x128xf32, #tpu.memory_space<hbm>>
    %dma_wait3A_117 = arith.constant 0 : i32
    %dma_wait3A_118 = tpu.memref_slice %arg4[%dma_wait3A_109, %mul3A_107, %dma_wait3A_117] : memref<50x4096x128xf32, #tpu.memory_space<hbm>> -> memref<1x128x128xf32, #tpu.memory_space<hbm>>
    %dma_wait3A_119 = tpu.memref_squeeze %dma_wait3A_118 : memref<1x128x128xf32, #tpu.memory_space<hbm>> -> memref<128x128xf32, #tpu.memory_space<hbm>>
    %dma_wait3A_120 = arith.constant 0 : i32
    %dma_wait3A_121 = arith.constant 0 : i32
    %dma_wait3A_122 = tpu.memref_slice %arg6[%dma_wait3A_108, %dma_wait3A_120, %dma_wait3A_121] : memref<4x128x128xf32, #tpu.memory_space<vmem>> -> memref<1x128x128xf32, #tpu.memory_space<vmem>>
    %dma_wait3A_123 = tpu.memref_squeeze %dma_wait3A_122 : memref<1x128x128xf32, #tpu.memory_space<vmem>> -> memref<128x128xf32, #tpu.memory_space<vmem>>
    tpu.wait_dma2 semaphore(%arg15 : memref<!tpu.dma_semaphore, #tpu.memory_space<semaphore_mem>>) src(%dma_wait3A_123 : memref<128x128xf32, #tpu.memory_space<vmem>>) dst(%dma_wait3A_119 : memref<128x128xf32, #tpu.memory_space<hbm>>)
    %mul3A_124 = arith.constant 128 : i32
    %mul3A_125 = arith.muli %add3A, %mul3A_124 : i32
    %dma_wait3A_126 = arith.constant 1 : i32
    %dma_wait3A_127 = arith.constant 49 : i32
    %dma_wait3A_128 = arith.constant 0 : i32
    %dma_wait3A_129 = arith.constant 0 : i32
    %dma_wait3A_130 = tpu.memref_slice %arg6[%dma_wait3A_126, %dma_wait3A_128, %dma_wait3A_129] : memref<4x128x128xf32, #tpu.memory_space<vmem>> -> memref<1x128x128xf32, #tpu.memory_space<vmem>>
    %dma_wait3A_131 = tpu.memref_squeeze %dma_wait3A_130 : memref<1x128x128xf32, #tpu.memory_space<vmem>> -> memref<128x128xf32, #tpu.memory_space<vmem>>
    %dma_wait3A_132 = arith.constant 0 : i32
    %dma_wait3A_133 = tpu.memref_slice %arg4[%dma_wait3A_127, %mul3A_125, %dma_wait3A_132] : memref<50x4096x128xf32, #tpu.memory_space<hbm>> -> memref<1x128x128xf32, #tpu.memory_space<hbm>>
    %dma_wait3A_134 = tpu.memref_squeeze %dma_wait3A_133 : memref<1x128x128xf32, #tpu.memory_space<hbm>> -> memref<128x128xf32, #tpu.memory_space<hbm>>
    %dma_wait3A_135 = arith.constant 0 : i32
    %dma_wait3A_136 = tpu.memref_slice %arg4[%dma_wait3A_127, %mul3A_125, %dma_wait3A_135] : memref<50x4096x128xf32, #tpu.memory_space<hbm>> -> memref<1x128x128xf32, #tpu.memory_space<hbm>>
    %dma_wait3A_137 = tpu.memref_squeeze %dma_wait3A_136 : memref<1x128x128xf32, #tpu.memory_space<hbm>> -> memref<128x128xf32, #tpu.memory_space<hbm>>
    %dma_wait3A_138 = arith.constant 0 : i32
    %dma_wait3A_139 = arith.constant 0 : i32
    %dma_wait3A_140 = tpu.memref_slice %arg6[%dma_wait3A_126, %dma_wait3A_138, %dma_wait3A_139] : memref<4x128x128xf32, #tpu.memory_space<vmem>> -> memref<1x128x128xf32, #tpu.memory_space<vmem>>
    %dma_wait3A_141 = tpu.memref_squeeze %dma_wait3A_140 : memref<1x128x128xf32, #tpu.memory_space<vmem>> -> memref<128x128xf32, #tpu.memory_space<vmem>>
    tpu.wait_dma2 semaphore(%arg16 : memref<!tpu.dma_semaphore, #tpu.memory_space<semaphore_mem>>) src(%dma_wait3A_141 : memref<128x128xf32, #tpu.memory_space<vmem>>) dst(%dma_wait3A_137 : memref<128x128xf32, #tpu.memory_space<hbm>>)
    return
  }
}

#map = affine_map<(d0, d1) -> (0, 0)>
module attributes {stable_mosaic.version = 14 : i64} {
  func.func @detile_kernel(%arg0: i32, %arg1: i32, %arg2: memref<64x1000000xf32, #tpu.memory_space<hbm>>, %arg3: memref<128x128xf32, #tpu.memory_space<hbm>>, %arg4: memref<1000064x128xf32, #tpu.memory_space<hbm>>, %arg5: memref<2x64x128xf32, #tpu.memory_space<vmem>>, %arg6: memref<2x128x128xf32, #tpu.memory_space<vmem>>, %arg7: memref<!tpu.dma_semaphore, #tpu.memory_space<semaphore_mem>>, %arg8: memref<!tpu.dma_semaphore, #tpu.memory_space<semaphore_mem>>, %arg9: memref<!tpu.dma_semaphore, #tpu.memory_space<semaphore_mem>>, %arg10: memref<!tpu.dma_semaphore, #tpu.memory_space<semaphore_mem>>) attributes {dimension_semantics = [#tpu.dimension_semantics<core_parallel>, #tpu.dimension_semantics<subcore_parallel>], iteration_bounds = array<i64: 2, 16>, scalar_prefetch = 0 : i64, scratch_operands = 6 : i64, tpu.core_type = #tpu.core_type<sc_vector_subcore>, window_params = [{transform_indices = #map}, {transform_indices = #map}, {transform_indices = #map}]} {
    %mul3A = arith.constant 2 : i32
    %mul3A_0 = arith.muli %arg1, %mul3A : i32
    %add3A = arith.addi %mul3A_0, %arg0 : i32
    %eq3A = arith.constant 0 : i32
    %eq3A_1 = arith.cmpi eq, %add3A, %eq3A : i32
    %convert_element_type3A = arith.extui %eq3A_1 : i1 to i32
    %cond3A = arith.constant 0 : i32
    %cond3A_2 = arith.cmpi ne, %convert_element_type3A, %cond3A : i32
    scf.if %cond3A_2 {
      %run_scoped3A = arith.constant 0 : i32
      "tpu.region"() ({
        %run_scoped3A_154 = tpu.sem_alloc : memref<!tpu.dma_semaphore, #tpu.memory_space<semaphore_mem>>
        %dma_start3A_155 = arith.constant 0 : i32
        %dma_start3A_156 = arith.constant 0 : i32
        %dma_start3A_157 = tpu.memref_slice %arg6[%run_scoped3A, %dma_start3A_155, %dma_start3A_156] : memref<2x128x128xf32, #tpu.memory_space<vmem>> -> memref<1x128x128xf32, #tpu.memory_space<vmem>>
        %dma_start3A_158 = tpu.memref_squeeze %dma_start3A_157 : memref<1x128x128xf32, #tpu.memory_space<vmem>> -> memref<128x128xf32, #tpu.memory_space<vmem>>
        %dma_start3A_159 = arith.constant 0 : i32
        %dma_start3A_160 = arith.constant 0 : i32
        %dma_start3A_161 = tpu.memref_slice %arg6[%run_scoped3A, %dma_start3A_159, %dma_start3A_160] : memref<2x128x128xf32, #tpu.memory_space<vmem>> -> memref<1x128x128xf32, #tpu.memory_space<vmem>>
        %dma_start3A_162 = tpu.memref_squeeze %dma_start3A_161 : memref<1x128x128xf32, #tpu.memory_space<vmem>> -> memref<128x128xf32, #tpu.memory_space<vmem>>
        tpu.enqueue_dma source(%arg3 : memref<128x128xf32, #tpu.memory_space<hbm>>) target(%dma_start3A_162 : memref<128x128xf32, #tpu.memory_space<vmem>>) target_semaphore(%run_scoped3A_154 : memref<!tpu.dma_semaphore, #tpu.memory_space<semaphore_mem>>)
        %dma_wait3A_163 = arith.constant 0 : i32
        %dma_wait3A_164 = arith.constant 0 : i32
        %dma_wait3A_165 = tpu.memref_slice %arg6[%run_scoped3A, %dma_wait3A_163, %dma_wait3A_164] : memref<2x128x128xf32, #tpu.memory_space<vmem>> -> memref<1x128x128xf32, #tpu.memory_space<vmem>>
        %dma_wait3A_166 = tpu.memref_squeeze %dma_wait3A_165 : memref<1x128x128xf32, #tpu.memory_space<vmem>> -> memref<128x128xf32, #tpu.memory_space<vmem>>
        %dma_wait3A_167 = arith.constant 0 : i32
        %dma_wait3A_168 = arith.constant 0 : i32
        %dma_wait3A_169 = tpu.memref_slice %arg6[%run_scoped3A, %dma_wait3A_167, %dma_wait3A_168] : memref<2x128x128xf32, #tpu.memory_space<vmem>> -> memref<1x128x128xf32, #tpu.memory_space<vmem>>
        %dma_wait3A_170 = tpu.memref_squeeze %dma_wait3A_169 : memref<1x128x128xf32, #tpu.memory_space<vmem>> -> memref<128x128xf32, #tpu.memory_space<vmem>>
        tpu.wait_dma2 semaphore(%run_scoped3A_154 : memref<!tpu.dma_semaphore, #tpu.memory_space<semaphore_mem>>) src(%arg3 : memref<128x128xf32, #tpu.memory_space<hbm>>) dst(%dma_wait3A_170 : memref<128x128xf32, #tpu.memory_space<vmem>>)
        tpu.yield
      }) : () -> ()
      %run_scoped3A_153 = arith.constant 0 : i32
      "tpu.region"() ({
        %run_scoped3A_154 = tpu.sem_alloc : memref<!tpu.dma_semaphore, #tpu.memory_space<semaphore_mem>>
        %dma_start3A_155 = arith.constant 0 : i32
        %dma_start3A_156 = arith.constant 0 : i32
        %dma_start3A_157 = tpu.memref_slice %arg6[%run_scoped3A_153, %dma_start3A_155, %dma_start3A_156] : memref<2x128x128xf32, #tpu.memory_space<vmem>> -> memref<1x128x128xf32, #tpu.memory_space<vmem>>
        %dma_start3A_158 = tpu.memref_squeeze %dma_start3A_157 : memref<1x128x128xf32, #tpu.memory_space<vmem>> -> memref<128x128xf32, #tpu.memory_space<vmem>>
        %dma_start3A_159 = arith.constant 999936 : i32
        %dma_start3A_160 = arith.constant 0 : i32
        %dma_start3A_161 = tpu.memref_slice %arg4[%dma_start3A_159, %dma_start3A_160] : memref<1000064x128xf32, #tpu.memory_space<hbm>> -> memref<128x128xf32, #tpu.memory_space<hbm>>
        %dma_start3A_162 = arith.constant 999936 : i32
        %dma_start3A_163 = arith.constant 0 : i32
        %dma_start3A_164 = tpu.memref_slice %arg4[%dma_start3A_162, %dma_start3A_163] : memref<1000064x128xf32, #tpu.memory_space<hbm>> -> memref<128x128xf32, #tpu.memory_space<hbm>>
        %dma_start3A_165 = arith.constant 0 : i32
        %dma_start3A_166 = arith.constant 0 : i32
        %dma_start3A_167 = tpu.memref_slice %arg6[%run_scoped3A_153, %dma_start3A_165, %dma_start3A_166] : memref<2x128x128xf32, #tpu.memory_space<vmem>> -> memref<1x128x128xf32, #tpu.memory_space<vmem>>
        %dma_start3A_168 = tpu.memref_squeeze %dma_start3A_167 : memref<1x128x128xf32, #tpu.memory_space<vmem>> -> memref<128x128xf32, #tpu.memory_space<vmem>>
        tpu.enqueue_dma source(%dma_start3A_168 : memref<128x128xf32, #tpu.memory_space<vmem>>) target(%dma_start3A_164 : memref<128x128xf32, #tpu.memory_space<hbm>>) target_semaphore(%run_scoped3A_154 : memref<!tpu.dma_semaphore, #tpu.memory_space<semaphore_mem>>)
        %dma_wait3A_169 = arith.constant 0 : i32
        %dma_wait3A_170 = arith.constant 0 : i32
        %dma_wait3A_171 = tpu.memref_slice %arg6[%run_scoped3A_153, %dma_wait3A_169, %dma_wait3A_170] : memref<2x128x128xf32, #tpu.memory_space<vmem>> -> memref<1x128x128xf32, #tpu.memory_space<vmem>>
        %dma_wait3A_172 = tpu.memref_squeeze %dma_wait3A_171 : memref<1x128x128xf32, #tpu.memory_space<vmem>> -> memref<128x128xf32, #tpu.memory_space<vmem>>
        %dma_wait3A_173 = arith.constant 999936 : i32
        %dma_wait3A_174 = arith.constant 0 : i32
        %dma_wait3A_175 = tpu.memref_slice %arg4[%dma_wait3A_173, %dma_wait3A_174] : memref<1000064x128xf32, #tpu.memory_space<hbm>> -> memref<128x128xf32, #tpu.memory_space<hbm>>
        %dma_wait3A_176 = arith.constant 999936 : i32
        %dma_wait3A_177 = arith.constant 0 : i32
        %dma_wait3A_178 = tpu.memref_slice %arg4[%dma_wait3A_176, %dma_wait3A_177] : memref<1000064x128xf32, #tpu.memory_space<hbm>> -> memref<128x128xf32, #tpu.memory_space<hbm>>
        %dma_wait3A_179 = arith.constant 0 : i32
        %dma_wait3A_180 = arith.constant 0 : i32
        %dma_wait3A_181 = tpu.memref_slice %arg6[%run_scoped3A_153, %dma_wait3A_179, %dma_wait3A_180] : memref<2x128x128xf32, #tpu.memory_space<vmem>> -> memref<1x128x128xf32, #tpu.memory_space<vmem>>
        %dma_wait3A_182 = tpu.memref_squeeze %dma_wait3A_181 : memref<1x128x128xf32, #tpu.memory_space<vmem>> -> memref<128x128xf32, #tpu.memory_space<vmem>>
        tpu.wait_dma2 semaphore(%run_scoped3A_154 : memref<!tpu.dma_semaphore, #tpu.memory_space<semaphore_mem>>) src(%dma_wait3A_182 : memref<128x128xf32, #tpu.memory_space<vmem>>) dst(%dma_wait3A_178 : memref<128x128xf32, #tpu.memory_space<hbm>>)
        tpu.yield
      }) : () -> ()
    } else {
    }
    %iota3A = tpu.iota {dimensions = array<i32: 0>} : vector<16xi32>
    %add3A_3 = arith.constant 0 : i32
    %add3A_4 = vector.broadcast %add3A_3 : i32 to vector<16xi32>
    %add3A_5 = arith.addi %iota3A, %add3A_4 : vector<16xi32>
    %add3A_6 = arith.constant 16 : i32
    %add3A_7 = vector.broadcast %add3A_6 : i32 to vector<16xi32>
    %add3A_8 = arith.addi %iota3A, %add3A_7 : vector<16xi32>
    %add3A_9 = arith.constant 32 : i32
    %add3A_10 = vector.broadcast %add3A_9 : i32 to vector<16xi32>
    %add3A_11 = arith.addi %iota3A, %add3A_10 : vector<16xi32>
    %add3A_12 = arith.constant 48 : i32
    %add3A_13 = vector.broadcast %add3A_12 : i32 to vector<16xi32>
    %add3A_14 = arith.addi %iota3A, %add3A_13 : vector<16xi32>
    %broadcast_in_dim3A = arith.constant 0 : i32
    %broadcast_in_dim3A_15 = vector.broadcast %broadcast_in_dim3A : i32 to vector<16xi32>
    %add3A_16 = arith.constant 0 : i32
    %add3A_17 = arith.addi %add3A, %add3A_16 : i32
    %rem3A = arith.constant 7812 : i32
    %rem3A_18 = arith.remsi %add3A_17, %rem3A : i32
    %mul3A_19 = arith.constant 128 : i32
    %mul3A_20 = arith.muli %rem3A_18, %mul3A_19 : i32
    %dma_start3A = arith.constant 0 : i32
    %dma_start3A_21 = arith.constant 0 : i32
    %dma_start3A_22 = arith.constant 0 : i32
    %dma_start3A_23 = tpu.memref_slice %arg5[%dma_start3A, %dma_start3A_21, %dma_start3A_22] : memref<2x64x128xf32, #tpu.memory_space<vmem>> -> memref<1x64x128xf32, #tpu.memory_space<vmem>>
    %dma_start3A_24 = tpu.memref_squeeze %dma_start3A_23 : memref<1x64x128xf32, #tpu.memory_space<vmem>> -> memref<64x128xf32, #tpu.memory_space<vmem>>
    %dma_start3A_25 = arith.constant 0 : i32
    %dma_start3A_26 = tpu.memref_slice %arg2[%dma_start3A_25, %mul3A_20] : memref<64x1000000xf32, #tpu.memory_space<hbm>> -> memref<64x128xf32, #tpu.memory_space<hbm>>
    %dma_start3A_27 = arith.constant 0 : i32
    %dma_start3A_28 = arith.constant 0 : i32
    %dma_start3A_29 = tpu.memref_slice %arg5[%dma_start3A, %dma_start3A_27, %dma_start3A_28] : memref<2x64x128xf32, #tpu.memory_space<vmem>> -> memref<1x64x128xf32, #tpu.memory_space<vmem>>
    %dma_start3A_30 = tpu.memref_squeeze %dma_start3A_29 : memref<1x64x128xf32, #tpu.memory_space<vmem>> -> memref<64x128xf32, #tpu.memory_space<vmem>>
    %dma_start3A_31 = arith.constant 0 : i32
    %dma_start3A_32 = tpu.memref_slice %arg2[%dma_start3A_31, %mul3A_20] : memref<64x1000000xf32, #tpu.memory_space<hbm>> -> memref<64x128xf32, #tpu.memory_space<hbm>>
    tpu.enqueue_dma source(%dma_start3A_32 : memref<64x128xf32, #tpu.memory_space<hbm>>) target(%dma_start3A_30 : memref<64x128xf32, #tpu.memory_space<vmem>>) target_semaphore(%arg7 : memref<!tpu.dma_semaphore, #tpu.memory_space<semaphore_mem>>)
    %add3A_33 = arith.constant 32 : i32
    %add3A_34 = arith.addi %add3A, %add3A_33 : i32
    %rem3A_35 = arith.constant 7812 : i32
    %rem3A_36 = arith.remsi %add3A_34, %rem3A_35 : i32
    %mul3A_37 = arith.constant 128 : i32
    %mul3A_38 = arith.muli %rem3A_36, %mul3A_37 : i32
    %dma_start3A_39 = arith.constant 1 : i32
    %dma_start3A_40 = arith.constant 0 : i32
    %dma_start3A_41 = arith.constant 0 : i32
    %dma_start3A_42 = tpu.memref_slice %arg5[%dma_start3A_39, %dma_start3A_40, %dma_start3A_41] : memref<2x64x128xf32, #tpu.memory_space<vmem>> -> memref<1x64x128xf32, #tpu.memory_space<vmem>>
    %dma_start3A_43 = tpu.memref_squeeze %dma_start3A_42 : memref<1x64x128xf32, #tpu.memory_space<vmem>> -> memref<64x128xf32, #tpu.memory_space<vmem>>
    %dma_start3A_44 = arith.constant 0 : i32
    %dma_start3A_45 = tpu.memref_slice %arg2[%dma_start3A_44, %mul3A_38] : memref<64x1000000xf32, #tpu.memory_space<hbm>> -> memref<64x128xf32, #tpu.memory_space<hbm>>
    %dma_start3A_46 = arith.constant 0 : i32
    %dma_start3A_47 = arith.constant 0 : i32
    %dma_start3A_48 = tpu.memref_slice %arg5[%dma_start3A_39, %dma_start3A_46, %dma_start3A_47] : memref<2x64x128xf32, #tpu.memory_space<vmem>> -> memref<1x64x128xf32, #tpu.memory_space<vmem>>
    %dma_start3A_49 = tpu.memref_squeeze %dma_start3A_48 : memref<1x64x128xf32, #tpu.memory_space<vmem>> -> memref<64x128xf32, #tpu.memory_space<vmem>>
    %dma_start3A_50 = arith.constant 0 : i32
    %dma_start3A_51 = tpu.memref_slice %arg2[%dma_start3A_50, %mul3A_38] : memref<64x1000000xf32, #tpu.memory_space<hbm>> -> memref<64x128xf32, #tpu.memory_space<hbm>>
    tpu.enqueue_dma source(%dma_start3A_51 : memref<64x128xf32, #tpu.memory_space<hbm>>) target(%dma_start3A_49 : memref<64x128xf32, #tpu.memory_space<vmem>>) target_semaphore(%arg8 : memref<!tpu.dma_semaphore, #tpu.memory_space<semaphore_mem>>)
    %scan3A = arith.constant 0 : i32
    %scan3A_52 = arith.constant 0 : i32
    %scan3A_53 = arith.constant 122 : i32
    %scan3A_54 = arith.addi %scan3A_52, %scan3A_53 : i32
    %scan3A_55 = arith.constant 1 : i32
    scf.for %scan3A_153 = %scan3A_52 to %scan3A_54 step %scan3A_55  : i32 {
      %mul3A_154 = arith.constant 2 : i32
      %mul3A_155 = arith.muli %scan3A_153, %mul3A_154 : i32
      %add3A_156 = arith.constant 0 : i32
      %add3A_157 = arith.addi %mul3A_155, %add3A_156 : i32
      %mul3A_158 = arith.constant 32 : i32
      %mul3A_159 = arith.muli %add3A_157, %mul3A_158 : i32
      %add3A_160 = arith.addi %add3A, %mul3A_159 : i32
      %rem3A_161 = arith.constant 7812 : i32
      %rem3A_162 = arith.remsi %add3A_160, %rem3A_161 : i32
      %mul3A_163 = arith.constant 128 : i32
      %mul3A_164 = arith.muli %rem3A_162, %mul3A_163 : i32
      %dma_wait3A_165 = arith.constant 0 : i32
      %dma_wait3A_166 = arith.constant 0 : i32
      %dma_wait3A_167 = arith.constant 0 : i32
      %dma_wait3A_168 = tpu.memref_slice %arg5[%dma_wait3A_165, %dma_wait3A_166, %dma_wait3A_167] : memref<2x64x128xf32, #tpu.memory_space<vmem>> -> memref<1x64x128xf32, #tpu.memory_space<vmem>>
      %dma_wait3A_169 = tpu.memref_squeeze %dma_wait3A_168 : memref<1x64x128xf32, #tpu.memory_space<vmem>> -> memref<64x128xf32, #tpu.memory_space<vmem>>
      %dma_wait3A_170 = arith.constant 0 : i32
      %dma_wait3A_171 = tpu.memref_slice %arg2[%dma_wait3A_170, %mul3A_164] : memref<64x1000000xf32, #tpu.memory_space<hbm>> -> memref<64x128xf32, #tpu.memory_space<hbm>>
      %dma_wait3A_172 = arith.constant 0 : i32
      %dma_wait3A_173 = arith.constant 0 : i32
      %dma_wait3A_174 = tpu.memref_slice %arg5[%dma_wait3A_165, %dma_wait3A_172, %dma_wait3A_173] : memref<2x64x128xf32, #tpu.memory_space<vmem>> -> memref<1x64x128xf32, #tpu.memory_space<vmem>>
      %dma_wait3A_175 = tpu.memref_squeeze %dma_wait3A_174 : memref<1x64x128xf32, #tpu.memory_space<vmem>> -> memref<64x128xf32, #tpu.memory_space<vmem>>
      %dma_wait3A_176 = arith.constant 0 : i32
      %dma_wait3A_177 = tpu.memref_slice %arg2[%dma_wait3A_176, %mul3A_164] : memref<64x1000000xf32, #tpu.memory_space<hbm>> -> memref<64x128xf32, #tpu.memory_space<hbm>>
      tpu.wait_dma2 semaphore(%arg7 : memref<!tpu.dma_semaphore, #tpu.memory_space<semaphore_mem>>) src(%dma_wait3A_177 : memref<64x128xf32, #tpu.memory_space<hbm>>) dst(%dma_wait3A_175 : memref<64x128xf32, #tpu.memory_space<vmem>>)
      %gt3A = arith.constant 0 : i32
      %gt3A_178 = arith.cmpi sgt, %scan3A_153, %gt3A : i32
      %convert_element_type3A_179 = arith.extui %gt3A_178 : i1 to i32
      %cond3A_180 = arith.constant 0 : i32
      %cond3A_181 = arith.cmpi ne, %convert_element_type3A_179, %cond3A_180 : i32
      scf.if %cond3A_181 {
        %sub3A = arith.constant 2 : i32
        %sub3A_268 = arith.subi %add3A_157, %sub3A : i32
        %mul3A_269 = arith.constant 32 : i32
        %mul3A_270 = arith.muli %sub3A_268, %mul3A_269 : i32
        %add3A_271 = arith.addi %add3A, %mul3A_270 : i32
        %rem3A_272 = arith.constant 7812 : i32
        %rem3A_273 = arith.remsi %add3A_271, %rem3A_272 : i32
        %mul3A_274 = arith.constant 128 : i32
        %mul3A_275 = arith.muli %rem3A_273, %mul3A_274 : i32
        %dma_wait3A_276 = arith.constant 0 : i32
        %dma_wait3A_277 = arith.constant 0 : i32
        %dma_wait3A_278 = arith.constant 0 : i32
        %dma_wait3A_279 = tpu.memref_slice %arg6[%dma_wait3A_276, %dma_wait3A_277, %dma_wait3A_278] : memref<2x128x128xf32, #tpu.memory_space<vmem>> -> memref<1x128x128xf32, #tpu.memory_space<vmem>>
        %dma_wait3A_280 = tpu.memref_squeeze %dma_wait3A_279 : memref<1x128x128xf32, #tpu.memory_space<vmem>> -> memref<128x128xf32, #tpu.memory_space<vmem>>
        %dma_wait3A_281 = arith.constant 0 : i32
        %dma_wait3A_282 = tpu.memref_slice %arg4[%mul3A_275, %dma_wait3A_281] : memref<1000064x128xf32, #tpu.memory_space<hbm>> -> memref<128x128xf32, #tpu.memory_space<hbm>>
        %dma_wait3A_283 = arith.constant 0 : i32
        %dma_wait3A_284 = tpu.memref_slice %arg4[%mul3A_275, %dma_wait3A_283] : memref<1000064x128xf32, #tpu.memory_space<hbm>> -> memref<128x128xf32, #tpu.memory_space<hbm>>
        %dma_wait3A_285 = arith.constant 0 : i32
        %dma_wait3A_286 = arith.constant 0 : i32
        %dma_wait3A_287 = tpu.memref_slice %arg6[%dma_wait3A_276, %dma_wait3A_285, %dma_wait3A_286] : memref<2x128x128xf32, #tpu.memory_space<vmem>> -> memref<1x128x128xf32, #tpu.memory_space<vmem>>
        %dma_wait3A_288 = tpu.memref_squeeze %dma_wait3A_287 : memref<1x128x128xf32, #tpu.memory_space<vmem>> -> memref<128x128xf32, #tpu.memory_space<vmem>>
        tpu.wait_dma2 semaphore(%arg9 : memref<!tpu.dma_semaphore, #tpu.memory_space<semaphore_mem>>) src(%dma_wait3A_288 : memref<128x128xf32, #tpu.memory_space<vmem>>) dst(%dma_wait3A_284 : memref<128x128xf32, #tpu.memory_space<hbm>>)
      } else {
      }
      %parallel_loop3A_182 = arith.constant 0 : i32
      %parallel_loop3A_183 = arith.constant 128 : i32
      %parallel_loop3A_184 = arith.constant 1 : i32
      scf.for %parallel_loop3A_268 = %parallel_loop3A_182 to %parallel_loop3A_183 step %parallel_loop3A_184  : i32 {
        %parallel_loop3A_269 = vector.broadcast %parallel_loop3A_268 : i32 to vector<16xi32>
        %parallel_loop3A_270 = arith.addi %broadcast_in_dim3A_15, %parallel_loop3A_269 : vector<16xi32>
        %parallel_loop3A_271 = arith.constant 0 : i32
        %parallel_loop3A_272 = arith.constant 0 : i32
        %parallel_loop3A_273 = arith.constant 0 : i32
        %parallel_loop3A_274 = tpu.memref_slice %arg5[%parallel_loop3A_271, %parallel_loop3A_272, %parallel_loop3A_273] : memref<2x64x128xf32, #tpu.memory_space<vmem>> -> memref<1x64x128xf32, #tpu.memory_space<vmem>>
        %parallel_loop3A_275 = tpu.memref_squeeze %parallel_loop3A_274 : memref<1x64x128xf32, #tpu.memory_space<vmem>> -> memref<64x128xf32, #tpu.memory_space<vmem>>
        %parallel_loop3A_276 = tpu.vector_load_idx %parallel_loop3A_275[%add3A_5, %parallel_loop3A_270] : memref<64x128xf32, #tpu.memory_space<vmem>>[vector<16xi32>, vector<16xi32>], vector<16xf32>,
        %parallel_loop3A_277 = arith.constant 0 : i32
        %parallel_loop3A_278 = arith.index_cast %parallel_loop3A_277 : i32 to index
        %parallel_loop3A_279 = arith.index_cast %parallel_loop3A_268 : i32 to index
        %parallel_loop3A_280 = arith.constant 0 : index
        %parallel_loop3A_281 = tpu.vector_load %arg6[%parallel_loop3A_278, %parallel_loop3A_279, %parallel_loop3A_280] {strides = array<i32>} : memref<2x128x128xf32, #tpu.memory_space<vmem>>, vector<16xf32>,
        tpu.vector_store %arg6[%parallel_loop3A_278, %parallel_loop3A_279, %parallel_loop3A_280], %parallel_loop3A_276 {strides = array<i32>} : memref<2x128x128xf32, #tpu.memory_space<vmem>>, vector<16xf32>,
        %parallel_loop3A_282 = arith.constant 0 : i32
        %parallel_loop3A_283 = arith.constant 0 : i32
        %parallel_loop3A_284 = arith.constant 0 : i32
        %parallel_loop3A_285 = tpu.memref_slice %arg5[%parallel_loop3A_282, %parallel_loop3A_283, %parallel_loop3A_284] : memref<2x64x128xf32, #tpu.memory_space<vmem>> -> memref<1x64x128xf32, #tpu.memory_space<vmem>>
        %parallel_loop3A_286 = tpu.memref_squeeze %parallel_loop3A_285 : memref<1x64x128xf32, #tpu.memory_space<vmem>> -> memref<64x128xf32, #tpu.memory_space<vmem>>
        %parallel_loop3A_287 = tpu.vector_load_idx %parallel_loop3A_286[%add3A_8, %parallel_loop3A_270] : memref<64x128xf32, #tpu.memory_space<vmem>>[vector<16xi32>, vector<16xi32>], vector<16xf32>,
        %parallel_loop3A_288 = arith.constant 0 : i32
        %parallel_loop3A_289 = arith.index_cast %parallel_loop3A_288 : i32 to index
        %parallel_loop3A_290 = arith.index_cast %parallel_loop3A_268 : i32 to index
        %parallel_loop3A_291 = arith.constant 16 : index
        %parallel_loop3A_292 = tpu.vector_load %arg6[%parallel_loop3A_289, %parallel_loop3A_290, %parallel_loop3A_291] {strides = array<i32>} : memref<2x128x128xf32, #tpu.memory_space<vmem>>, vector<16xf32>,
        tpu.vector_store %arg6[%parallel_loop3A_289, %parallel_loop3A_290, %parallel_loop3A_291], %parallel_loop3A_287 {strides = array<i32>} : memref<2x128x128xf32, #tpu.memory_space<vmem>>, vector<16xf32>,
        %parallel_loop3A_293 = arith.constant 0 : i32
        %parallel_loop3A_294 = arith.constant 0 : i32
        %parallel_loop3A_295 = arith.constant 0 : i32
        %parallel_loop3A_296 = tpu.memref_slice %arg5[%parallel_loop3A_293, %parallel_loop3A_294, %parallel_loop3A_295] : memref<2x64x128xf32, #tpu.memory_space<vmem>> -> memref<1x64x128xf32, #tpu.memory_space<vmem>>
        %parallel_loop3A_297 = tpu.memref_squeeze %parallel_loop3A_296 : memref<1x64x128xf32, #tpu.memory_space<vmem>> -> memref<64x128xf32, #tpu.memory_space<vmem>>
        %parallel_loop3A_298 = tpu.vector_load_idx %parallel_loop3A_297[%add3A_11, %parallel_loop3A_270] : memref<64x128xf32, #tpu.memory_space<vmem>>[vector<16xi32>, vector<16xi32>], vector<16xf32>,
        %parallel_loop3A_299 = arith.constant 0 : i32
        %parallel_loop3A_300 = arith.index_cast %parallel_loop3A_299 : i32 to index
        %parallel_loop3A_301 = arith.index_cast %parallel_loop3A_268 : i32 to index
        %parallel_loop3A_302 = arith.constant 32 : index
        %parallel_loop3A_303 = tpu.vector_load %arg6[%parallel_loop3A_300, %parallel_loop3A_301, %parallel_loop3A_302] {strides = array<i32>} : memref<2x128x128xf32, #tpu.memory_space<vmem>>, vector<16xf32>,
        tpu.vector_store %arg6[%parallel_loop3A_300, %parallel_loop3A_301, %parallel_loop3A_302], %parallel_loop3A_298 {strides = array<i32>} : memref<2x128x128xf32, #tpu.memory_space<vmem>>, vector<16xf32>,
        %parallel_loop3A_304 = arith.constant 0 : i32
        %parallel_loop3A_305 = arith.constant 0 : i32
        %parallel_loop3A_306 = arith.constant 0 : i32
        %parallel_loop3A_307 = tpu.memref_slice %arg5[%parallel_loop3A_304, %parallel_loop3A_305, %parallel_loop3A_306] : memref<2x64x128xf32, #tpu.memory_space<vmem>> -> memref<1x64x128xf32, #tpu.memory_space<vmem>>
        %parallel_loop3A_308 = tpu.memref_squeeze %parallel_loop3A_307 : memref<1x64x128xf32, #tpu.memory_space<vmem>> -> memref<64x128xf32, #tpu.memory_space<vmem>>
        %parallel_loop3A_309 = tpu.vector_load_idx %parallel_loop3A_308[%add3A_14, %parallel_loop3A_270] : memref<64x128xf32, #tpu.memory_space<vmem>>[vector<16xi32>, vector<16xi32>], vector<16xf32>,
        %parallel_loop3A_310 = arith.constant 0 : i32
        %parallel_loop3A_311 = arith.index_cast %parallel_loop3A_310 : i32 to index
        %parallel_loop3A_312 = arith.index_cast %parallel_loop3A_268 : i32 to index
        %parallel_loop3A_313 = arith.constant 48 : index
        %parallel_loop3A_314 = tpu.vector_load %arg6[%parallel_loop3A_311, %parallel_loop3A_312, %parallel_loop3A_313] {strides = array<i32>} : memref<2x128x128xf32, #tpu.memory_space<vmem>>, vector<16xf32>,
        tpu.vector_store %arg6[%parallel_loop3A_311, %parallel_loop3A_312, %parallel_loop3A_313], %parallel_loop3A_309 {strides = array<i32>} : memref<2x128x128xf32, #tpu.memory_space<vmem>>, vector<16xf32>,
      } {sc.loop_unroll_factor = 16 : i64, sc.parallel_access}
      %mul3A_185 = arith.constant 32 : i32
      %mul3A_186 = arith.muli %add3A_157, %mul3A_185 : i32
      %add3A_187 = arith.addi %add3A, %mul3A_186 : i32
      %rem3A_188 = arith.constant 7812 : i32
      %rem3A_189 = arith.remsi %add3A_187, %rem3A_188 : i32
      %mul3A_190 = arith.constant 128 : i32
      %mul3A_191 = arith.muli %rem3A_189, %mul3A_190 : i32
      %dma_start3A_192 = arith.constant 0 : i32
      %dma_start3A_193 = arith.constant 0 : i32
      %dma_start3A_194 = arith.constant 0 : i32
      %dma_start3A_195 = tpu.memref_slice %arg6[%dma_start3A_192, %dma_start3A_193, %dma_start3A_194] : memref<2x128x128xf32, #tpu.memory_space<vmem>> -> memref<1x128x128xf32, #tpu.memory_space<vmem>>
      %dma_start3A_196 = tpu.memref_squeeze %dma_start3A_195 : memref<1x128x128xf32, #tpu.memory_space<vmem>> -> memref<128x128xf32, #tpu.memory_space<vmem>>
      %dma_start3A_197 = arith.constant 0 : i32
      %dma_start3A_198 = tpu.memref_slice %arg4[%mul3A_191, %dma_start3A_197] : memref<1000064x128xf32, #tpu.memory_space<hbm>> -> memref<128x128xf32, #tpu.memory_space<hbm>>
      %dma_start3A_199 = arith.constant 0 : i32
      %dma_start3A_200 = tpu.memref_slice %arg4[%mul3A_191, %dma_start3A_199] : memref<1000064x128xf32, #tpu.memory_space<hbm>> -> memref<128x128xf32, #tpu.memory_space<hbm>>
      %dma_start3A_201 = arith.constant 0 : i32
      %dma_start3A_202 = arith.constant 0 : i32
      %dma_start3A_203 = tpu.memref_slice %arg6[%dma_start3A_192, %dma_start3A_201, %dma_start3A_202] : memref<2x128x128xf32, #tpu.memory_space<vmem>> -> memref<1x128x128xf32, #tpu.memory_space<vmem>>
      %dma_start3A_204 = tpu.memref_squeeze %dma_start3A_203 : memref<1x128x128xf32, #tpu.memory_space<vmem>> -> memref<128x128xf32, #tpu.memory_space<vmem>>
      tpu.enqueue_dma source(%dma_start3A_204 : memref<128x128xf32, #tpu.memory_space<vmem>>) target(%dma_start3A_200 : memref<128x128xf32, #tpu.memory_space<hbm>>) target_semaphore(%arg9 : memref<!tpu.dma_semaphore, #tpu.memory_space<semaphore_mem>>)
      %add3A_205 = arith.constant 2 : i32
      %add3A_206 = arith.addi %add3A_157, %add3A_205 : i32
      %lt3A = arith.constant 245 : i32
      %lt3A_207 = arith.cmpi slt, %add3A_206, %lt3A : i32
      %convert_element_type3A_208 = arith.extui %lt3A_207 : i1 to i32
      %cond3A_209 = arith.constant 0 : i32
      %cond3A_210 = arith.cmpi ne, %convert_element_type3A_208, %cond3A_209 : i32
      scf.if %cond3A_210 {
        %add3A_268 = arith.constant 2 : i32
        %add3A_269 = arith.addi %add3A_157, %add3A_268 : i32
        %mul3A_270 = arith.constant 32 : i32
        %mul3A_271 = arith.muli %add3A_269, %mul3A_270 : i32
        %add3A_272 = arith.addi %add3A, %mul3A_271 : i32
        %rem3A_273 = arith.constant 7812 : i32
        %rem3A_274 = arith.remsi %add3A_272, %rem3A_273 : i32
        %mul3A_275 = arith.constant 128 : i32
        %mul3A_276 = arith.muli %rem3A_274, %mul3A_275 : i32
        %dma_start3A_277 = arith.constant 0 : i32
        %dma_start3A_278 = arith.constant 0 : i32
        %dma_start3A_279 = arith.constant 0 : i32
        %dma_start3A_280 = tpu.memref_slice %arg5[%dma_start3A_277, %dma_start3A_278, %dma_start3A_279] : memref<2x64x128xf32, #tpu.memory_space<vmem>> -> memref<1x64x128xf32, #tpu.memory_space<vmem>>
        %dma_start3A_281 = tpu.memref_squeeze %dma_start3A_280 : memref<1x64x128xf32, #tpu.memory_space<vmem>> -> memref<64x128xf32, #tpu.memory_space<vmem>>
        %dma_start3A_282 = arith.constant 0 : i32
        %dma_start3A_283 = tpu.memref_slice %arg2[%dma_start3A_282, %mul3A_276] : memref<64x1000000xf32, #tpu.memory_space<hbm>> -> memref<64x128xf32, #tpu.memory_space<hbm>>
        %dma_start3A_284 = arith.constant 0 : i32
        %dma_start3A_285 = arith.constant 0 : i32
        %dma_start3A_286 = tpu.memref_slice %arg5[%dma_start3A_277, %dma_start3A_284, %dma_start3A_285] : memref<2x64x128xf32, #tpu.memory_space<vmem>> -> memref<1x64x128xf32, #tpu.memory_space<vmem>>
        %dma_start3A_287 = tpu.memref_squeeze %dma_start3A_286 : memref<1x64x128xf32, #tpu.memory_space<vmem>> -> memref<64x128xf32, #tpu.memory_space<vmem>>
        %dma_start3A_288 = arith.constant 0 : i32
        %dma_start3A_289 = tpu.memref_slice %arg2[%dma_start3A_288, %mul3A_276] : memref<64x1000000xf32, #tpu.memory_space<hbm>> -> memref<64x128xf32, #tpu.memory_space<hbm>>
        tpu.enqueue_dma source(%dma_start3A_289 : memref<64x128xf32, #tpu.memory_space<hbm>>) target(%dma_start3A_287 : memref<64x128xf32, #tpu.memory_space<vmem>>) target_semaphore(%arg7 : memref<!tpu.dma_semaphore, #tpu.memory_space<semaphore_mem>>)
      } else {
      }
      %add3A_211 = arith.constant 1 : i32
      %add3A_212 = arith.addi %mul3A_155, %add3A_211 : i32
      %mul3A_213 = arith.constant 32 : i32
      %mul3A_214 = arith.muli %add3A_212, %mul3A_213 : i32
      %add3A_215 = arith.addi %add3A, %mul3A_214 : i32
      %rem3A_216 = arith.constant 7812 : i32
      %rem3A_217 = arith.remsi %add3A_215, %rem3A_216 : i32
      %mul3A_218 = arith.constant 128 : i32
      %mul3A_219 = arith.muli %rem3A_217, %mul3A_218 : i32
      %dma_wait3A_220 = arith.constant 1 : i32
      %dma_wait3A_221 = arith.constant 0 : i32
      %dma_wait3A_222 = arith.constant 0 : i32
      %dma_wait3A_223 = tpu.memref_slice %arg5[%dma_wait3A_220, %dma_wait3A_221, %dma_wait3A_222] : memref<2x64x128xf32, #tpu.memory_space<vmem>> -> memref<1x64x128xf32, #tpu.memory_space<vmem>>
      %dma_wait3A_224 = tpu.memref_squeeze %dma_wait3A_223 : memref<1x64x128xf32, #tpu.memory_space<vmem>> -> memref<64x128xf32, #tpu.memory_space<vmem>>
      %dma_wait3A_225 = arith.constant 0 : i32
      %dma_wait3A_226 = tpu.memref_slice %arg2[%dma_wait3A_225, %mul3A_219] : memref<64x1000000xf32, #tpu.memory_space<hbm>> -> memref<64x128xf32, #tpu.memory_space<hbm>>
      %dma_wait3A_227 = arith.constant 0 : i32
      %dma_wait3A_228 = arith.constant 0 : i32
      %dma_wait3A_229 = tpu.memref_slice %arg5[%dma_wait3A_220, %dma_wait3A_227, %dma_wait3A_228] : memref<2x64x128xf32, #tpu.memory_space<vmem>> -> memref<1x64x128xf32, #tpu.memory_space<vmem>>
      %dma_wait3A_230 = tpu.memref_squeeze %dma_wait3A_229 : memref<1x64x128xf32, #tpu.memory_space<vmem>> -> memref<64x128xf32, #tpu.memory_space<vmem>>
      %dma_wait3A_231 = arith.constant 0 : i32
      %dma_wait3A_232 = tpu.memref_slice %arg2[%dma_wait3A_231, %mul3A_219] : memref<64x1000000xf32, #tpu.memory_space<hbm>> -> memref<64x128xf32, #tpu.memory_space<hbm>>
      tpu.wait_dma2 semaphore(%arg8 : memref<!tpu.dma_semaphore, #tpu.memory_space<semaphore_mem>>) src(%dma_wait3A_232 : memref<64x128xf32, #tpu.memory_space<hbm>>) dst(%dma_wait3A_230 : memref<64x128xf32, #tpu.memory_space<vmem>>)
      %gt3A_233 = arith.constant 0 : i32
      %gt3A_234 = arith.cmpi sgt, %scan3A_153, %gt3A_233 : i32
      %convert_element_type3A_235 = arith.extui %gt3A_234 : i1 to i32
      %cond3A_236 = arith.constant 0 : i32
      %cond3A_237 = arith.cmpi ne, %convert_element_type3A_235, %cond3A_236 : i32
      scf.if %cond3A_237 {
        %sub3A = arith.constant 2 : i32
        %sub3A_268 = arith.subi %add3A_212, %sub3A : i32
        %mul3A_269 = arith.constant 32 : i32
        %mul3A_270 = arith.muli %sub3A_268, %mul3A_269 : i32
        %add3A_271 = arith.addi %add3A, %mul3A_270 : i32
        %rem3A_272 = arith.constant 7812 : i32
        %rem3A_273 = arith.remsi %add3A_271, %rem3A_272 : i32
        %mul3A_274 = arith.constant 128 : i32
        %mul3A_275 = arith.muli %rem3A_273, %mul3A_274 : i32
        %dma_wait3A_276 = arith.constant 1 : i32
        %dma_wait3A_277 = arith.constant 0 : i32
        %dma_wait3A_278 = arith.constant 0 : i32
        %dma_wait3A_279 = tpu.memref_slice %arg6[%dma_wait3A_276, %dma_wait3A_277, %dma_wait3A_278] : memref<2x128x128xf32, #tpu.memory_space<vmem>> -> memref<1x128x128xf32, #tpu.memory_space<vmem>>
        %dma_wait3A_280 = tpu.memref_squeeze %dma_wait3A_279 : memref<1x128x128xf32, #tpu.memory_space<vmem>> -> memref<128x128xf32, #tpu.memory_space<vmem>>
        %dma_wait3A_281 = arith.constant 0 : i32
        %dma_wait3A_282 = tpu.memref_slice %arg4[%mul3A_275, %dma_wait3A_281] : memref<1000064x128xf32, #tpu.memory_space<hbm>> -> memref<128x128xf32, #tpu.memory_space<hbm>>
        %dma_wait3A_283 = arith.constant 0 : i32
        %dma_wait3A_284 = tpu.memref_slice %arg4[%mul3A_275, %dma_wait3A_283] : memref<1000064x128xf32, #tpu.memory_space<hbm>> -> memref<128x128xf32, #tpu.memory_space<hbm>>
        %dma_wait3A_285 = arith.constant 0 : i32
        %dma_wait3A_286 = arith.constant 0 : i32
        %dma_wait3A_287 = tpu.memref_slice %arg6[%dma_wait3A_276, %dma_wait3A_285, %dma_wait3A_286] : memref<2x128x128xf32, #tpu.memory_space<vmem>> -> memref<1x128x128xf32, #tpu.memory_space<vmem>>
        %dma_wait3A_288 = tpu.memref_squeeze %dma_wait3A_287 : memref<1x128x128xf32, #tpu.memory_space<vmem>> -> memref<128x128xf32, #tpu.memory_space<vmem>>
        tpu.wait_dma2 semaphore(%arg10 : memref<!tpu.dma_semaphore, #tpu.memory_space<semaphore_mem>>) src(%dma_wait3A_288 : memref<128x128xf32, #tpu.memory_space<vmem>>) dst(%dma_wait3A_284 : memref<128x128xf32, #tpu.memory_space<hbm>>)
      } else {
      }
      %parallel_loop3A_238 = arith.constant 0 : i32
      %parallel_loop3A_239 = arith.constant 128 : i32
      %parallel_loop3A_240 = arith.constant 1 : i32
      scf.for %parallel_loop3A_268 = %parallel_loop3A_238 to %parallel_loop3A_239 step %parallel_loop3A_240  : i32 {
        %parallel_loop3A_269 = vector.broadcast %parallel_loop3A_268 : i32 to vector<16xi32>
        %parallel_loop3A_270 = arith.addi %broadcast_in_dim3A_15, %parallel_loop3A_269 : vector<16xi32>
        %parallel_loop3A_271 = arith.constant 1 : i32
        %parallel_loop3A_272 = arith.constant 0 : i32
        %parallel_loop3A_273 = arith.constant 0 : i32
        %parallel_loop3A_274 = tpu.memref_slice %arg5[%parallel_loop3A_271, %parallel_loop3A_272, %parallel_loop3A_273] : memref<2x64x128xf32, #tpu.memory_space<vmem>> -> memref<1x64x128xf32, #tpu.memory_space<vmem>>
        %parallel_loop3A_275 = tpu.memref_squeeze %parallel_loop3A_274 : memref<1x64x128xf32, #tpu.memory_space<vmem>> -> memref<64x128xf32, #tpu.memory_space<vmem>>
        %parallel_loop3A_276 = tpu.vector_load_idx %parallel_loop3A_275[%add3A_5, %parallel_loop3A_270] : memref<64x128xf32, #tpu.memory_space<vmem>>[vector<16xi32>, vector<16xi32>], vector<16xf32>,
        %parallel_loop3A_277 = arith.constant 1 : i32
        %parallel_loop3A_278 = arith.index_cast %parallel_loop3A_277 : i32 to index
        %parallel_loop3A_279 = arith.index_cast %parallel_loop3A_268 : i32 to index
        %parallel_loop3A_280 = arith.constant 0 : index
        %parallel_loop3A_281 = tpu.vector_load %arg6[%parallel_loop3A_278, %parallel_loop3A_279, %parallel_loop3A_280] {strides = array<i32>} : memref<2x128x128xf32, #tpu.memory_space<vmem>>, vector<16xf32>,
        tpu.vector_store %arg6[%parallel_loop3A_278, %parallel_loop3A_279, %parallel_loop3A_280], %parallel_loop3A_276 {strides = array<i32>} : memref<2x128x128xf32, #tpu.memory_space<vmem>>, vector<16xf32>,
        %parallel_loop3A_282 = arith.constant 1 : i32
        %parallel_loop3A_283 = arith.constant 0 : i32
        %parallel_loop3A_284 = arith.constant 0 : i32
        %parallel_loop3A_285 = tpu.memref_slice %arg5[%parallel_loop3A_282, %parallel_loop3A_283, %parallel_loop3A_284] : memref<2x64x128xf32, #tpu.memory_space<vmem>> -> memref<1x64x128xf32, #tpu.memory_space<vmem>>
        %parallel_loop3A_286 = tpu.memref_squeeze %parallel_loop3A_285 : memref<1x64x128xf32, #tpu.memory_space<vmem>> -> memref<64x128xf32, #tpu.memory_space<vmem>>
        %parallel_loop3A_287 = tpu.vector_load_idx %parallel_loop3A_286[%add3A_8, %parallel_loop3A_270] : memref<64x128xf32, #tpu.memory_space<vmem>>[vector<16xi32>, vector<16xi32>], vector<16xf32>,
        %parallel_loop3A_288 = arith.constant 1 : i32
        %parallel_loop3A_289 = arith.index_cast %parallel_loop3A_288 : i32 to index
        %parallel_loop3A_290 = arith.index_cast %parallel_loop3A_268 : i32 to index
        %parallel_loop3A_291 = arith.constant 16 : index
        %parallel_loop3A_292 = tpu.vector_load %arg6[%parallel_loop3A_289, %parallel_loop3A_290, %parallel_loop3A_291] {strides = array<i32>} : memref<2x128x128xf32, #tpu.memory_space<vmem>>, vector<16xf32>,
        tpu.vector_store %arg6[%parallel_loop3A_289, %parallel_loop3A_290, %parallel_loop3A_291], %parallel_loop3A_287 {strides = array<i32>} : memref<2x128x128xf32, #tpu.memory_space<vmem>>, vector<16xf32>,
        %parallel_loop3A_293 = arith.constant 1 : i32
        %parallel_loop3A_294 = arith.constant 0 : i32
        %parallel_loop3A_295 = arith.constant 0 : i32
        %parallel_loop3A_296 = tpu.memref_slice %arg5[%parallel_loop3A_293, %parallel_loop3A_294, %parallel_loop3A_295] : memref<2x64x128xf32, #tpu.memory_space<vmem>> -> memref<1x64x128xf32, #tpu.memory_space<vmem>>
        %parallel_loop3A_297 = tpu.memref_squeeze %parallel_loop3A_296 : memref<1x64x128xf32, #tpu.memory_space<vmem>> -> memref<64x128xf32, #tpu.memory_space<vmem>>
        %parallel_loop3A_298 = tpu.vector_load_idx %parallel_loop3A_297[%add3A_11, %parallel_loop3A_270] : memref<64x128xf32, #tpu.memory_space<vmem>>[vector<16xi32>, vector<16xi32>], vector<16xf32>,
        %parallel_loop3A_299 = arith.constant 1 : i32
        %parallel_loop3A_300 = arith.index_cast %parallel_loop3A_299 : i32 to index
        %parallel_loop3A_301 = arith.index_cast %parallel_loop3A_268 : i32 to index
        %parallel_loop3A_302 = arith.constant 32 : index
        %parallel_loop3A_303 = tpu.vector_load %arg6[%parallel_loop3A_300, %parallel_loop3A_301, %parallel_loop3A_302] {strides = array<i32>} : memref<2x128x128xf32, #tpu.memory_space<vmem>>, vector<16xf32>,
        tpu.vector_store %arg6[%parallel_loop3A_300, %parallel_loop3A_301, %parallel_loop3A_302], %parallel_loop3A_298 {strides = array<i32>} : memref<2x128x128xf32, #tpu.memory_space<vmem>>, vector<16xf32>,
        %parallel_loop3A_304 = arith.constant 1 : i32
        %parallel_loop3A_305 = arith.constant 0 : i32
        %parallel_loop3A_306 = arith.constant 0 : i32
        %parallel_loop3A_307 = tpu.memref_slice %arg5[%parallel_loop3A_304, %parallel_loop3A_305, %parallel_loop3A_306] : memref<2x64x128xf32, #tpu.memory_space<vmem>> -> memref<1x64x128xf32, #tpu.memory_space<vmem>>
        %parallel_loop3A_308 = tpu.memref_squeeze %parallel_loop3A_307 : memref<1x64x128xf32, #tpu.memory_space<vmem>> -> memref<64x128xf32, #tpu.memory_space<vmem>>
        %parallel_loop3A_309 = tpu.vector_load_idx %parallel_loop3A_308[%add3A_14, %parallel_loop3A_270] : memref<64x128xf32, #tpu.memory_space<vmem>>[vector<16xi32>, vector<16xi32>], vector<16xf32>,
        %parallel_loop3A_310 = arith.constant 1 : i32
        %parallel_loop3A_311 = arith.index_cast %parallel_loop3A_310 : i32 to index
        %parallel_loop3A_312 = arith.index_cast %parallel_loop3A_268 : i32 to index
        %parallel_loop3A_313 = arith.constant 48 : index
        %parallel_loop3A_314 = tpu.vector_load %arg6[%parallel_loop3A_311, %parallel_loop3A_312, %parallel_loop3A_313] {strides = array<i32>} : memref<2x128x128xf32, #tpu.memory_space<vmem>>, vector<16xf32>,
        tpu.vector_store %arg6[%parallel_loop3A_311, %parallel_loop3A_312, %parallel_loop3A_313], %parallel_loop3A_309 {strides = array<i32>} : memref<2x128x128xf32, #tpu.memory_space<vmem>>, vector<16xf32>,
      } {sc.loop_unroll_factor = 16 : i64, sc.parallel_access}
      %mul3A_241 = arith.constant 32 : i32
      %mul3A_242 = arith.muli %add3A_212, %mul3A_241 : i32
      %add3A_243 = arith.addi %add3A, %mul3A_242 : i32
      %rem3A_244 = arith.constant 7812 : i32
      %rem3A_245 = arith.remsi %add3A_243, %rem3A_244 : i32
      %mul3A_246 = arith.constant 128 : i32
      %mul3A_247 = arith.muli %rem3A_245, %mul3A_246 : i32
      %dma_start3A_248 = arith.constant 1 : i32
      %dma_start3A_249 = arith.constant 0 : i32
      %dma_start3A_250 = arith.constant 0 : i32
      %dma_start3A_251 = tpu.memref_slice %arg6[%dma_start3A_248, %dma_start3A_249, %dma_start3A_250] : memref<2x128x128xf32, #tpu.memory_space<vmem>> -> memref<1x128x128xf32, #tpu.memory_space<vmem>>
      %dma_start3A_252 = tpu.memref_squeeze %dma_start3A_251 : memref<1x128x128xf32, #tpu.memory_space<vmem>> -> memref<128x128xf32, #tpu.memory_space<vmem>>
      %dma_start3A_253 = arith.constant 0 : i32
      %dma_start3A_254 = tpu.memref_slice %arg4[%mul3A_247, %dma_start3A_253] : memref<1000064x128xf32, #tpu.memory_space<hbm>> -> memref<128x128xf32, #tpu.memory_space<hbm>>
      %dma_start3A_255 = arith.constant 0 : i32
      %dma_start3A_256 = tpu.memref_slice %arg4[%mul3A_247, %dma_start3A_255] : memref<1000064x128xf32, #tpu.memory_space<hbm>> -> memref<128x128xf32, #tpu.memory_space<hbm>>
      %dma_start3A_257 = arith.constant 0 : i32
      %dma_start3A_258 = arith.constant 0 : i32
      %dma_start3A_259 = tpu.memref_slice %arg6[%dma_start3A_248, %dma_start3A_257, %dma_start3A_258] : memref<2x128x128xf32, #tpu.memory_space<vmem>> -> memref<1x128x128xf32, #tpu.memory_space<vmem>>
      %dma_start3A_260 = tpu.memref_squeeze %dma_start3A_259 : memref<1x128x128xf32, #tpu.memory_space<vmem>> -> memref<128x128xf32, #tpu.memory_space<vmem>>
      tpu.enqueue_dma source(%dma_start3A_260 : memref<128x128xf32, #tpu.memory_space<vmem>>) target(%dma_start3A_256 : memref<128x128xf32, #tpu.memory_space<hbm>>) target_semaphore(%arg10 : memref<!tpu.dma_semaphore, #tpu.memory_space<semaphore_mem>>)
      %add3A_261 = arith.constant 2 : i32
      %add3A_262 = arith.addi %add3A_212, %add3A_261 : i32
      %lt3A_263 = arith.constant 245 : i32
      %lt3A_264 = arith.cmpi slt, %add3A_262, %lt3A_263 : i32
      %convert_element_type3A_265 = arith.extui %lt3A_264 : i1 to i32
      %cond3A_266 = arith.constant 0 : i32
      %cond3A_267 = arith.cmpi ne, %convert_element_type3A_265, %cond3A_266 : i32
      scf.if %cond3A_267 {
        %add3A_268 = arith.constant 2 : i32
        %add3A_269 = arith.addi %add3A_212, %add3A_268 : i32
        %mul3A_270 = arith.constant 32 : i32
        %mul3A_271 = arith.muli %add3A_269, %mul3A_270 : i32
        %add3A_272 = arith.addi %add3A, %mul3A_271 : i32
        %rem3A_273 = arith.constant 7812 : i32
        %rem3A_274 = arith.remsi %add3A_272, %rem3A_273 : i32
        %mul3A_275 = arith.constant 128 : i32
        %mul3A_276 = arith.muli %rem3A_274, %mul3A_275 : i32
        %dma_start3A_277 = arith.constant 1 : i32
        %dma_start3A_278 = arith.constant 0 : i32
        %dma_start3A_279 = arith.constant 0 : i32
        %dma_start3A_280 = tpu.memref_slice %arg5[%dma_start3A_277, %dma_start3A_278, %dma_start3A_279] : memref<2x64x128xf32, #tpu.memory_space<vmem>> -> memref<1x64x128xf32, #tpu.memory_space<vmem>>
        %dma_start3A_281 = tpu.memref_squeeze %dma_start3A_280 : memref<1x64x128xf32, #tpu.memory_space<vmem>> -> memref<64x128xf32, #tpu.memory_space<vmem>>
        %dma_start3A_282 = arith.constant 0 : i32
        %dma_start3A_283 = tpu.memref_slice %arg2[%dma_start3A_282, %mul3A_276] : memref<64x1000000xf32, #tpu.memory_space<hbm>> -> memref<64x128xf32, #tpu.memory_space<hbm>>
        %dma_start3A_284 = arith.constant 0 : i32
        %dma_start3A_285 = arith.constant 0 : i32
        %dma_start3A_286 = tpu.memref_slice %arg5[%dma_start3A_277, %dma_start3A_284, %dma_start3A_285] : memref<2x64x128xf32, #tpu.memory_space<vmem>> -> memref<1x64x128xf32, #tpu.memory_space<vmem>>
        %dma_start3A_287 = tpu.memref_squeeze %dma_start3A_286 : memref<1x64x128xf32, #tpu.memory_space<vmem>> -> memref<64x128xf32, #tpu.memory_space<vmem>>
        %dma_start3A_288 = arith.constant 0 : i32
        %dma_start3A_289 = tpu.memref_slice %arg2[%dma_start3A_288, %mul3A_276] : memref<64x1000000xf32, #tpu.memory_space<hbm>> -> memref<64x128xf32, #tpu.memory_space<hbm>>
        tpu.enqueue_dma source(%dma_start3A_289 : memref<64x128xf32, #tpu.memory_space<hbm>>) target(%dma_start3A_287 : memref<64x128xf32, #tpu.memory_space<vmem>>) target_semaphore(%arg8 : memref<!tpu.dma_semaphore, #tpu.memory_space<semaphore_mem>>)
      } else {
      }
    }
    %scan3A_56 = arith.constant 122 : i32
    %add3A_57 = arith.constant 7808 : i32
    %add3A_58 = arith.addi %add3A, %add3A_57 : i32
    %rem3A_59 = arith.constant 7812 : i32
    %rem3A_60 = arith.remsi %add3A_58, %rem3A_59 : i32
    %mul3A_61 = arith.constant 128 : i32
    %mul3A_62 = arith.muli %rem3A_60, %mul3A_61 : i32
    %dma_wait3A = arith.constant 0 : i32
    %dma_wait3A_63 = arith.constant 0 : i32
    %dma_wait3A_64 = arith.constant 0 : i32
    %dma_wait3A_65 = tpu.memref_slice %arg5[%dma_wait3A, %dma_wait3A_63, %dma_wait3A_64] : memref<2x64x128xf32, #tpu.memory_space<vmem>> -> memref<1x64x128xf32, #tpu.memory_space<vmem>>
    %dma_wait3A_66 = tpu.memref_squeeze %dma_wait3A_65 : memref<1x64x128xf32, #tpu.memory_space<vmem>> -> memref<64x128xf32, #tpu.memory_space<vmem>>
    %dma_wait3A_67 = arith.constant 0 : i32
    %dma_wait3A_68 = tpu.memref_slice %arg2[%dma_wait3A_67, %mul3A_62] : memref<64x1000000xf32, #tpu.memory_space<hbm>> -> memref<64x128xf32, #tpu.memory_space<hbm>>
    %dma_wait3A_69 = arith.constant 0 : i32
    %dma_wait3A_70 = arith.constant 0 : i32
    %dma_wait3A_71 = tpu.memref_slice %arg5[%dma_wait3A, %dma_wait3A_69, %dma_wait3A_70] : memref<2x64x128xf32, #tpu.memory_space<vmem>> -> memref<1x64x128xf32, #tpu.memory_space<vmem>>
    %dma_wait3A_72 = tpu.memref_squeeze %dma_wait3A_71 : memref<1x64x128xf32, #tpu.memory_space<vmem>> -> memref<64x128xf32, #tpu.memory_space<vmem>>
    %dma_wait3A_73 = arith.constant 0 : i32
    %dma_wait3A_74 = tpu.memref_slice %arg2[%dma_wait3A_73, %mul3A_62] : memref<64x1000000xf32, #tpu.memory_space<hbm>> -> memref<64x128xf32, #tpu.memory_space<hbm>>
    tpu.wait_dma2 semaphore(%arg7 : memref<!tpu.dma_semaphore, #tpu.memory_space<semaphore_mem>>) src(%dma_wait3A_74 : memref<64x128xf32, #tpu.memory_space<hbm>>) dst(%dma_wait3A_72 : memref<64x128xf32, #tpu.memory_space<vmem>>)
    %add3A_75 = arith.constant 7744 : i32
    %add3A_76 = arith.addi %add3A, %add3A_75 : i32
    %rem3A_77 = arith.constant 7812 : i32
    %rem3A_78 = arith.remsi %add3A_76, %rem3A_77 : i32
    %mul3A_79 = arith.constant 128 : i32
    %mul3A_80 = arith.muli %rem3A_78, %mul3A_79 : i32
    %dma_wait3A_81 = arith.constant 0 : i32
    %dma_wait3A_82 = arith.constant 0 : i32
    %dma_wait3A_83 = arith.constant 0 : i32
    %dma_wait3A_84 = tpu.memref_slice %arg6[%dma_wait3A_81, %dma_wait3A_82, %dma_wait3A_83] : memref<2x128x128xf32, #tpu.memory_space<vmem>> -> memref<1x128x128xf32, #tpu.memory_space<vmem>>
    %dma_wait3A_85 = tpu.memref_squeeze %dma_wait3A_84 : memref<1x128x128xf32, #tpu.memory_space<vmem>> -> memref<128x128xf32, #tpu.memory_space<vmem>>
    %dma_wait3A_86 = arith.constant 0 : i32
    %dma_wait3A_87 = tpu.memref_slice %arg4[%mul3A_80, %dma_wait3A_86] : memref<1000064x128xf32, #tpu.memory_space<hbm>> -> memref<128x128xf32, #tpu.memory_space<hbm>>
    %dma_wait3A_88 = arith.constant 0 : i32
    %dma_wait3A_89 = tpu.memref_slice %arg4[%mul3A_80, %dma_wait3A_88] : memref<1000064x128xf32, #tpu.memory_space<hbm>> -> memref<128x128xf32, #tpu.memory_space<hbm>>
    %dma_wait3A_90 = arith.constant 0 : i32
    %dma_wait3A_91 = arith.constant 0 : i32
    %dma_wait3A_92 = tpu.memref_slice %arg6[%dma_wait3A_81, %dma_wait3A_90, %dma_wait3A_91] : memref<2x128x128xf32, #tpu.memory_space<vmem>> -> memref<1x128x128xf32, #tpu.memory_space<vmem>>
    %dma_wait3A_93 = tpu.memref_squeeze %dma_wait3A_92 : memref<1x128x128xf32, #tpu.memory_space<vmem>> -> memref<128x128xf32, #tpu.memory_space<vmem>>
    tpu.wait_dma2 semaphore(%arg9 : memref<!tpu.dma_semaphore, #tpu.memory_space<semaphore_mem>>) src(%dma_wait3A_93 : memref<128x128xf32, #tpu.memory_space<vmem>>) dst(%dma_wait3A_89 : memref<128x128xf32, #tpu.memory_space<hbm>>)
    %parallel_loop3A = arith.constant 0 : i32
    %parallel_loop3A_94 = arith.constant 128 : i32
    %parallel_loop3A_95 = arith.constant 1 : i32
    scf.for %parallel_loop3A_153 = %parallel_loop3A to %parallel_loop3A_94 step %parallel_loop3A_95  : i32 {
      %parallel_loop3A_154 = vector.broadcast %parallel_loop3A_153 : i32 to vector<16xi32>
      %parallel_loop3A_155 = arith.addi %broadcast_in_dim3A_15, %parallel_loop3A_154 : vector<16xi32>
      %parallel_loop3A_156 = arith.constant 0 : i32
      %parallel_loop3A_157 = arith.constant 0 : i32
      %parallel_loop3A_158 = arith.constant 0 : i32
      %parallel_loop3A_159 = tpu.memref_slice %arg5[%parallel_loop3A_156, %parallel_loop3A_157, %parallel_loop3A_158] : memref<2x64x128xf32, #tpu.memory_space<vmem>> -> memref<1x64x128xf32, #tpu.memory_space<vmem>>
      %parallel_loop3A_160 = tpu.memref_squeeze %parallel_loop3A_159 : memref<1x64x128xf32, #tpu.memory_space<vmem>> -> memref<64x128xf32, #tpu.memory_space<vmem>>
      %parallel_loop3A_161 = tpu.vector_load_idx %parallel_loop3A_160[%add3A_5, %parallel_loop3A_155] : memref<64x128xf32, #tpu.memory_space<vmem>>[vector<16xi32>, vector<16xi32>], vector<16xf32>,
      %parallel_loop3A_162 = arith.constant 0 : i32
      %parallel_loop3A_163 = arith.index_cast %parallel_loop3A_162 : i32 to index
      %parallel_loop3A_164 = arith.index_cast %parallel_loop3A_153 : i32 to index
      %parallel_loop3A_165 = arith.constant 0 : index
      %parallel_loop3A_166 = tpu.vector_load %arg6[%parallel_loop3A_163, %parallel_loop3A_164, %parallel_loop3A_165] {strides = array<i32>} : memref<2x128x128xf32, #tpu.memory_space<vmem>>, vector<16xf32>,
      tpu.vector_store %arg6[%parallel_loop3A_163, %parallel_loop3A_164, %parallel_loop3A_165], %parallel_loop3A_161 {strides = array<i32>} : memref<2x128x128xf32, #tpu.memory_space<vmem>>, vector<16xf32>,
      %parallel_loop3A_167 = arith.constant 0 : i32
      %parallel_loop3A_168 = arith.constant 0 : i32
      %parallel_loop3A_169 = arith.constant 0 : i32
      %parallel_loop3A_170 = tpu.memref_slice %arg5[%parallel_loop3A_167, %parallel_loop3A_168, %parallel_loop3A_169] : memref<2x64x128xf32, #tpu.memory_space<vmem>> -> memref<1x64x128xf32, #tpu.memory_space<vmem>>
      %parallel_loop3A_171 = tpu.memref_squeeze %parallel_loop3A_170 : memref<1x64x128xf32, #tpu.memory_space<vmem>> -> memref<64x128xf32, #tpu.memory_space<vmem>>
      %parallel_loop3A_172 = tpu.vector_load_idx %parallel_loop3A_171[%add3A_8, %parallel_loop3A_155] : memref<64x128xf32, #tpu.memory_space<vmem>>[vector<16xi32>, vector<16xi32>], vector<16xf32>,
      %parallel_loop3A_173 = arith.constant 0 : i32
      %parallel_loop3A_174 = arith.index_cast %parallel_loop3A_173 : i32 to index
      %parallel_loop3A_175 = arith.index_cast %parallel_loop3A_153 : i32 to index
      %parallel_loop3A_176 = arith.constant 16 : index
      %parallel_loop3A_177 = tpu.vector_load %arg6[%parallel_loop3A_174, %parallel_loop3A_175, %parallel_loop3A_176] {strides = array<i32>} : memref<2x128x128xf32, #tpu.memory_space<vmem>>, vector<16xf32>,
      tpu.vector_store %arg6[%parallel_loop3A_174, %parallel_loop3A_175, %parallel_loop3A_176], %parallel_loop3A_172 {strides = array<i32>} : memref<2x128x128xf32, #tpu.memory_space<vmem>>, vector<16xf32>,
      %parallel_loop3A_178 = arith.constant 0 : i32
      %parallel_loop3A_179 = arith.constant 0 : i32
      %parallel_loop3A_180 = arith.constant 0 : i32
      %parallel_loop3A_181 = tpu.memref_slice %arg5[%parallel_loop3A_178, %parallel_loop3A_179, %parallel_loop3A_180] : memref<2x64x128xf32, #tpu.memory_space<vmem>> -> memref<1x64x128xf32, #tpu.memory_space<vmem>>
      %parallel_loop3A_182 = tpu.memref_squeeze %parallel_loop3A_181 : memref<1x64x128xf32, #tpu.memory_space<vmem>> -> memref<64x128xf32, #tpu.memory_space<vmem>>
      %parallel_loop3A_183 = tpu.vector_load_idx %parallel_loop3A_182[%add3A_11, %parallel_loop3A_155] : memref<64x128xf32, #tpu.memory_space<vmem>>[vector<16xi32>, vector<16xi32>], vector<16xf32>,
      %parallel_loop3A_184 = arith.constant 0 : i32
      %parallel_loop3A_185 = arith.index_cast %parallel_loop3A_184 : i32 to index
      %parallel_loop3A_186 = arith.index_cast %parallel_loop3A_153 : i32 to index
      %parallel_loop3A_187 = arith.constant 32 : index
      %parallel_loop3A_188 = tpu.vector_load %arg6[%parallel_loop3A_185, %parallel_loop3A_186, %parallel_loop3A_187] {strides = array<i32>} : memref<2x128x128xf32, #tpu.memory_space<vmem>>, vector<16xf32>,
      tpu.vector_store %arg6[%parallel_loop3A_185, %parallel_loop3A_186, %parallel_loop3A_187], %parallel_loop3A_183 {strides = array<i32>} : memref<2x128x128xf32, #tpu.memory_space<vmem>>, vector<16xf32>,
      %parallel_loop3A_189 = arith.constant 0 : i32
      %parallel_loop3A_190 = arith.constant 0 : i32
      %parallel_loop3A_191 = arith.constant 0 : i32
      %parallel_loop3A_192 = tpu.memref_slice %arg5[%parallel_loop3A_189, %parallel_loop3A_190, %parallel_loop3A_191] : memref<2x64x128xf32, #tpu.memory_space<vmem>> -> memref<1x64x128xf32, #tpu.memory_space<vmem>>
      %parallel_loop3A_193 = tpu.memref_squeeze %parallel_loop3A_192 : memref<1x64x128xf32, #tpu.memory_space<vmem>> -> memref<64x128xf32, #tpu.memory_space<vmem>>
      %parallel_loop3A_194 = tpu.vector_load_idx %parallel_loop3A_193[%add3A_14, %parallel_loop3A_155] : memref<64x128xf32, #tpu.memory_space<vmem>>[vector<16xi32>, vector<16xi32>], vector<16xf32>,
      %parallel_loop3A_195 = arith.constant 0 : i32
      %parallel_loop3A_196 = arith.index_cast %parallel_loop3A_195 : i32 to index
      %parallel_loop3A_197 = arith.index_cast %parallel_loop3A_153 : i32 to index
      %parallel_loop3A_198 = arith.constant 48 : index
      %parallel_loop3A_199 = tpu.vector_load %arg6[%parallel_loop3A_196, %parallel_loop3A_197, %parallel_loop3A_198] {strides = array<i32>} : memref<2x128x128xf32, #tpu.memory_space<vmem>>, vector<16xf32>,
      tpu.vector_store %arg6[%parallel_loop3A_196, %parallel_loop3A_197, %parallel_loop3A_198], %parallel_loop3A_194 {strides = array<i32>} : memref<2x128x128xf32, #tpu.memory_space<vmem>>, vector<16xf32>,
    } {sc.loop_unroll_factor = 16 : i64, sc.parallel_access}
    %add3A_96 = arith.constant 7808 : i32
    %add3A_97 = arith.addi %add3A, %add3A_96 : i32
    %rem3A_98 = arith.constant 7812 : i32
    %rem3A_99 = arith.remsi %add3A_97, %rem3A_98 : i32
    %mul3A_100 = arith.constant 128 : i32
    %mul3A_101 = arith.muli %rem3A_99, %mul3A_100 : i32
    %dma_start3A_102 = arith.constant 0 : i32
    %dma_start3A_103 = arith.constant 0 : i32
    %dma_start3A_104 = arith.constant 0 : i32
    %dma_start3A_105 = tpu.memref_slice %arg6[%dma_start3A_102, %dma_start3A_103, %dma_start3A_104] : memref<2x128x128xf32, #tpu.memory_space<vmem>> -> memref<1x128x128xf32, #tpu.memory_space<vmem>>
    %dma_start3A_106 = tpu.memref_squeeze %dma_start3A_105 : memref<1x128x128xf32, #tpu.memory_space<vmem>> -> memref<128x128xf32, #tpu.memory_space<vmem>>
    %dma_start3A_107 = arith.constant 0 : i32
    %dma_start3A_108 = tpu.memref_slice %arg4[%mul3A_101, %dma_start3A_107] : memref<1000064x128xf32, #tpu.memory_space<hbm>> -> memref<128x128xf32, #tpu.memory_space<hbm>>
    %dma_start3A_109 = arith.constant 0 : i32
    %dma_start3A_110 = tpu.memref_slice %arg4[%mul3A_101, %dma_start3A_109] : memref<1000064x128xf32, #tpu.memory_space<hbm>> -> memref<128x128xf32, #tpu.memory_space<hbm>>
    %dma_start3A_111 = arith.constant 0 : i32
    %dma_start3A_112 = arith.constant 0 : i32
    %dma_start3A_113 = tpu.memref_slice %arg6[%dma_start3A_102, %dma_start3A_111, %dma_start3A_112] : memref<2x128x128xf32, #tpu.memory_space<vmem>> -> memref<1x128x128xf32, #tpu.memory_space<vmem>>
    %dma_start3A_114 = tpu.memref_squeeze %dma_start3A_113 : memref<1x128x128xf32, #tpu.memory_space<vmem>> -> memref<128x128xf32, #tpu.memory_space<vmem>>
    tpu.enqueue_dma source(%dma_start3A_114 : memref<128x128xf32, #tpu.memory_space<vmem>>) target(%dma_start3A_110 : memref<128x128xf32, #tpu.memory_space<hbm>>) target_semaphore(%arg9 : memref<!tpu.dma_semaphore, #tpu.memory_space<semaphore_mem>>)
    %add3A_115 = arith.constant 7776 : i32
    %add3A_116 = arith.addi %add3A, %add3A_115 : i32
    %rem3A_117 = arith.constant 7812 : i32
    %rem3A_118 = arith.remsi %add3A_116, %rem3A_117 : i32
    %mul3A_119 = arith.constant 128 : i32
    %mul3A_120 = arith.muli %rem3A_118, %mul3A_119 : i32
    %dma_wait3A_121 = arith.constant 1 : i32
    %dma_wait3A_122 = arith.constant 0 : i32
    %dma_wait3A_123 = arith.constant 0 : i32
    %dma_wait3A_124 = tpu.memref_slice %arg6[%dma_wait3A_121, %dma_wait3A_122, %dma_wait3A_123] : memref<2x128x128xf32, #tpu.memory_space<vmem>> -> memref<1x128x128xf32, #tpu.memory_space<vmem>>
    %dma_wait3A_125 = tpu.memref_squeeze %dma_wait3A_124 : memref<1x128x128xf32, #tpu.memory_space<vmem>> -> memref<128x128xf32, #tpu.memory_space<vmem>>
    %dma_wait3A_126 = arith.constant 0 : i32
    %dma_wait3A_127 = tpu.memref_slice %arg4[%mul3A_120, %dma_wait3A_126] : memref<1000064x128xf32, #tpu.memory_space<hbm>> -> memref<128x128xf32, #tpu.memory_space<hbm>>
    %dma_wait3A_128 = arith.constant 0 : i32
    %dma_wait3A_129 = tpu.memref_slice %arg4[%mul3A_120, %dma_wait3A_128] : memref<1000064x128xf32, #tpu.memory_space<hbm>> -> memref<128x128xf32, #tpu.memory_space<hbm>>
    %dma_wait3A_130 = arith.constant 0 : i32
    %dma_wait3A_131 = arith.constant 0 : i32
    %dma_wait3A_132 = tpu.memref_slice %arg6[%dma_wait3A_121, %dma_wait3A_130, %dma_wait3A_131] : memref<2x128x128xf32, #tpu.memory_space<vmem>> -> memref<1x128x128xf32, #tpu.memory_space<vmem>>
    %dma_wait3A_133 = tpu.memref_squeeze %dma_wait3A_132 : memref<1x128x128xf32, #tpu.memory_space<vmem>> -> memref<128x128xf32, #tpu.memory_space<vmem>>
    tpu.wait_dma2 semaphore(%arg10 : memref<!tpu.dma_semaphore, #tpu.memory_space<semaphore_mem>>) src(%dma_wait3A_133 : memref<128x128xf32, #tpu.memory_space<vmem>>) dst(%dma_wait3A_129 : memref<128x128xf32, #tpu.memory_space<hbm>>)
    %add3A_134 = arith.constant 7808 : i32
    %add3A_135 = arith.addi %add3A, %add3A_134 : i32
    %rem3A_136 = arith.constant 7812 : i32
    %rem3A_137 = arith.remsi %add3A_135, %rem3A_136 : i32
    %mul3A_138 = arith.constant 128 : i32
    %mul3A_139 = arith.muli %rem3A_137, %mul3A_138 : i32
    %dma_wait3A_140 = arith.constant 0 : i32
    %dma_wait3A_141 = arith.constant 0 : i32
    %dma_wait3A_142 = arith.constant 0 : i32
    %dma_wait3A_143 = tpu.memref_slice %arg6[%dma_wait3A_140, %dma_wait3A_141, %dma_wait3A_142] : memref<2x128x128xf32, #tpu.memory_space<vmem>> -> memref<1x128x128xf32, #tpu.memory_space<vmem>>
    %dma_wait3A_144 = tpu.memref_squeeze %dma_wait3A_143 : memref<1x128x128xf32, #tpu.memory_space<vmem>> -> memref<128x128xf32, #tpu.memory_space<vmem>>
    %dma_wait3A_145 = arith.constant 0 : i32
    %dma_wait3A_146 = tpu.memref_slice %arg4[%mul3A_139, %dma_wait3A_145] : memref<1000064x128xf32, #tpu.memory_space<hbm>> -> memref<128x128xf32, #tpu.memory_space<hbm>>
    %dma_wait3A_147 = arith.constant 0 : i32
    %dma_wait3A_148 = tpu.memref_slice %arg4[%mul3A_139, %dma_wait3A_147] : memref<1000064x128xf32, #tpu.memory_space<hbm>> -> memref<128x128xf32, #tpu.memory_space<hbm>>
    %dma_wait3A_149 = arith.constant 0 : i32
    %dma_wait3A_150 = arith.constant 0 : i32
    %dma_wait3A_151 = tpu.memref_slice %arg6[%dma_wait3A_140, %dma_wait3A_149, %dma_wait3A_150] : memref<2x128x128xf32, #tpu.memory_space<vmem>> -> memref<1x128x128xf32, #tpu.memory_space<vmem>>
    %dma_wait3A_152 = tpu.memref_squeeze %dma_wait3A_151 : memref<1x128x128xf32, #tpu.memory_space<vmem>> -> memref<128x128xf32, #tpu.memory_space<vmem>>
    tpu.wait_dma2 semaphore(%arg9 : memref<!tpu.dma_semaphore, #tpu.memory_space<semaphore_mem>>) src(%dma_wait3A_152 : memref<128x128xf32, #tpu.memory_space<vmem>>) dst(%dma_wait3A_148 : memref<128x128xf32, #tpu.memory_space<hbm>>)
    return
  }
}

</mosaic_0001>

<sc_bundles>
// kernel: kernel.4.cloned.1.call-start
scs
__scs_entry_jumppad:
0x0: {  	(pc) =	sbr.rel $0x88, $3  }
0x1: {  	(tag) =	ssettag $0x0;
	lr =	simm.s32 $0x1  }
0x2: {  	[smem:$0x3F9F] =	sst lr;
	_ =	strace $0xD0000000  }
0x3: {  	_ = 	snop  }
0x4: {  	_ = 	snop  }
0x5: {  	_ = 	snop  }
0x6: {  	_ = 	snop  }
0x7: {  	_ = 	snop  }
__scs_overlays_trampoline_lowered:
0x8: {  	[smem:$0x3FAE] =	sst s0  }
0x9: {  	[smem:$0x3FAF] =	sst s1  }
0xa: {  	[smem:$0x3FB0] =	sst s2  }
0xb: {  	[smem:$0x3FB1] =	sst s3  }
0xc: {  	[smem:$0x3FB2] =	sst s4  }
0xd: {  	[smem:$0x3FB3] =	sst s5  }
0xe: {  	[smem:$0x3FB4] =	sst s6  }
0xf: {  	[smem:$0x3FB5] =	sst s7  }
0x10: {  	[smem:$0x3FB6] =	sst s8  }
0x11: {  	[smem:$0x3FB7] =	sst s9;
	s0 =	simm.s32 @!p0 $0x0  }
0x12: {  	s1 =	sld [smem:$0x3F9D];
	s0 =	simm.s32 @p0 $0x1  }
0x13: {  	[smem:$0x3FB8] =	sst s0;
	s0 =	simm.s32 @!p1 $0x0  }
0x14: {  	s2 =	sld [smem:$0x3F9C];
	s0 =	simm.s32 @p1 $0x1  }
0x15: {  	[smem:$0x3FB9] =	sst s0;
	s0 =	simm.s32 @!p2 $0x0  }
0x16: {  	s3 =	sld [smem:$0x3FDB];
	s0 =	simm.s32 @p2 $0x1  }
0x17: {  	s4 =	simm.s32 $0x1BF5;
	[smem:$0x3FBB] =	sst s0  }
0x18: {  	s0 =	sld [smem:$0x3F9E];
	_ =	swait.ge [sflag:s4], $0x0  }
0x19: {  	s7 =	sld [smem:$0x3F9F]  }
0x1a: {  	s8 =	sadd.s32 $0xFFFFE003, lr  }
0x1b: {  	s9 =	sadd.s32 $0xFFFFFEF7, lr;
	s5 =	simm.s32 $0xFFFFFFFF;
	p2 =	slt.u32 s8, $0xFFFFF086  }
0x1c: {  	p1 =	slt.u32 s9, $0xF7A;
	s5 =	simm.s32 @!p2 $0x0  }
0x1d: {  	s5 =	simm.s32 @p1 $0x1;
	p0 =	seq.s32 s7, s2  }
0x1e: {  	s7 =	smul.u32 @!p0 $0xF7A, s2;
	p2 =	seq.s32 @!p0 s5, $0x0  }
0x1f: {  	s9 =	smul.u32 $0xF7A, s1;
	s8 =	simm.s32 @!p0 $0x1BF5;
	p2 =	por !p2, p0  }
0x20: {  	[sflag:s8] =	ssyncset.s32 @!p0 $0xFFFFF086;
	s6 =	sadd.s32 @!p0 s3, s7;
	s7 =	simm.s32 @!p0 $0x108  }
0x21: {  	s3 =	sadd.s32 s3, s9;
	s6 =	sadd.s32 @!p0 $0x88, s6;
	s7 =	simm.s32 @p2 $0x1082  }
0x22: {  	[simem:s7], [sflag:s8] =	dma.local @!p0 [hbm:s6], $0xF7A  }
0x23: {  	s9 =	sor.u32 $0xD0000000, s2;
	s6 =	simm.s32 $0x108;
	_ =	swait.ge @!p0 [sflag:s8], $0x0  }
0x24: {  	s3 =	sadd.s32 $0x88, s3;
	s6 =	simm.s32 @!p1 $0x1082;
	[sflag:s4] =	ssyncset.s32 $0xFFFFF086  }
0x25: {  	[simem:s6], [sflag:s4] =	dma.local [hbm:s3], $0xF7A  }
0x26: {  	[smem:$0x3F9F] =	sst s1;
	(tag) =	ssettag s2;
	_ =	strace s9  }
0x27: {  	s1 =	sld [smem:$0x3FAF]  }
0x28: {  	s2 =	sld [smem:$0x3FB0]  }
0x29: {  	s4 =	sld [smem:$0x3FB2]  }
0x2a: {  	p0 =	seq.s32 s5, $0x0;
	s5 =	sld [smem:$0x3FB3]  }
0x2b: {  	s6 =	sld [smem:$0x3FB4]  }
0x2c: {  	s7 =	sld [smem:$0x3FB5]  }
0x2d: {  	s3 =	simm.s32 $0x108;
	s8 =	sld [smem:$0x3FB6]  }
0x2e: {  	s3 =	simm.s32 @!p0 $0x1082;
	s9 =	sld [smem:$0x3FB7]  }
0x2f: {  	lr =	sadd.s32 s0, s3;
	s0 =	sld [smem:$0x3FAE]  }
0x30: {  	s3 =	sld [smem:$0x3FB1]  }
0x31: {  	[smem:$0x3FBA] =	sst s10  }
0x32: {  	s10 =	sld [smem:$0x3FB8];
	_ =	sdelay $0x3  }
0x33: {  	p0 =	seq.s32 s10, $0x1;
	s10 =	sld [smem:$0x3FBA];
	_ =	sdelay $0x3  }
0x34: {  	[smem:$0x3FBA] =	sst s10  }
0x35: {  	s10 =	sld [smem:$0x3FB9];
	_ =	sdelay $0x3  }
0x36: {  	p1 =	seq.s32 s10, $0x1;
	s10 =	sld [smem:$0x3FBA];
	_ =	sdelay $0x3  }
0x37: {  	[smem:$0x3FBA] =	sst s10  }
0x38: {  	s10 =	sld [smem:$0x3FBB]  }
0x39: {  	_ = 	snop;
	(pc) =	sbr.ind lr, $3  }
0x3a: {  	_ = 	snop  }
0x3b: {  	_ = 	snop  }
0x3c: {  	p2 =	seq.s32 s10, $0x1;
	s10 =	sld [smem:$0x3FBA]  }
0x3d: {  	_ =	shalt  }
0x3e: {  	_ =	shalt  }
0x3f: {  	_ =	shalt  }
0x40: {  	_ =	shalt  }
0x41: {  	_ =	shalt  }
0x42: {  	_ =	shalt  }
0x43: {  	_ =	shalt  }
0x44: {  	_ =	shalt  }
0x45: {  	_ =	shalt  }
0x46: {  	_ =	shalt  }
0x47: {  	_ =	shalt  }
0x48: {  	_ =	shalt  }
0x49: {  	_ =	shalt  }
0x4a: {  	_ =	shalt  }
0x4b: {  	_ =	shalt  }
0x4c: {  	_ =	shalt  }
0x4d: {  	_ =	shalt  }
0x4e: {  	_ =	shalt  }
0x4f: {  	_ =	shalt  }
0x50: {  	_ =	shalt  }
0x51: {  	_ =	shalt  }
0x52: {  	_ =	shalt  }
0x53: {  	_ =	shalt  }
0x54: {  	_ =	shalt  }
0x55: {  	_ =	shalt  }
0x56: {  	_ =	shalt  }
0x57: {  	_ =	shalt  }
0x58: {  	_ =	shalt  }
0x59: {  	_ =	shalt  }
0x5a: {  	_ =	shalt  }
0x5b: {  	_ =	shalt  }
0x5c: {  	_ =	shalt  }
0x5d: {  	_ =	shalt  }
0x5e: {  	_ =	shalt  }
0x5f: {  	_ =	shalt  }
0x60: {  	_ =	shalt  }
0x61: {  	_ =	shalt  }
0x62: {  	_ =	shalt  }
0x63: {  	_ =	shalt  }
0x64: {  	_ =	shalt  }
0x65: {  	_ =	shalt  }
0x66: {  	_ =	shalt  }
0x67: {  	_ =	shalt  }
0x68: {  	_ =	shalt  }
0x69: {  	_ =	shalt  }
0x6a: {  	_ =	shalt  }
0x6b: {  	_ =	shalt  }
0x6c: {  	_ =	shalt  }
0x6d: {  	_ =	shalt  }
0x6e: {  	_ =	shalt  }
0x6f: {  	_ =	shalt  }
0x70: {  	_ =	shalt  }
0x71: {  	_ =	shalt  }
0x72: {  	_ =	shalt  }
0x73: {  	_ =	shalt  }
0x74: {  	_ =	shalt  }
0x75: {  	_ =	shalt  }
0x76: {  	_ =	shalt  }
0x77: {  	_ =	shalt  }
0x78: {  	_ =	shalt  }
0x79: {  	_ =	shalt  }
0x7a: {  	_ =	shalt  }
0x7b: {  	_ =	shalt  }
0x7c: {  	_ =	shalt  }
0x7d: {  	_ =	shalt  }
0x7e: {  	_ =	shalt  }
0x7f: {  	_ =	shalt  }
0x80: {  	_ =	shalt  }
0x81: {  	_ =	shalt  }
0x82: {  	_ =	shalt  }
0x83: {  	_ =	shalt  }
0x84: {  	_ =	shalt  }
0x85: {  	_ =	shalt  }
0x86: {  	_ =	shalt  }
0x87: {  	_ =	shalt  }
.Lfunc_end0:
.L_simem_size_0:
called_computation.1_lowered:
.L_overlay_start_0:
0x88: {  	s2 =	sld [smem:$0x3FD9]  }
0x89: {  	s3 =	sld [smem:$0x3FFE];
	_ =	sdelay $0x1  }
0x8a: {  	s1 =	srdreg.scid  }
0x8b: {  	s0 =	sand.u32 $0x1, s1  }
0x8c: {  	s17 =	sshll.u32 s0, $0xA;
	s2 =	sadd.s32 s3, s2  }
0x8d: {  	s2 =	sadd.s32 s2, s17  }
0x8e: {  	[smem:$0x3FC6] =	sst s2  }
0x8f: {  	_ = 	snop  }
0x90: {  	s2 =	sld [smem:$0x3FC8];
	(tm) =	ssettm $0x1  }
0x91: {  	s18 =	sld [smem:$0x3FFB];
	_ =	sdelay $0x3  }
0x92: {  	_ =	strace s18  }
0x93: {  	s3 =	sld [smem:$0x3FFC];
	_ =	sdelay $0x3  }
0x94: {  	_ =	strace s3  }
0x95: {  	s3 =	sld [smem:$0x3FFD];
	_ =	sdelay $0x3  }
0x96: {  	_ =	strace s3  }
0x97: {  	_ =	strace $0x8FFFFFFF  }
0x98: {  	s19 =	sld [smem:$0x3FDB];
	_ =	sdelay $0x1  }
0x99: {  	s4 =	simm.s32 $_scs_section_size  }
0x9a: {  	s5 =	simm.s32 $_size__tile_overlayer_lowered;
	s6 =	simm.s32 $_tile_overlayer_lowered  }
0x9b: {  	s22 =	simm.s32 $0x1BFF;
	s21 =	sshll.u32 s6, $0x1;
	s3 =	sadd.s32 s4, s19  }
0x9c: {  	s7 =	simm.s32 $0x0;
	s20 =	sshll.u32 s5, $0x1;
	s5 =	sadd.s32 s21, s3  }
0x9d: {  	[timem:s7], [sflag:s22] =	dma.local [hbm:s5], s20  }
0x9e: {  	_ =	swait.ge [sflag:s22], s20  }
0x9f: {  	s4 =	ssub.s32 $0x0, s20;
	[sflag:s22] =	ssyncset.done $0x0  }
0xa0: {  	[sflag:s22] =	ssyncadd.s32 s4;
	_ =	sdelay $0x1  }
0xa1: {  	s23 =	simm.s32 $0x1B8B  }
0xa2: {  	_ =	swait.ge [sflag:s23], $0x1  }
0xa3: {  	[sflag:s23] =	ssyncset.done $0x0  }
0xa4: {  	s25 =	simm.s32 $0x1B8E;
	s24 =	sld [smem:$0x3FFE];
	[sflag:s23] =	ssyncadd.s32 $0xFFFFFFFF  }
0xa5: {  	s26 =	simm.s32 $execute0_lowered;
	[smem:$0x3FD2] =	sst s25  }
0xa6: {  	s5 =	sshll.u32 s26, $0x1;
	_ =	strace $0x80000046;
	[dreg:$0x1] =	wrdreg $0xFFFFFFFF  }
0xa7: {  	s28 =	simm.s32 $_size_execute0_lowered;
	s3 =	sadd.s32 s3, s5;
	[dreg:$0x0] =	wrdreg $0x0  }
0xa8: {  	s5 =	sshll.u32 s28, $0x1;
	[dreg:$0x2] =	wrdreg s3  }
0xa9: {  	[dreg:$0x3] =	wrdreg s5  }
0xaa: {  	[dreg:$0x4] =	wrdreg $0xC0  }
0xab: {  	_ =	task [dreg:s7], $0x5FFFF  }
0xac: {  	[dreg:$0x1] =	wrdreg $0xFFFFFFFF  }
0xad: {  	[dreg:$0x0] =	wrdreg $0x60  }
0xae: {  	[dreg:$0x2] =	wrdreg s2  }
0xaf: {  	[dreg:$0x3] =	wrdreg s24  }
0xb0: {  	[dreg:$0x4] =	wrdreg $0x9  }
0xb1: {  	_ =	task.clear_ibuf [dreg:s7], $0x5FFFF;
	_ =	strace $0x90000046  }
0xb2: {  	s29 =	simm.s32 $0x9;
	_ =	strace $0x80000048  }
0xb3: {  	_ =	swait.ge [sflag:s29], $0x1  }
0xb4: {  	[sflag:s29] =	ssyncadd.s32 $0xFFFFFFFF  }
0xb5: {  	_ =	strace $0x90000048  }
0xb6: {  	_ =	sfence  }
0xb7: {  	s30 =	sld [smem:$0x0];
	_ =	sdelay $0x2  }
0xb8: {  	s31 =	sshll.u32 s1, $0xD;
	s1 =	sshrl.u32 s1, $0x2  }
0xb9: {  	s3 =	sand.u32 $0x4000, s31;
	s1 =	sadd.s32 s1, s30  }
0xba: {  	s0 =	sor.u32 s3, s0;
	s1 =	sshll.u32 s1, $0x11  }
0xbb: {  	s0 =	sor.u32 s1, s0  }
0xbc: {  	s0 =	sadd.s32 $0x8F2B, s0  }
0xbd: {  	[sflag:s0] =	ssyncadd.remote.s32 $0x1  }
0xbe: {  	_ =	sfence.sel $0xFFFF  }
0xbf: {  	[dreg:$0x0] =	wrdreg $0xFFFFFFFF;
	(pc) =	sbr.abs _section_cstart, $3  }
0xc0: {  	[dreg:$0x1] =	wrdreg $0xFFFFFFFF  }
0xc1: {  	_ =	task.clear_ibuf [dreg:s7], $0x2FFFF;
	_ =	strace $0x9FFFFFFF  }
0xc2: {  	(tm) =	ssettm $0x7FFFFFFF  }
0xc3: {  	_ =	shalt  }
tec
execute0_lowered:
.L_overlay_start_1:
0x0: {  	(tag) =	ssettag $0x1  }
0x1: {  	s1 =	rddreg [dreg:$0x0]  }
0x2: {  	s8 =	rddreg [dreg:$0x1]  }
0x3: {  	s0 =	rddreg [dreg:$0x2];
	s3 =	simm.s32 $0x0  }
0x4: {  	s4 =	srdreg.scid;
	s2 =	stileid.u32;
	s14 =	simm.s32 $0x400  }
0x5: {  	s15 =	simm.s32 $0x7A1400;
	s16 =	simm.s32 $0x2000;
	s17 =	simm.s32 $0x1  }
0x6: {  	s18 =	simm.s32 $0x4000;
	s19 =	simm.s32 $0x2;
	s20 =	simm.s32 $0x8000  }
0x7: {  	s21 =	simm.s32 $0x3;
	s22 =	simm.s32 $0x4;
	s23 =	simm.s32 $0x0  }
0x8: {  	[smem:$0x7FF] =	sst s3;
	s5 =	sand.u32 $0x1, s4;
	s6 =	sshll.u32 s2, $0x1  }
0x9: {  	s4 =	sadd.s32 $0xE00, s8;
	_ =	strace $0x80000047;
	s7 =	ssub.s32 $0x2, s5  }
0xa: {  	s5 =	sor.u32 s5, s6;
	s6 =	sadd.s32 $0x1600, s8;
	s8 =	sadd.s32 $0xF43600, s8  }
0xb: {  	s9 =	sshrl.u32 s7, $0x1;
	s10 =	sor.u32 $0x1E80, s5;
	s31 =	sshll.u32 s5, $0x7  }
0xc: {  	v0 =	vlaneseq.u32;
	s13 =	ssub.s32 s7, s9;
	s11 =	sshll.u32 s10, $0xB;
	s7 =	sadd.s32 s1, s31  }
0xd: {  	v0 =	vmul.u32 $0x80, v0;
	p0 =	slt.u32 s10, $0x1E84;
	s10 =	sor.u32 $0x40, s5;
	s12 =	sadd.s32 $0xFF0BE000, s11  }
0xe: {  	s9 =	sadd.s32 $0x1000, s7;
	s13 =	smax.u32 s13, $0x1;
	s12 =	smov.u32 @p0 s11  }
0xf: {  	v1 =	vor.u32 $0x800, v0;
	v2 =	vor.u32 $0x1000, v0;
	v3 =	vor.u32 $0x1800, v0;
	s11 =	sor.u32 $0x60, s5;
	p0 =	sne.s32 s5, $0x0;
	s12 =	sadd.s32 s6, s12  }
.LBB2_1:
0x10: {  	s24 =	simm.s32 @!p0 $0x0;
	s25 =	simm.s32 @!p0 $0x4000;
	s26 =	simm.s32 @!p0 $0x5  }
0x11: {  	[tilespmem:s25], [sflag:$0x5] =	stream.linear.gather @!p0 [hbm4b:s4+s24], $0x4000, $0x38;
	[tilespmem:$0xC000] =	vst v63  }
0x12: {  	_ =	swait.ge @!p0 [sflag:s26], $0x4000  }
0x13: {  	[sflag:s26] =	ssyncset.done @!p0 $0x0  }
0x14: {  	[sflag:s26] =	ssyncadd.s32 @!p0 $0xFFFFC000  }
0x15: {  	[hbm4b:s8+s24] =	stream.linear.scatter @!p0 [tilespmem:s25], [sflag:$0x5], $0x4000, $0x38;
	[tilespmem:$0xC000] =	vst v63  }
0x16: {  	_ =	swait.ge @!p0 [sflag:s26], $0x4000  }
0x17: {  	[sflag:s26] =	ssyncset.done @!p0 $0x0  }
0x18: {  	[sflag:s26] =	ssyncadd.s32 @!p0 $0xFFFFC000  }
0x19: {  	[tilespmem:s3], [sflag:$0x1] =	stream.strided.gather [hbm4b:s7+s14], $0x2000, s15, s14, $0x38;
	[tilespmem:$0xC000] =	vst v63  }
0x1a: {  	s24 =	simm.s32 $0x0  }
0x1b: {  	[tilespmem:s16], [sflag:$0x2] =	stream.strided.gather [hbm4b:s9+s14], $0x2000, s15, s14, $0x38;
	[tilespmem:$0xC000] =	vst v63  }
.LBB2_2:
0x1c: {  	s25 =	simm.s32 $0x0;
	s31 =	simm.s32 $0x1;
	s26 =	simm.s32 $0x2  }
0x1d: {  	s28 =	simm.s32 $0x5;
	v4 =	vmov s25;
	v5 =	vmov s31;
	v6 =	vmov s26;
	s26 =	simm.s32 $0x3  }
0x1e: {  	s31 =	simm.s32 $0x4;
	v10 =	vmov s28;
	s28 =	simm.s32 $0x8;
	v4 =	vand.u32 $0x70, v4;
	v7 =	vmov s26  }
0x1f: {  	v9 =	vmov s31;
	s26 =	simm.s32 $0x6;
	v13 =	vmov s28;
	v5 =	vand.u32 $0x71, v5  }
0x20: {  	s31 =	simm.s32 $0x7;
	s28 =	simm.s32 $0xB;
	v6 =	vand.u32 $0x72, v6;
	v8 =	vbroadcast v4, $0x0;
	v11 =	vmov s26  }
0x21: {  	v12 =	vmov s31;
	v23 =	vmov s28;
	v16 =	vbroadcast v5, $0x0  }
0x22: {  	_ =	swait.ge [sflag:s17], $0x2000;
	s26 =	simm.s32 $0x9;
	s31 =	simm.s32 $0xA;
	v5 =	vand.u32 $0x73, v7;
	v17 =	vbroadcast v6, $0x0;
	v6 =	vand.u32 $0x74, v9  }
0x23: {  	p1 =	seq.s32 s24, $0x0;
	[sflag:s17] =	ssyncset.done $0x0;
	v21 =	vmov s26;
	v22 =	vmov s31;
	v4 =	vor.u32 v0, v8  }
0x24: {  	s25 =	simm.s32 @!p1 $0x3;
	[sflag:s17] =	ssyncadd.s32 $0xFFFFE000;
	v19 =	vbroadcast v5, $0x0;
	v5 =	vand.u32 $0x75, v10;
	v7 =	vor.u32 v0, v16  }
0x25: {  	_ =	swait.ge @!p1 [sflag:s25], $0x4000;
	s31 =	simm.s32 $0xC;
	v20 =	vbroadcast v6, $0x0;
	v6 =	vand.u32 $0x76, v11;
	v9 =	vor.u32 v0, v17  }
0x26: {  	[sflag:s25] =	ssyncset.done @!p1 $0x0;
	v24 =	vmov s31;
	v18 =	vbroadcast v5, $0x0;
	v10 =	vor.u32 v0, v19  }
0x27: {  	v5 =	vand.u32 $0x77, v12;
	[sflag:s25] =	ssyncadd.s32 @!p1 $0xFFFFC000;
	v15 =	vbroadcast v6, $0x0;
	v11 =	vor.u32 v0, v20  }
0x28: {  	s26 =	simm.s32 $0xD;
	v6 =	vand.u32 $0x78, v13;
	v14 =	vbroadcast v5, $0x0;
	v27 =	vld.idx.msk [tilespmem:v4+s3+$0x0], $0xffff;
	v4 =	vor.u32 v0, v18  }
0x29: {  	v25 =	vmov s26;
	v12 =	vbroadcast v6, $0x0;
	v28 =	vld.idx.msk [tilespmem:v7+s3+$0x0], $0xffff;
	v7 =	vor.u32 v0, v15  }
0x2a: {  	s26 =	simm.s32 $0xF;
	v37 =	vor.u32 v1, v16;
	v38 =	vor.u32 v1, v17;
	v6 =	vor.u32 v0, v14;
	v29 =	vld.idx.msk [tilespmem:v9+s3+$0x0], $0xffff  }
0x2b: {  	v5 =	vmov s26;
	v30 =	vor.u32 v0, v12;
	v9 =	vand.u32 $0x79, v21;
	v21 =	vld.idx.msk [tilespmem:v10+s3+$0x0], $0xffff  }
0x2c: {  	v5 =	vand.u32 $0x7F, v5;
	v13 =	vbroadcast v9, $0x0;
	v9 =	vand.u32 $0x7A, v22;
	v22 =	vld.idx.msk [tilespmem:v11+s3+$0x0], $0xffff  }
0x2d: {  	v5 =	vbroadcast v5, $0x0;
	v11 =	vbroadcast v9, $0x0;
	v9 =	vand.u32 $0x7B, v23;
	v4 =	vld.idx.msk [tilespmem:v4+s3+$0x0], $0xffff  }
0x2e: {  	s31 =	simm.s32 $0xE;
	v49 =	vor.u32 v1, v8;
	v10 =	vbroadcast v9, $0x0;
	v9 =	vand.u32 $0x7C, v24;
	v24 =	vld.idx.msk [tilespmem:v7+s3+$0x0], $0xffff  }
0x2f: {  	v26 =	vmov s31;
	s26 =	simm.s32 $0x4400;
	v23 =	vor.u32 v0, v5;
	v7 =	vand.u32 $0x7D, v25;
	v25 =	vld.idx.msk [tilespmem:v6+s3+$0x0], $0xffff  }
0x30: {  	v39 =	vor.u32 v1, v19;
	[tilespmem:s26+$0xFFFFFC80] =	vst v28;
	v6 =	vbroadcast v7, $0x0;
	v7 =	vand.u32 $0x7E, v26;
	v26 =	vld.idx.msk [tilespmem:v30+s3+$0x0], $0xffff  }
0x31: {  	v40 =	vor.u32 v1, v20;
	[tilespmem:s26+$0xFFFFFD00] =	vst v29;
	v63 =	vld.idx.msk [tilespmem:v37+s3+$0x0], $0xffff  }
0x32: {  	v31 =	vor.u32 v0, v13;
	[tilespmem:s26+$0xFFFFFC00] =	vst v27;
	v44 =	vld.idx.msk [tilespmem:v38+s3+$0x0], $0xffff  }
0x33: {  	v32 =	vor.u32 v0, v11;
	v9 =	vbroadcast v9, $0x0;
	v52 =	vld.idx.msk [tilespmem:v49+s3+$0x0], $0xffff  }
0x34: {  	v33 =	vor.u32 v0, v10;
	[tilespmem:s26+$0xFFFFFD80] =	vst v21;
	v23 =	vld.idx.msk [tilespmem:v23+s3+$0x0], $0xffff  }
0x35: {  	v30 =	vor.u32 v0, v9;
	[tilespmem:s26+$0xFFFFFE00] =	vst v22;
	v45 =	vld.idx.msk [tilespmem:v39+s3+$0x0], $0xffff  }
0x36: {  	v29 =	vor.u32 v1, v15;
	v46 =	vld.idx.msk [tilespmem:v40+s3+$0x0], $0xffff  }
0x37: {  	v22 =	vor.u32 v1, v14;
	v31 =	vld.idx.msk [tilespmem:v31+s3+$0x0], $0xffff  }
0x38: {  	v60 =	vor.u32 v2, v8;
	v32 =	vld.idx.msk [tilespmem:v32+s3+$0x0], $0xffff  }
0x39: {  	v34 =	vor.u32 v0, v6;
	v33 =	vld.idx.msk [tilespmem:v33+s3+$0x0], $0xffff  }
0x3a: {  	v36 =	vor.u32 v1, v5;
	v7 =	vbroadcast v7, $0x0;
	[tilespmem:s26+$0xFFFFFF00] =	vst v24;
	v30 =	vld.idx.msk [tilespmem:v30+s3+$0x0], $0xffff  }
0x3b: {  	v53 =	vor.u32 v2, v20;
	[tilespmem:s26+$0xFFFFFF80] =	vst v25;
	v29 =	vld.idx.msk [tilespmem:v29+s3+$0x0], $0xffff  }
0x3c: {  	v35 =	vor.u32 v0, v7;
	v22 =	vld.idx.msk [tilespmem:v22+s3+$0x0], $0xffff;
	[tilespmem:s26+$0xFFFFFC10] =	vst v52  }
0x3d: {  	v24 =	vor.u32 v1, v13;
	[tilespmem:s26+$0xFFFFFE10] =	vst v46;
	v46 =	vld.idx.msk [tilespmem:v60+s3+$0x0], $0xffff  }
0x3e: {  	v47 =	vor.u32 v1, v11;
	[tilespmem:s26+$0x380] =	vst v23;
	v34 =	vld.idx.msk [tilespmem:v34+s3+$0x0], $0xffff  }
0x3f: {  	[tilespmem:s26+$0xFFFFFE80] =	vst v4;
	v25 =	vor.u32 v1, v10;
	v28 =	vld.idx.msk [tilespmem:v36+s3+$0x0], $0xffff  }
0x40: {  	[tilespmem:s26+$0x0] =	vst v26;
	v23 =	vor.u32 v1, v18;
	v36 =	vld.idx.msk [tilespmem:v53+s3+$0x0], $0xffff  }
0x41: {  	v26 =	vor.u32 v1, v9;
	[tilespmem:s26+$0x80] =	vst v31;
	v35 =	vld.idx.msk [tilespmem:v35+s3+$0x0], $0xffff  }
0x42: {  	v55 =	vor.u32 v2, v15;
	[tilespmem:s26+$0x100] =	vst v32;
	v24 =	vld.idx.msk [tilespmem:v24+s3+$0x0], $0xffff  }
0x43: {  	v56 =	vor.u32 v2, v14;
	v32 =	vld.idx.msk [tilespmem:v47+s3+$0x0], $0xffff;
	[tilespmem:s26+$0x180] =	vst v33  }
0x44: {  	v4 =	vor.u32 v1, v12;
	[tilespmem:s26+$0xFFFFFC90] =	vst v63;
	v25 =	vld.idx.msk [tilespmem:v25+s3+$0x0], $0xffff  }
0x45: {  	v50 =	vor.u32 v2, v19;
	[tilespmem:s26+$0x200] =	vst v30;
	v23 =	vld.idx.msk [tilespmem:v23+s3+$0x0], $0xffff  }
0x46: {  	v21 =	vor.u32 v2, v5;
	[tilespmem:s26+$0xFFFFFF10] =	vst v29;
	v26 =	vld.idx.msk [tilespmem:v26+s3+$0x0], $0xffff  }
0x47: {  	v31 =	vor.u32 v1, v6;
	[tilespmem:s26+$0xFFFFFF90] =	vst v22;
	v38 =	vld.idx.msk [tilespmem:v55+s3+$0x0], $0xffff  }
0x48: {  	v48 =	vor.u32 v1, v7;
	[tilespmem:s26+$0xFFFFFD90] =	vst v45;
	v58 =	vld.idx.msk [tilespmem:v56+s3+$0x0], $0xffff  }
0x49: {  	v30 =	vor.u32 v2, v16;
	[tilespmem:s26+$0x390] =	vst v28;
	v28 =	vld.idx.msk [tilespmem:v4+s3+$0x0], $0xffff  }
0x4a: {  	v29 =	vor.u32 v2, v11;
	[tilespmem:s26+$0x280] =	vst v34;
	v34 =	vld.idx.msk [tilespmem:v50+s3+$0x0], $0xffff  }
0x4b: {  	v22 =	vor.u32 v2, v10;
	v21 =	vld.idx.msk [tilespmem:v21+s3+$0x0], $0xffff;
	[tilespmem:s26+$0x300] =	vst v35  }
0x4c: {  	v54 =	vor.u32 v2, v18;
	v31 =	vld.idx.msk [tilespmem:v31+s3+$0x0], $0xffff;
	[tilespmem:s26+$0x90] =	vst v24  }
0x4d: {  	v14 =	vor.u32 v3, v14;
	v27 =	vld.idx.msk [tilespmem:v48+s3+$0x0], $0xffff;
	[tilespmem:s26+$0x110] =	vst v32  }
0x4e: {  	v57 =	vor.u32 v2, v12;
	v30 =	vld.idx.msk [tilespmem:v30+s3+$0x0], $0xffff;
	[tilespmem:s26+$0x190] =	vst v25  }
0x4f: {  	v15 =	vor.u32 v3, v15;
	v41 =	vld.idx.msk [tilespmem:v29+s3+$0x0], $0xffff;
	[tilespmem:s26+$0xFFFFFE90] =	vst v23  }
0x50: {  	v5 =	vor.u32 v3, v5;
	v42 =	vld.idx.msk [tilespmem:v22+s3+$0x0], $0xffff;
	[tilespmem:s26+$0xFFFFFF20] =	vst v38  }
0x51: {  	v24 =	vor.u32 v2, v6;
	[tilespmem:s26+$0xFFFFFFA0] =	vst v58;
	v37 =	vld.idx.msk [tilespmem:v54+s3+$0x0], $0xffff  }
0x52: {  	v19 =	vor.u32 v3, v19;
	[tilespmem:s26+$0x10] =	vst v28;
	v32 =	vld.idx.msk [tilespmem:v14+s3+$0x0], $0xffff  }
0x53: {  	v23 =	vor.u32 v2, v13;
	[tilespmem:s26+$0x3A0] =	vst v21;
	v35 =	vld.idx.msk [tilespmem:v57+s3+$0x0], $0xffff  }
0x54: {  	v16 =	vor.u32 v3, v16;
	[tilespmem:s26+$0x290] =	vst v31;
	v31 =	vld.idx.msk [tilespmem:v15+s3+$0x0], $0xffff  }
0x55: {  	[tilespmem:s26+$0xFFFFFD10] =	vst v44;
	v28 =	vor.u32 v2, v9;
	v5 =	vld.idx.msk [tilespmem:v5+s3+$0x0], $0xffff  }
0x56: {  	v20 =	vor.u32 v3, v20;
	[tilespmem:s26+$0xFFFFFDA0] =	vst v34;
	v44 =	vld.idx.msk [tilespmem:v24+s3+$0x0], $0xffff  }
0x57: {  	s28 =	simm.s32 $0x12;
	v10 =	vor.u32 v3, v10;
	[tilespmem:s26+$0x310] =	vst v27;
	v27 =	vld.idx.msk [tilespmem:v19+s3+$0x0], $0xffff  }
0x58: {  	v61 =	vmov s28;
	s31 =	simm.s32 $0x10;
	v21 =	vor.u32 v2, v17;
	[tilespmem:s26+$0xFFFFFCA0] =	vst v30;
	v59 =	vld.idx.msk [tilespmem:v23+s3+$0x0], $0xffff  }
0x59: {  	s28 =	simm.s32 $0x14;
	v12 =	vor.u32 v3, v12;
	v18 =	vor.u32 v3, v18;
	v4 =	vmov s31;
	[tilespmem:s26+$0x210] =	vst v26;
	v22 =	vld.idx.msk [tilespmem:v16+s3+$0x0], $0xffff  }
0x5a: {  	v47 =	vmov s28;
	s28 =	simm.s32 $0x16;
	v11 =	vor.u32 v3, v11;
	s31 =	simm.s32 $0x11;
	[tilespmem:s26+$0xFFFFFE20] =	vst v36;
	v4 =	vand.u32 $0x70, v4;
	v43 =	vld.idx.msk [tilespmem:v28+s3+$0x0], $0xffff  }
0x5b: {  	v4 =	vbroadcast v4, $0x0;
	v48 =	vmov s28;
	v30 =	vmov s31;
	[tilespmem:s26+$0x1A0] =	vst v42;
	v28 =	vld.idx.msk [tilespmem:v20+s3+$0x0], $0xffff  }
0x5c: {  	s28 =	simm.s32 $0x18;
	v15 =	vor.u32 v3, v9;
	v23 =	vor.u32 v2, v7;
	v9 =	vand.u32 $0x71, v30;
	v30 =	vld.idx.msk [tilespmem:v10+s3+$0x0], $0xffff  }
0x5d: {  	v62 =	vor.u32 v3, v7;
	v50 =	vmov s28;
	v13 =	vor.u32 v3, v13;
	[tilespmem:s26+$0xFFFFFEA0] =	vst v37;
	v21 =	vld.idx.msk [tilespmem:v21+s3+$0x0], $0xffff  }
0x5e: {  	v51 =	vor.u32 v0, v4;
	v14 =	vand.u32 $0x72, v61;
	v17 =	vor.u32 v3, v17;
	s31 =	simm.s32 $0x13;
	[tilespmem:s26+$0x120] =	vst v41;
	v29 =	vld.idx.msk [tilespmem:v18+s3+$0x0], $0xffff  }
0x5f: {  	v16 =	vmov s31;
	v7 =	vbroadcast v14, $0x0;
	[tilespmem:s26+$0x20] =	vst v35;
	v18 =	vor.u32 v3, v6;
	v35 =	vld.idx.msk [tilespmem:v11+s3+$0x0], $0xffff  }
0x60: {  	v6 =	vbroadcast v9, $0x0;
	v9 =	vand.u32 $0x73, v16;
	v16 =	vand.u32 $0x74, v47;
	v33 =	vld.idx.msk [tilespmem:v12+s3+$0x0], $0xffff  }
0x61: {  	s28 =	simm.s32 $0x1A;
	v12 =	vor.u32 v3, v8;
	v8 =	vbroadcast v9, $0x0;
	v9 =	vbroadcast v16, $0x0;
	v45 =	vld.idx.msk [tilespmem:v23+s3+$0x0], $0xffff;
	[tilespmem:s26+$0xA0] =	vst v59  }
0x62: {  	v63 =	vand.u32 $0x76, v48;
	v25 =	vmov s28;
	s31 =	simm.s32 $0x15;
	v14 =	vor.u32 v0, v7;
	v34 =	vld.idx.msk [tilespmem:v13+s3+$0x0], $0xffff;
	[tilespmem:s26+$0xFFFFFD20] =	vst v21  }
0x63: {  	s28 =	simm.s32 $0x1C;
	v16 =	vor.u32 v0, v9;
	v13 =	vor.u32 v0, v6;
	[tilespmem:s26+$0x220] =	vst v43;
	v24 =	vld.idx.msk [tilespmem:v17+s3+$0x0], $0xffff;
	v17 =	vmov s31;
	s31 =	simm.s32 $0x17  }
0x64: {  	[tilespmem:s26+$0x2A0] =	vst v44;
	v21 =	vmov s28;
	v36 =	vld.idx.msk [tilespmem:v15+s3+$0x0], $0xffff;
	v15 =	vor.u32 v0, v8;
	v49 =	vmov s31;
	s31 =	simm.s32 $0x19  }
0x65: {  	[tilespmem:s26+$0x3B0] =	vst v5;
	s28 =	simm.s32 $0x1E;
	v37 =	vld.idx.msk [tilespmem:v18+s3+$0x0], $0xffff;
	v18 =	vand.u32 $0x78, v50;
	v11 =	vand.u32 $0x75, v17;
	v19 =	vmov s31;
	s31 =	simm.s32 $0x1B  }
0x66: {  	s25 =	sshll.u32 s24, $0x6;
	v5 =	vld.idx.msk [tilespmem:v51+s3+$0x0], $0xffff;
	v20 =	vmov s28;
	v10 =	vbroadcast v11, $0x0;
	[tilespmem:s26+$0x320] =	vst v45;
	v26 =	vmov s31;
	s31 =	simm.s32 $0x1D  }
0x67: {  	s30 =	simm.s32 $0x1F;
	s29 =	simm.s32 $0x20;
	[tilespmem:s26+$0xFFFFFC20] =	vst v46;
	s28 =	sor.u32 s5, s25;
	v17 =	vand.u32 $0x77, v49;
	v11 =	vbroadcast v63, $0x0;
	v38 =	vld.idx.msk [tilespmem:v62+s3+$0x0], $0xffff;
	v23 =	vmov s31  }
.LBB2_3:
0x68: {  	p2 =	slt.u32 s29, $0x70;
	v39 =	vor.u32 v0, v10;
	v17 =	vbroadcast v17, $0x0;
	v40 =	vmov s30;
	v41 =	vld.idx.msk [tilespmem:v12+s3+$0x0], $0xffff;
	[tilespmem:s26+$0xFFFFFCB0] =	vst v22  }
0x69: {  	v12 =	vbroadcast v18, $0x0;
	v22 =	vld.idx.msk [tilespmem:v13+s3+$0x0], $0xffff;
	v42 =	vor.u32 v0, v11;
	v13 =	vand.u32 $0x7F, v40;
	[tilespmem:s26+$0xFFFFFD30] =	vst v24  }
0x6a: {  	v24 =	vld.idx.msk [tilespmem:v14+s3+$0x0], $0xffff;
	v40 =	vor.u32 v0, v17;
	v14 =	vand.u32 $0x79, v19;
	v43 =	vbroadcast v13, $0x0;
	[tilespmem:s26+$0xFFFFFDB0] =	vst v27  }
0x6b: {  	v44 =	vor.u32 v0, v12;
	v13 =	vand.u32 $0x7A, v25;
	v27 =	vld.idx.msk [tilespmem:v15+s3+$0x0], $0xffff;
	v19 =	vbroadcast v14, $0x0;
	[tilespmem:s26+$0xFFFFFE30] =	vst v28  }
0x6c: {  	v18 =	vbroadcast v13, $0x0;
	v13 =	vand.u32 $0x7B, v26;
	v25 =	vld.idx.msk [tilespmem:v16+s3+$0x0], $0xffff;
	v26 =	vor.u32 v0, v43;
	[tilespmem:s26+$0xFFFFFEB0] =	vst v29  }
0x6d: {  	v14 =	vand.u32 $0x7C, v21;
	v13 =	vbroadcast v13, $0x0;
	v28 =	vld.idx.msk [tilespmem:v39+s3+$0x0], $0xffff;
	v29 =	vor.u32 v0, v19;
	[tilespmem:s26+$0xFFFFFF30] =	vst v31  }
0x6e: {  	v15 =	vand.u32 $0x7D, v23;
	v14 =	vbroadcast v14, $0x0;
	v31 =	vor.u32 v0, v18;
	v21 =	vld.idx.msk [tilespmem:v42+s3+$0x0], $0xffff;
	[tilespmem:s26+$0xFFFFFFB0] =	vst v32  }
0x6f: {  	v15 =	vbroadcast v15, $0x0;
	v16 =	vand.u32 $0x7E, v20;
	v32 =	vor.u32 v0, v13;
	v23 =	vld.idx.msk [tilespmem:v40+s3+$0x0], $0xffff;
	[tilespmem:s26+$0x30] =	vst v33  }
0x70: {  	v16 =	vbroadcast v16, $0x0;
	v33 =	vor.u32 v0, v14;
	v20 =	vld.idx.msk [tilespmem:v44+s3+$0x0], $0xffff;
	[tilespmem:s26+$0xB0] =	vst v34  }
0x71: {  	v34 =	vor.u32 v0, v15;
	v26 =	vld.idx.msk [tilespmem:v26+s3+$0x0], $0xffff;
	[tilespmem:s26+$0x130] =	vst v35  }
0x72: {  	v35 =	vor.u32 v0, v16;
	v29 =	vld.idx.msk [tilespmem:v29+s3+$0x0], $0xffff;
	[tilespmem:s26+$0x1B0] =	vst v30  }
0x73: {  	v30 =	vld.idx.msk [tilespmem:v31+s3+$0x0], $0xffff;
	v31 =	vor.u32 v1, v43;
	[tilespmem:s26+$0x230] =	vst v36  }
0x74: {  	v36 =	vor.u32 v1, v6;
	v32 =	vld.idx.msk [tilespmem:v32+s3+$0x0], $0xffff;
	[tilespmem:s26+$0x2B0] =	vst v37  }
0x75: {  	v37 =	vor.u32 v1, v7;
	v33 =	vld.idx.msk [tilespmem:v33+s3+$0x0], $0xffff;
	[tilespmem:s26+$0x330] =	vst v38  }
0x76: {  	v38 =	vor.u32 v1, v8;
	v34 =	vld.idx.msk [tilespmem:v34+s3+$0x0], $0xffff;
	[tilespmem:s26+$0xFFFFFC30] =	vst v41;
	s26 =	sadd.s32 $0x800, s26  }
0x77: {  	v39 =	vor.u32 v1, v9;
	v35 =	vld.idx.msk [tilespmem:v35+s3+$0x0], $0xffff;
	[tilespmem:s26+$0x380] =	vst v26  }
0x78: {  	[tilespmem:s26+$0xFFFFFC80] =	vst v22;
	v22 =	vor.u32 v1, v10;
	v26 =	vld.idx.msk [tilespmem:v31+s3+$0x0], $0xffff  }
0x79: {  	v31 =	vld.idx.msk [tilespmem:v36+s3+$0x0], $0xffff;
	[tilespmem:s26+$0xFFFFFD00] =	vst v24;
	v24 =	vor.u32 v1, v11  }
0x7a: {  	v36 =	vld.idx.msk [tilespmem:v37+s3+$0x0], $0xffff;
	[tilespmem:s26+$0xFFFFFD80] =	vst v27;
	v27 =	vor.u32 v2, v43  }
0x7b: {  	v37 =	vld.idx.msk [tilespmem:v38+s3+$0x0], $0xffff;
	[tilespmem:s26+$0xFFFFFE00] =	vst v25;
	v25 =	vor.u32 v1, v17  }
0x7c: {  	v38 =	vld.idx.msk [tilespmem:v39+s3+$0x0], $0xffff;
	[tilespmem:s26+$0xFFFFFE80] =	vst v28;
	v28 =	vor.u32 v1, v12  }
0x7d: {  	v22 =	vld.idx.msk [tilespmem:v22+s3+$0x0], $0xffff;
	[tilespmem:s26+$0xFFFFFF00] =	vst v21;
	v21 =	vor.u32 v1, v19  }
0x7e: {  	v39 =	vor.u32 v1, v18;
	v24 =	vld.idx.msk [tilespmem:v24+s3+$0x0], $0xffff;
	[tilespmem:s26+$0x390] =	vst v26  }
0x7f: {  	[tilespmem:s26+$0xFFFFFF80] =	vst v23;
	v23 =	vor.u32 v1, v13;
	v26 =	vld.idx.msk [tilespmem:v27+s3+$0x0], $0xffff  }
0x80: {  	v25 =	vld.idx.msk [tilespmem:v25+s3+$0x0], $0xffff;
	[tilespmem:s26+$0x0] =	vst v20;
	v20 =	vor.u32 v1, v14  }
0x81: {  	v27 =	vld.idx.msk [tilespmem:v28+s3+$0x0], $0xffff;
	[tilespmem:s26+$0x80] =	vst v29;
	v28 =	vor.u32 v3, v43  }
0x82: {  	v29 =	vor.u32 v1, v15;
	v21 =	vld.idx.msk [tilespmem:v21+s3+$0x0], $0xffff;
	[tilespmem:s26+$0x100] =	vst v30  }
0x83: {  	v39 =	vld.idx.msk [tilespmem:v39+s3+$0x0], $0xffff;
	[tilespmem:s26+$0x180] =	vst v32;
	v32 =	vor.u32 v1, v16  }
0x84: {  	v40 =	vor.u32 v1, v4;
	v30 =	vmov s29;
	v23 =	vld.idx.msk [tilespmem:v23+s3+$0x0], $0xffff;
	[tilespmem:s26+$0x200] =	vst v33  }
0x85: {  	v30 =	vand.u32 $0x70, v30;
	v33 =	vor.u32 v2, v6;
	v20 =	vld.idx.msk [tilespmem:v20+s3+$0x0], $0xffff;
	[tilespmem:s26+$0x3A0] =	vst v26  }
0x86: {  	v30 =	vbroadcast v30, $0x0;
	v26 =	vor.u32 v2, v7;
	[tilespmem:s26+$0x280] =	vst v34;
	v28 =	vld.idx.msk [tilespmem:v28+s3+$0x0], $0xffff  }
0x87: {  	v34 =	vor.u32 v2, v8;
	v29 =	vld.idx.msk [tilespmem:v29+s3+$0x0], $0xffff;
	[tilespmem:s26+$0x300] =	vst v35  }
0x88: {  	v35 =	vor.u32 v0, v30;
	[tilespmem:s26+$0xFFFFFC00] =	vst v5;
	v32 =	vld.idx.msk [tilespmem:v32+s3+$0x0], $0xffff  }
0x89: {  	v40 =	vld.idx.msk [tilespmem:v40+s3+$0x0], $0xffff;
	[tilespmem:s26+$0xFFFFFC90] =	vst v31;
	v31 =	vor.u32 v2, v9  }
0x8a: {  	v33 =	vld.idx.msk [tilespmem:v33+s3+$0x0], $0xffff;
	[tilespmem:s26+$0xFFFFFD10] =	vst v36;
	v36 =	vor.u32 v2, v10  }
0x8b: {  	v26 =	vld.idx.msk [tilespmem:v26+s3+$0x0], $0xffff;
	[tilespmem:s26+$0xFFFFFD90] =	vst v37;
	v37 =	vor.u32 v2, v11  }
0x8c: {  	v41 =	vor.u32 v2, v17;
	v34 =	vld.idx.msk [tilespmem:v34+s3+$0x0], $0xffff;
	[tilespmem:s26+$0x3B0] =	vst v28  }
0x8d: {  	v28 =	vor.u32 v2, v12;
	v5 =	vld.idx.msk [tilespmem:v35+s3+$0x0], $0xffff;
	[tilespmem:s26+$0xFFFFFE10] =	vst v38  }
0x8e: {  	v31 =	vld.idx.msk [tilespmem:v31+s3+$0x0], $0xffff;
	[tilespmem:s26+$0xFFFFFE90] =	vst v22;
	v22 =	vor.u32 v2, v19  }
0x8f: {  	v35 =	vld.idx.msk [tilespmem:v36+s3+$0x0], $0xffff;
	[tilespmem:s26+$0xFFFFFF10] =	vst v24;
	v24 =	vor.u32 v2, v18  }
0x90: {  	v36 =	vld.idx.msk [tilespmem:v37+s3+$0x0], $0xffff;
	[tilespmem:s26+$0xFFFFFF90] =	vst v25;
	v25 =	vor.u32 v2, v13  }
0x91: {  	v37 =	vld.idx.msk [tilespmem:v41+s3+$0x0], $0xffff;
	[tilespmem:s26+$0x10] =	vst v27;
	v27 =	vor.u32 v2, v14  }
0x92: {  	v38 =	vld.idx.msk [tilespmem:v28+s3+$0x0], $0xffff;
	[tilespmem:s26+$0x90] =	vst v21;
	v21 =	vor.u32 v2, v15  }
0x93: {  	v41 =	vld.idx.msk [tilespmem:v22+s3+$0x0], $0xffff;
	[tilespmem:s26+$0x110] =	vst v39;
	v22 =	vor.u32 v2, v16  }
0x94: {  	v28 =	vor.u32 v2, v4;
	v39 =	vld.idx.msk [tilespmem:v24+s3+$0x0], $0xffff;
	[tilespmem:s26+$0x190] =	vst v23  }
0x95: {  	v6 =	vor.u32 v3, v6;
	v42 =	vld.idx.msk [tilespmem:v25+s3+$0x0], $0xffff;
	[tilespmem:s26+$0x210] =	vst v20  }
0x96: {  	v7 =	vor.u32 v3, v7;
	v43 =	vld.idx.msk [tilespmem:v27+s3+$0x0], $0xffff;
	[tilespmem:s26+$0x290] =	vst v29  }
0x97: {  	v8 =	vor.u32 v3, v8;
	v44 =	vld.idx.msk [tilespmem:v21+s3+$0x0], $0xffff;
	[tilespmem:s26+$0x310] =	vst v32  }
0x98: {  	v9 =	vor.u32 v3, v9;
	[tilespmem:s26+$0xFFFFFC10] =	vst v40;
	v40 =	vld.idx.msk [tilespmem:v22+s3+$0x0], $0xffff  }
0x99: {  	s30 =	sadd.s32 $0x1, s29;
	s31 =	sadd.s32 $0x2, s29;
	v10 =	vor.u32 v3, v10;
	v45 =	vld.idx.msk [tilespmem:v28+s3+$0x0], $0xffff;
	[tilespmem:s26+$0xFFFFFCA0] =	vst v33  }
0x9a: {  	v46 =	vmov s31;
	s31 =	sadd.s32 $0x4, s29;
	v33 =	vmov s30;
	s30 =	sadd.s32 $0x3, s29;
	v22 =	vld.idx.msk [tilespmem:v6+s3+$0x0], $0xffff;
	[tilespmem:s26+$0xFFFFFD20] =	vst v26;
	v6 =	vor.u32 v3, v11  }
0x9b: {  	v47 =	vmov s31;
	s31 =	sadd.s32 $0x6, s29;
	v11 =	vmov s30;
	s30 =	sadd.s32 $0x5, s29;
	v24 =	vld.idx.msk [tilespmem:v7+s3+$0x0], $0xffff;
	[tilespmem:s26+$0xFFFFFDA0] =	vst v34;
	v7 =	vor.u32 v3, v17  }
0x9c: {  	v48 =	vmov s31;
	s31 =	sadd.s32 $0x8, s29;
	v17 =	vmov s30;
	s30 =	sadd.s32 $0x7, s29;
	v27 =	vld.idx.msk [tilespmem:v8+s3+$0x0], $0xffff;
	[tilespmem:s26+$0xFFFFFE20] =	vst v31;
	v8 =	vor.u32 v3, v12  }
0x9d: {  	v50 =	vmov s31;
	s31 =	sadd.s32 $0xA, s29;
	v49 =	vmov s30;
	s30 =	sadd.s32 $0x9, s29;
	v28 =	vld.idx.msk [tilespmem:v9+s3+$0x0], $0xffff;
	[tilespmem:s26+$0xFFFFFEA0] =	vst v35;
	v9 =	vor.u32 v3, v19  }
0x9e: {  	v25 =	vmov s31;
	s31 =	sadd.s32 $0xC, s29;
	v19 =	vmov s30;
	s30 =	sadd.s32 $0xB, s29;
	v29 =	vld.idx.msk [tilespmem:v10+s3+$0x0], $0xffff;
	[tilespmem:s26+$0xFFFFFF20] =	vst v36;
	v10 =	vor.u32 v3, v18  }
0x9f: {  	v21 =	vmov s31;
	s31 =	sadd.s32 $0xE, s29;
	v26 =	vmov s30;
	s30 =	sadd.s32 $0xD, s29;
	v18 =	vor.u32 v3, v13;
	v31 =	vld.idx.msk [tilespmem:v6+s3+$0x0], $0xffff;
	[tilespmem:s26+$0xFFFFFFA0] =	vst v37  }
0xa0: {  	v20 =	vmov s31;
	v36 =	vor.u32 v3, v14;
	v23 =	vmov s30;
	v32 =	vld.idx.msk [tilespmem:v7+s3+$0x0], $0xffff;
	[tilespmem:s26+$0x20] =	vst v38  }
0xa1: {  	v6 =	vand.u32 $0x71, v33;
	v37 =	vor.u32 v3, v15;
	v7 =	vand.u32 $0x72, v46;
	v33 =	vld.idx.msk [tilespmem:v8+s3+$0x0], $0xffff;
	[tilespmem:s26+$0xA0] =	vst v41  }
0xa2: {  	v6 =	vbroadcast v6, $0x0;
	v38 =	vor.u32 v3, v16;
	v8 =	vand.u32 $0x73, v11;
	v34 =	vld.idx.msk [tilespmem:v9+s3+$0x0], $0xffff;
	[tilespmem:s26+$0x120] =	vst v39  }
.Ltmp0:
0xa3: {  	v12 =	vor.u32 v3, v4;
	v4 =	vmovc v30;
	v7 =	vbroadcast v7, $0x0;
	v9 =	vand.u32 $0x74, v47;
	v35 =	vld.idx.msk [tilespmem:v10+s3+$0x0], $0xffff;
	[tilespmem:s26+$0x1A0] =	vst v42;
	(pc) =	sbr.rel @p2 .LBB2_3-.Ltmp0, $4  }
0xa4: {  	v13 =	vor.u32 v0, v6;
	v8 =	vbroadcast v8, $0x0;
	v10 =	vand.u32 $0x75, v17;
	v30 =	vld.idx.msk [tilespmem:v18+s3+$0x0], $0xffff;
	[tilespmem:s26+$0x220] =	vst v43  }
0xa5: {  	v11 =	vand.u32 $0x76, v48;
	v14 =	vor.u32 v0, v7;
	v9 =	vbroadcast v9, $0x0;
	v36 =	vld.idx.msk [tilespmem:v36+s3+$0x0], $0xffff;
	[tilespmem:s26+$0x2A0] =	vst v44  }
0xa6: {  	v17 =	vand.u32 $0x77, v49;
	v15 =	vor.u32 v0, v8;
	v10 =	vbroadcast v10, $0x0;
	v37 =	vld.idx.msk [tilespmem:v37+s3+$0x0], $0xffff;
	[tilespmem:s26+$0x320] =	vst v40  }
0xa7: {  	s30 =	sadd.s32 $0xF, s29;
	s29 =	sadd.s32 $0x10, s29;
	v11 =	vbroadcast v11, $0x0;
	v18 =	vand.u32 $0x78, v50;
	v16 =	vor.u32 v0, v9;
	[tilespmem:s26+$0xFFFFFC20] =	vst v45;
	v38 =	vld.idx.msk [tilespmem:v38+s3+$0x0], $0xffff  }
0xa8: {  	[tilespmem:s26+$0xFFFFFCB0] =	vst v22  }
0xa9: {  	v22 =	vmov s30;
	[tilespmem:s26+$0xFFFFFD30] =	vst v24  }
0xaa: {  	[tilespmem:s26+$0xFFFFFDB0] =	vst v27;
	v22 =	vand.u32 $0x7F, v22  }
0xab: {  	[tilespmem:s26+$0xFFFFFE30] =	vst v28;
	v22 =	vbroadcast v22, $0x0  }
0xac: {  	[tilespmem:s26+$0xFFFFFEB0] =	vst v29  }
0xad: {  	[tilespmem:s26+$0xFFFFFF30] =	vst v31;
	v24 =	vor.u32 v0, v22  }
0xae: {  	[tilespmem:s26+$0xFFFFFFB0] =	vst v32  }
0xaf: {  	[tilespmem:s26+$0x30] =	vst v33  }
0xb0: {  	[tilespmem:s26+$0xB0] =	vst v34;
	v27 =	vld.idx.msk [tilespmem:v12+s3+$0x0], $0xffff  }
0xb1: {  	[tilespmem:s26+$0x130] =	vst v35;
	v28 =	vor.u32 v0, v10;
	v29 =	vld.idx.msk [tilespmem:v13+s3+$0x0], $0xffff  }
0xb2: {  	v12 =	vbroadcast v17, $0x0;
	v13 =	vbroadcast v18, $0x0;
	s29 =	sadd.s32 $0x800, s26;
	[tilespmem:s26+$0x1B0] =	vst v30;
	v17 =	vor.u32 v0, v11;
	v24 =	vld.idx.msk [tilespmem:v24+s3+$0x0], $0xffff  }
0xb3: {  	v18 =	vld.idx.msk [tilespmem:v14+s3+$0x0], $0xffff;
	v14 =	vand.u32 $0x79, v19;
	[tilespmem:s29+$0xFFFFFC00] =	vst v5;
	v19 =	vor.u32 v1, v22  }
0xb4: {  	v31 =	vld.idx.msk [tilespmem:v15+s3+$0x0], $0xffff;
	v15 =	vand.u32 $0x7A, v25;
	v14 =	vbroadcast v14, $0x0;
	[tilespmem:s26+$0x230] =	vst v36;
	v25 =	vor.u32 v0, v13  }
0xb5: {  	v56 =	vld.idx.msk [tilespmem:v16+s3+$0x0], $0xffff;
	v16 =	vand.u32 $0x7B, v26;
	v15 =	vbroadcast v15, $0x0;
	v30 =	vor.u32 v0, v12;
	[tilespmem:s26+$0x2B0] =	vst v37  }
0xb6: {  	v21 =	vand.u32 $0x7C, v21;
	v16 =	vbroadcast v16, $0x0;
	[tilespmem:s26+$0xFFFFFC30] =	vst v27;
	v26 =	vld.idx.msk [tilespmem:v28+s3+$0x0], $0xffff;
	v27 =	vor.u32 v0, v14  }
0xb7: {  	v28 =	vor.u32 v0, v15;
	[tilespmem:s29+$0x380] =	vst v24;
	v24 =	vld.idx.msk [tilespmem:v17+s3+$0x0], $0xffff;
	v17 =	vbroadcast v21, $0x0  }
0xb8: {  	[tilespmem:s29+$0xFFFFFC80] =	vst v29;
	v21 =	vand.u32 $0x7D, v23;
	v23 =	vor.u32 v0, v16;
	v29 =	vld.idx.msk [tilespmem:v19+s3+$0x0], $0xffff;
	v19 =	vand.u32 $0x7E, v20  }
0xb9: {  	[tilespmem:s29+$0xFFFFFD00] =	vst v18;
	v18 =	vbroadcast v21, $0x0;
	v21 =	vld.idx.msk [tilespmem:v25+s3+$0x0], $0xffff;
	v20 =	vor.u32 v0, v17;
	v19 =	vbroadcast v19, $0x0  }
0xba: {  	[tilespmem:s29+$0xFFFFFD80] =	vst v31;
	v30 =	vld.idx.msk [tilespmem:v30+s3+$0x0], $0xffff;
	v25 =	vor.u32 v2, v22  }
0xbb: {  	v27 =	vld.idx.msk [tilespmem:v27+s3+$0x0], $0xffff;
	[tilespmem:s29+$0xFFFFFE80] =	vst v26;
	v26 =	vor.u32 v0, v19  }
0xbc: {  	v28 =	vld.idx.msk [tilespmem:v28+s3+$0x0], $0xffff;
	[tilespmem:s29+$0xFFFFFF00] =	vst v24;
	v24 =	vor.u32 v1, v6  }
0xbd: {  	v23 =	vld.idx.msk [tilespmem:v23+s3+$0x0], $0xffff;
	[tilespmem:s29+$0x390] =	vst v29;
	v29 =	vor.u32 v1, v7  }
0xbe: {  	[tilespmem:s29+$0x0] =	vst v21;
	v21 =	vor.u32 v1, v8;
	v20 =	vld.idx.msk [tilespmem:v20+s3+$0x0], $0xffff  }
0xbf: {  	[tilespmem:s29+$0xFFFFFF80] =	vst v30;
	v31 =	vor.u32 v0, v18;
	v25 =	vld.idx.msk [tilespmem:v25+s3+$0x0], $0xffff  }
0xc0: {  	[tilespmem:s29+$0x80] =	vst v27;
	v22 =	vor.u32 v3, v22;
	v26 =	vld.idx.msk [tilespmem:v26+s3+$0x0], $0xffff  }
0xc1: {  	[tilespmem:s29+$0x100] =	vst v28;
	v27 =	vor.u32 v1, v9;
	v24 =	vld.idx.msk [tilespmem:v24+s3+$0x0], $0xffff  }
0xc2: {  	[tilespmem:s29+$0x180] =	vst v23;
	v23 =	vor.u32 v1, v10;
	v28 =	vld.idx.msk [tilespmem:v29+s3+$0x0], $0xffff  }
0xc3: {  	v21 =	vld.idx.msk [tilespmem:v21+s3+$0x0], $0xffff;
	v29 =	vor.u32 v1, v13;
	[tilespmem:s29+$0x200] =	vst v20  }
0xc4: {  	v30 =	vld.idx.msk [tilespmem:v31+s3+$0x0], $0xffff;
	v20 =	vor.u32 v1, v11;
	[tilespmem:s29+$0x3A0] =	vst v25  }
0xc5: {  	[tilespmem:s29+$0xFFFFFE00] =	vst v56;
	v25 =	vor.u32 v1, v12;
	v22 =	vld.idx.msk [tilespmem:v22+s3+$0x0], $0xffff  }
0xc6: {  	[tilespmem:s29+$0x300] =	vst v26;
	v26 =	vld.idx.msk [tilespmem:v27+s3+$0x0], $0xffff;
	v27 =	vor.u32 v1, v14  }
0xc7: {  	v5 =	vld.idx.msk [tilespmem:v23+s3+$0x0], $0xffff;
	v23 =	vor.u32 v1, v15;
	[tilespmem:s29+$0xFFFFFC90] =	vst v24  }
0xc8: {  	v24 =	vor.u32 v1, v16;
	[tilespmem:s29+$0xFFFFFD90] =	vst v21;
	v21 =	vld.idx.msk [tilespmem:v29+s3+$0x0], $0xffff  }
0xc9: {  	[tilespmem:s29+$0x280] =	vst v30;
	v29 =	vor.u32 v1, v18;
	v20 =	vld.idx.msk [tilespmem:v20+s3+$0x0], $0xffff  }
0xca: {  	[tilespmem:s29+$0xFFFFFD10] =	vst v28;
	v28 =	vor.u32 v1, v17;
	v25 =	vld.idx.msk [tilespmem:v25+s3+$0x0], $0xffff  }
0xcb: {  	[tilespmem:s29+$0x3B0] =	vst v22;
	v22 =	vld.idx.msk [tilespmem:v27+s3+$0x0], $0xffff  }
0xcc: {  	v27 =	vor.u32 v1, v19;
	[tilespmem:s29+$0xFFFFFE10] =	vst v26;
	v23 =	vld.idx.msk [tilespmem:v23+s3+$0x0], $0xffff  }
0xcd: {  	v26 =	vor.u32 v1, v4;
	[tilespmem:s29+$0xFFFFFE90] =	vst v5;
	v5 =	vld.idx.msk [tilespmem:v24+s3+$0x0], $0xffff  }
0xce: {  	v24 =	vor.u32 v2, v6;
	v29 =	vld.idx.msk [tilespmem:v29+s3+$0x0], $0xffff;
	[tilespmem:s29+$0x10] =	vst v21  }
0xcf: {  	[tilespmem:s29+$0xFFFFFF10] =	vst v20;
	v20 =	vld.idx.msk [tilespmem:v28+s3+$0x0], $0xffff;
	v28 =	vor.u32 v2, v7  }
0xd0: {  	[tilespmem:s29+$0xFFFFFF90] =	vst v25;
	v25 =	vor.u32 v2, v8  }
0xd1: {  	v21 =	vld.idx.msk [tilespmem:v27+s3+$0x0], $0xffff;
	v27 =	vor.u32 v2, v9;
	[tilespmem:s29+$0x90] =	vst v22  }
0xd2: {  	v22 =	vld.idx.msk [tilespmem:v26+s3+$0x0], $0xffff;
	v26 =	vor.u32 v2, v10;
	[tilespmem:s29+$0x110] =	vst v23  }
0xd3: {  	v23 =	vld.idx.msk [tilespmem:v24+s3+$0x0], $0xffff;
	v24 =	vor.u32 v2, v11;
	[tilespmem:s29+$0x190] =	vst v5  }
0xd4: {  	v6 =	vor.u32 v3, v6;
	[tilespmem:s29+$0x290] =	vst v29;
	v5 =	vld.idx.msk [tilespmem:v28+s3+$0x0], $0xffff  }
0xd5: {  	v28 =	vor.u32 v2, v12;
	[tilespmem:s29+$0x210] =	vst v20;
	v20 =	vld.idx.msk [tilespmem:v25+s3+$0x0], $0xffff  }
0xd6: {  	v25 =	vor.u32 v2, v13;
	v27 =	vld.idx.msk [tilespmem:v27+s3+$0x0], $0xffff;
	[tilespmem:s29+$0x310] =	vst v21  }
0xd7: {  	v29 =	vor.u32 v2, v14;
	v21 =	vld.idx.msk [tilespmem:v26+s3+$0x0], $0xffff;
	[tilespmem:s29+$0xFFFFFC10] =	vst v22  }
0xd8: {  	v7 =	vor.u32 v3, v7;
	v22 =	vld.idx.msk [tilespmem:v24+s3+$0x0], $0xffff;
	[tilespmem:s29+$0xFFFFFCA0] =	vst v23  }
0xd9: {  	[tilespmem:s26+$0x330] =	vst v38;
	v8 =	vor.u32 v3, v8;
	v6 =	vld.idx.msk [tilespmem:v6+s3+$0x0], $0xffff  }
0xda: {  	v26 =	vor.u32 v2, v15;
	v23 =	vld.idx.msk [tilespmem:v28+s3+$0x0], $0xffff;
	[tilespmem:s29+$0xFFFFFD20] =	vst v5  }
0xdb: {  	v24 =	vor.u32 v2, v16;
	v5 =	vld.idx.msk [tilespmem:v25+s3+$0x0], $0xffff;
	[tilespmem:s29+$0xFFFFFDA0] =	vst v20  }
0xdc: {  	v11 =	vor.u32 v3, v11;
	v20 =	vld.idx.msk [tilespmem:v29+s3+$0x0], $0xffff;
	[tilespmem:s29+$0xFFFFFE20] =	vst v27  }
0xdd: {  	v28 =	vor.u32 v2, v17;
	v7 =	vld.idx.msk [tilespmem:v7+s3+$0x0], $0xffff;
	[tilespmem:s29+$0xFFFFFEA0] =	vst v21  }
0xde: {  	v25 =	vor.u32 v2, v18;
	v8 =	vld.idx.msk [tilespmem:v8+s3+$0x0], $0xffff;
	[tilespmem:s29+$0xFFFFFF20] =	vst v22  }
0xdf: {  	v29 =	vor.u32 v2, v19;
	v26 =	vld.idx.msk [tilespmem:v26+s3+$0x0], $0xffff;
	[tilespmem:s29+$0xFFFFFCB0] =	vst v6  }
0xe0: {  	v12 =	vor.u32 v3, v12;
	v21 =	vld.idx.msk [tilespmem:v24+s3+$0x0], $0xffff;
	[tilespmem:s29+$0xFFFFFFA0] =	vst v23  }
0xe1: {  	v13 =	vor.u32 v3, v13;
	v11 =	vld.idx.msk [tilespmem:v11+s3+$0x0], $0xffff;
	[tilespmem:s29+$0x20] =	vst v5  }
0xe2: {  	v14 =	vor.u32 v3, v14;
	v22 =	vld.idx.msk [tilespmem:v28+s3+$0x0], $0xffff;
	[tilespmem:s29+$0xA0] =	vst v20  }
0xe3: {  	v27 =	vor.u32 v2, v4;
	v23 =	vld.idx.msk [tilespmem:v25+s3+$0x0], $0xffff;
	[tilespmem:s29+$0xFFFFFD30] =	vst v7  }
0xe4: {  	v5 =	vor.u32 v3, v9;
	v9 =	vld.idx.msk [tilespmem:v29+s3+$0x0], $0xffff;
	[tilespmem:s29+$0xFFFFFDB0] =	vst v8  }
0xe5: {  	v10 =	vor.u32 v3, v10;
	v6 =	vld.idx.msk [tilespmem:v12+s3+$0x0], $0xffff;
	[tilespmem:s29+$0x120] =	vst v26  }
0xe6: {  	v7 =	vld.idx.msk [tilespmem:v13+s3+$0x0], $0xffff;
	[tilespmem:s29+$0x1A0] =	vst v21  }
0xe7: {  	v13 =	vor.u32 v3, v18;
	v8 =	vld.idx.msk [tilespmem:v14+s3+$0x0], $0xffff;
	[tilespmem:s29+$0xFFFFFF30] =	vst v11  }
0xe8: {  	v14 =	vor.u32 v3, v19;
	v20 =	vld.idx.msk [tilespmem:v27+s3+$0x0], $0xffff;
	[tilespmem:s29+$0x220] =	vst v22  }
0xe9: {  	v4 =	vor.u32 v3, v4;
	[tilespmem:s29+$0x2A0] =	vst v23;
	v5 =	vld.idx.msk [tilespmem:v5+s3+$0x0], $0xffff  }
0xea: {  	[tilespmem:s29+$0x320] =	vst v9;
	v9 =	vld.idx.msk [tilespmem:v10+s3+$0x0], $0xffff;
	v10 =	vor.u32 v3, v15  }
0xeb: {  	v15 =	vor.u32 v3, v16;
	[tilespmem:s29+$0xFFFFFFB0] =	vst v6  }
0xec: {  	v12 =	vor.u32 v3, v17;
	v6 =	vld.idx.msk [tilespmem:v13+s3+$0x0], $0xffff;
	[tilespmem:s29+$0x30] =	vst v7  }
0xed: {  	v7 =	vld.idx.msk [tilespmem:v14+s3+$0x0], $0xffff;
	[tilespmem:s29+$0xFFFFFC20] =	vst v20  }
0xee: {  	[tilespmem:s29+$0xB0] =	vst v8;
	v4 =	vld.idx.msk [tilespmem:v4+s3+$0x0], $0xffff  }
0xef: {  	s30 =	sadd.s32 s10, s25;
	[tilespmem:s29+$0xFFFFFE30] =	vst v5;
	v5 =	vld.idx.msk [tilespmem:v10+s3+$0x0], $0xffff  }
0xf0: {  	s31 =	sshrl.u32 s30, $0x2;
	[tilespmem:s29+$0xFFFFFEB0] =	vst v9;
	v9 =	vld.idx.msk [tilespmem:v15+s3+$0x0], $0xffff  }
0xf1: {  	s31 =	smulhi.u32 $0x218E7C01, s31;
	v10 =	vld.idx.msk [tilespmem:v12+s3+$0x0], $0xffff;
	[tilespmem:s29+$0x2B0] =	vst v6  }
0xf2: {  	[tilespmem:s29+$0x330] =	vst v7  }
0xf3: {  	s26 =	sshll.u32 s28, $0xB;
	s28 =	sshrl.u32 s31, $0x8;
	[tilespmem:s29+$0xFFFFFC30] =	vst v4  }
0xf4: {  	s28 =	smul.u32 $0x1E84, s28;
	[tilespmem:s29+$0x130] =	vst v5  }
0xf5: {  	[tilespmem:s29+$0x1B0] =	vst v9  }
0xf6: {  	s28 =	ssub.s32 s30, s28;
	s30 =	simm.s32 $0x5;
	[tilespmem:s29+$0x230] =	vst v10;
	s29 =	sadd.s32 s6, s26  }
0xf7: {  	[hbm4b:s29+s3] =	stream.linear.scatter [tilespmem:s18], [sflag:$0x3], $0x4000, $0x38;
	[tilespmem:$0xC000] =	vst v63  }
0xf8: {  	s28 =	sshll.u32 s28, $0x7;
	v10 =	vmov s30;
	s30 =	simm.s32 $0x8;
	s29 =	simm.s32 $0x0  }
0xf9: {  	s28 =	sadd.s32 s1, s28;
	v13 =	vmov s30;
	s30 =	simm.s32 $0xB;
	v4 =	vmov s29;
	s29 =	simm.s32 $0x2  }
0xfa: {  	[tilespmem:s3], [sflag:$0x1] =	stream.strided.gather [hbm4b:s28+s14], $0x2000, s15, s14, $0x38;
	[tilespmem:$0xC000] =	vst v63  }
0xfb: {  	v23 =	vmov s30;
	v4 =	vand.u32 $0x70, v4;
	s28 =	simm.s32 $0x1;
	v6 =	vmov s29;
	s29 =	simm.s32 $0x4  }
0xfc: {  	v8 =	vbroadcast v4, $0x0;
	v5 =	vmov s28;
	s28 =	simm.s32 $0x3;
	v9 =	vmov s29;
	s29 =	simm.s32 $0x7  }
0xfd: {  	v6 =	vand.u32 $0x72, v6;
	v7 =	vmov s28;
	s28 =	simm.s32 $0x6;
	v12 =	vmov s29  }
0xfe: {  	v5 =	vand.u32 $0x71, v5;
	v17 =	vbroadcast v6, $0x0;
	v11 =	vmov s28;
	s28 =	simm.s32 $0x9  }
0xff: {  	_ =	swait.ge [sflag:s19], $0x2000;
	v6 =	vand.u32 $0x74, v9;
	v16 =	vbroadcast v5, $0x0;
	v21 =	vmov s28;
	s28 =	simm.s32 $0xC  }
0x100: {  	[sflag:s19] =	ssyncset.done $0x0;
	v4 =	vor.u32 v0, v8;
	v5 =	vand.u32 $0x73, v7;
	v24 =	vmov s28;
	s28 =	simm.s32 $0xE  }
0x101: {  	[sflag:s19] =	ssyncadd.s32 $0xFFFFE000;
	v19 =	vbroadcast v5, $0x0;
	v7 =	vor.u32 v0, v16;
	v26 =	vmov s28;
	s28 =	simm.s32 @!p1 $0x4  }
0x102: {  	v20 =	vbroadcast v6, $0x0;
	v5 =	vand.u32 $0x75, v10;
	v9 =	vor.u32 v0, v17;
	_ =	swait.ge @!p1 [sflag:s28], $0x4000  }
0x103: {  	v6 =	vand.u32 $0x76, v11;
	v18 =	vbroadcast v5, $0x0;
	v10 =	vor.u32 v0, v19;
	[sflag:s28] =	ssyncset.done @!p1 $0x0  }
0x104: {  	v5 =	vand.u32 $0x77, v12;
	v11 =	vor.u32 v0, v20;
	v15 =	vbroadcast v6, $0x0;
	[sflag:s28] =	ssyncadd.s32 @!p1 $0xFFFFC000  }
0x105: {  	s29 =	simm.s32 $0xA;
	v6 =	vand.u32 $0x78, v13;
	v14 =	vbroadcast v5, $0x0;
	v27 =	vld.idx.msk [tilespmem:v4+s16+$0x0], $0xffff;
	v4 =	vor.u32 v0, v18  }
0x106: {  	v22 =	vmov s29;
	s29 =	simm.s32 $0xD;
	v12 =	vbroadcast v6, $0x0;
	v28 =	vld.idx.msk [tilespmem:v7+s16+$0x0], $0xffff;
	v7 =	vor.u32 v0, v15  }
0x107: {  	v50 =	vor.u32 v1, v8;
	v25 =	vmov s29;
	v6 =	vor.u32 v0, v14;
	v29 =	vld.idx.msk [tilespmem:v9+s16+$0x0], $0xffff  }
0x108: {  	v63 =	vor.u32 v1, v17;
	v30 =	vor.u32 v0, v12;
	v9 =	vand.u32 $0x79, v21;
	v21 =	vld.idx.msk [tilespmem:v10+s16+$0x0], $0xffff  }
0x109: {  	v62 =	vor.u32 v1, v16;
	v13 =	vbroadcast v9, $0x0;
	v9 =	vand.u32 $0x7A, v22;
	v22 =	vld.idx.msk [tilespmem:v11+s16+$0x0], $0xffff  }
0x10a: {  	v40 =	vor.u32 v1, v20;
	s28 =	simm.s32 $0xF;
	v11 =	vbroadcast v9, $0x0;
	v9 =	vand.u32 $0x7B, v23;
	v4 =	vld.idx.msk [tilespmem:v4+s16+$0x0], $0xffff  }
0x10b: {  	v5 =	vmov s28;
	v10 =	vbroadcast v9, $0x0;
	v9 =	vand.u32 $0x7C, v24;
	v24 =	vld.idx.msk [tilespmem:v7+s16+$0x0], $0xffff  }
0x10c: {  	v39 =	vor.u32 v1, v19;
	s28 =	simm.s32 $0x87B0;
	v5 =	vand.u32 $0x7F, v5;
	v7 =	vand.u32 $0x7D, v25;
	v25 =	vld.idx.msk [tilespmem:v6+s16+$0x0], $0xffff  }
0x10d: {  	v5 =	vbroadcast v5, $0x0;
	[tilespmem:s28+$0xFFFFF8D0] =	vst v28;
	v6 =	vbroadcast v7, $0x0;
	v7 =	vand.u32 $0x7E, v26;
	v26 =	vld.idx.msk [tilespmem:v30+s16+$0x0], $0xffff  }
0x10e: {  	v31 =	vor.u32 v0, v13;
	[tilespmem:s28+$0xFFFFF950] =	vst v29;
	v44 =	vld.idx.msk [tilespmem:v62+s16+$0x0], $0xffff  }
0x10f: {  	v23 =	vor.u32 v0, v5;
	[tilespmem:s28+$0xFFFFF850] =	vst v27;
	v45 =	vld.idx.msk [tilespmem:v63+s16+$0x0], $0xffff  }
0x110: {  	v57 =	vor.u32 v0, v11;
	v9 =	vbroadcast v9, $0x0;
	[tilespmem:s28+$0xFFFFF9D0] =	vst v21;
	v53 =	vld.idx.msk [tilespmem:v50+s16+$0x0], $0xffff  }
0x111: {  	v58 =	vor.u32 v0, v10;
	[tilespmem:s28+$0xFFFFFA50] =	vst v22;
	v46 =	vld.idx.msk [tilespmem:v39+s16+$0x0], $0xffff  }
0x112: {  	v30 =	vor.u32 v0, v9;
	v47 =	vld.idx.msk [tilespmem:v40+s16+$0x0], $0xffff  }
0x113: {  	v29 =	vor.u32 v1, v15;
	v31 =	vld.idx.msk [tilespmem:v31+s16+$0x0], $0xffff  }
0x114: {  	v22 =	vor.u32 v1, v14;
	v23 =	vld.idx.msk [tilespmem:v23+s16+$0x0], $0xffff  }
0x115: {  	v7 =	vbroadcast v7, $0x0;
	v59 =	vor.u32 v0, v6;
	v32 =	vld.idx.msk [tilespmem:v57+s16+$0x0], $0xffff  }
0x116: {  	v54 =	vor.u32 v2, v20;
	v33 =	vld.idx.msk [tilespmem:v58+s16+$0x0], $0xffff  }
0x117: {  	v60 =	vor.u32 v0, v7;
	[tilespmem:s28+$0xFFFFFB50] =	vst v24;
	v30 =	vld.idx.msk [tilespmem:v30+s16+$0x0], $0xffff  }
0x118: {  	v61 =	vor.u32 v1, v5;
	[tilespmem:s28+$0xFFFFFBD0] =	vst v25;
	v29 =	vld.idx.msk [tilespmem:v29+s16+$0x0], $0xffff  }
0x119: {  	[tilespmem:s28+$0xFFFFFAD0] =	vst v4;
	v24 =	vor.u32 v1, v13;
	v22 =	vld.idx.msk [tilespmem:v22+s16+$0x0], $0xffff  }
0x11a: {  	v48 =	vor.u32 v1, v11;
	[tilespmem:s28+$0xFFFFFA60] =	vst v47;
	v34 =	vld.idx.msk [tilespmem:v59+s16+$0x0], $0xffff  }
0x11b: {  	v25 =	vor.u32 v1, v10;
	[tilespmem:s28+$0xFFFFFC50] =	vst v26;
	v36 =	vld.idx.msk [tilespmem:v54+s16+$0x0], $0xffff  }
0x11c: {  	v26 =	vor.u32 v1, v9;
	v35 =	vld.idx.msk [tilespmem:v60+s16+$0x0], $0xffff;
	[tilespmem:s28+$0xFFFFFFD0] =	vst v23  }
0x11d: {  	v56 =	vor.u32 v2, v15;
	[tilespmem:s28+$0xFFFFFCD0] =	vst v31;
	v28 =	vld.idx.msk [tilespmem:v61+s16+$0x0], $0xffff  }
0x11e: {  	v57 =	vor.u32 v2, v14;
	[tilespmem:s28+$0xFFFFFD50] =	vst v32;
	v24 =	vld.idx.msk [tilespmem:v24+s16+$0x0], $0xffff  }
0x11f: {  	v51 =	vor.u32 v2, v19;
	v32 =	vld.idx.msk [tilespmem:v48+s16+$0x0], $0xffff;
	[tilespmem:s28+$0xFFFFFDD0] =	vst v33  }
0x120: {  	v23 =	vor.u32 v1, v18;
	v25 =	vld.idx.msk [tilespmem:v25+s16+$0x0], $0xffff;
	[tilespmem:s28+$0xFFFFFE50] =	vst v30  }
0x121: {  	v31 =	vor.u32 v1, v6;
	[tilespmem:s28+$0xFFFFFB60] =	vst v29;
	v26 =	vld.idx.msk [tilespmem:v26+s16+$0x0], $0xffff  }
0x122: {  	v4 =	vor.u32 v1, v12;
	[tilespmem:s28+$0xFFFFFBE0] =	vst v22;
	v38 =	vld.idx.msk [tilespmem:v56+s16+$0x0], $0xffff  }
0x123: {  	v49 =	vor.u32 v1, v7;
	[tilespmem:s28+$0xFFFFF9E0] =	vst v46;
	v59 =	vld.idx.msk [tilespmem:v57+s16+$0x0], $0xffff  }
0x124: {  	v61 =	vor.u32 v2, v8;
	[tilespmem:s28+$0xFFFFFED0] =	vst v34;
	v34 =	vld.idx.msk [tilespmem:v51+s16+$0x0], $0xffff  }
0x125: {  	v21 =	vor.u32 v2, v5;
	[tilespmem:s28+$0xFFFFF8E0] =	vst v44;
	v23 =	vld.idx.msk [tilespmem:v23+s16+$0x0], $0xffff  }
0x126: {  	v30 =	vor.u32 v2, v16;
	v31 =	vld.idx.msk [tilespmem:v31+s16+$0x0], $0xffff;
	[tilespmem:s28+$0xFFFFFF50] =	vst v35  }
0x127: {  	v29 =	vor.u32 v2, v11;
	[tilespmem:s28+$0xFFFFFFE0] =	vst v28;
	v28 =	vld.idx.msk [tilespmem:v4+s16+$0x0], $0xffff  }
0x128: {  	[tilespmem:s28+$0xFFFFF860] =	vst v53;
	v22 =	vor.u32 v2, v10;
	v27 =	vld.idx.msk [tilespmem:v49+s16+$0x0], $0xffff  }
0x129: {  	v14 =	vor.u32 v3, v14;
	[tilespmem:s28+$0xFFFFFCE0] =	vst v24;
	v46 =	vld.idx.msk [tilespmem:v61+s16+$0x0], $0xffff  }
0x12a: {  	v15 =	vor.u32 v3, v15;
	[tilespmem:s28+$0xFFFFFD60] =	vst v32;
	v21 =	vld.idx.msk [tilespmem:v21+s16+$0x0], $0xffff  }
0x12b: {  	v55 =	vor.u32 v2, v18;
	v30 =	vld.idx.msk [tilespmem:v30+s16+$0x0], $0xffff;
	[tilespmem:s28+$0xFFFFFDE0] =	vst v25  }
0x12c: {  	v24 =	vor.u32 v2, v6;
	v41 =	vld.idx.msk [tilespmem:v29+s16+$0x0], $0xffff;
	[tilespmem:s28+$0xFFFFFB70] =	vst v38  }
0x12d: {  	v19 =	vor.u32 v3, v19;
	v42 =	vld.idx.msk [tilespmem:v22+s16+$0x0], $0xffff;
	[tilespmem:s28+$0xFFFFFBF0] =	vst v59  }
0x12e: {  	v58 =	vor.u32 v2, v12;
	v32 =	vld.idx.msk [tilespmem:v14+s16+$0x0], $0xffff;
	[tilespmem:s28+$0xFFFFFAE0] =	vst v23  }
0x12f: {  	v5 =	vor.u32 v3, v5;
	[tilespmem:s28+$0xFFFFFEE0] =	vst v31;
	v31 =	vld.idx.msk [tilespmem:v15+s16+$0x0], $0xffff  }
0x130: {  	v16 =	vor.u32 v3, v16;
	[tilespmem:s28+$0xFFFFF9F0] =	vst v34;
	v37 =	vld.idx.msk [tilespmem:v55+s16+$0x0], $0xffff  }
0x131: {  	v10 =	vor.u32 v3, v10;
	[tilespmem:s28+$0xFFFFFC60] =	vst v28;
	v44 =	vld.idx.msk [tilespmem:v24+s16+$0x0], $0xffff  }
0x132: {  	v23 =	vor.u32 v2, v13;
	[tilespmem:s28+$0xFFFFFF60] =	vst v27;
	v27 =	vld.idx.msk [tilespmem:v19+s16+$0x0], $0xffff  }
0x133: {  	s29 =	simm.s32 $0x10;
	v28 =	vor.u32 v2, v9;
	[tilespmem:s28+$0xFFFFFFF0] =	vst v21;
	v35 =	vld.idx.msk [tilespmem:v58+s16+$0x0], $0xffff  }
0x134: {  	v20 =	vor.u32 v3, v20;
	v4 =	vmov s29;
	s29 =	simm.s32 $0x11;
	[tilespmem:s28+$0xFFFFF8F0] =	vst v30;
	v5 =	vld.idx.msk [tilespmem:v5+s16+$0x0], $0xffff  }
0x135: {  	v21 =	vor.u32 v2, v17;
	v30 =	vmov s29;
	v22 =	vld.idx.msk [tilespmem:v16+s16+$0x0], $0xffff;
	[tilespmem:s28+$0xFFFFFDF0] =	vst v42  }
0x136: {  	s30 =	simm.s32 $0x12;
	v18 =	vor.u32 v3, v18;
	v14 =	vand.u32 $0x71, v30;
	v30 =	vld.idx.msk [tilespmem:v10+s16+$0x0], $0xffff  }
0x137: {  	v62 =	vmov s30;
	s30 =	simm.s32 $0x14;
	v11 =	vor.u32 v3, v11;
	v4 =	vand.u32 $0x70, v4;
	[tilespmem:s28+$0xFFFFFE60] =	vst v26;
	v60 =	vld.idx.msk [tilespmem:v23+s16+$0x0], $0xffff  }
0x138: {  	v12 =	vor.u32 v3, v12;
	v47 =	vmov s30;
	s30 =	simm.s32 $0x16;
	[tilespmem:s28+$0xFFFFFA70] =	vst v36;
	v4 =	vbroadcast v4, $0x0;
	v43 =	vld.idx.msk [tilespmem:v28+s16+$0x0], $0xffff  }
0x139: {  	v63 =	vor.u32 v3, v7;
	[tilespmem:s28+$0xFFFFF960] =	vst v45;
	v48 =	vmov s30;
	s30 =	simm.s32 $0x18;
	v23 =	vor.u32 v2, v7;
	v28 =	vld.idx.msk [tilespmem:v20+s16+$0x0], $0xffff  }
0x13a: {  	v50 =	vmov s30;
	v52 =	vor.u32 v0, v4;
	v13 =	vor.u32 v3, v13;
	[tilespmem:s28+$0xFFFFFAF0] =	vst v37;
	v21 =	vld.idx.msk [tilespmem:v21+s16+$0x0], $0xffff  }
0x13b: {  	v15 =	vand.u32 $0x72, v62;
	v9 =	vor.u32 v3, v9;
	v17 =	vor.u32 v3, v17;
	s29 =	simm.s32 $0x13;
	[tilespmem:s28+$0xFFFFFD70] =	vst v41;
	v29 =	vld.idx.msk [tilespmem:v18+s16+$0x0], $0xffff  }
0x13c: {  	v16 =	vmov s29;
	v10 =	vand.u32 $0x76, v48;
	v7 =	vbroadcast v15, $0x0;
	[tilespmem:s28+$0xFFFFFC70] =	vst v35;
	v35 =	vld.idx.msk [tilespmem:v11+s16+$0x0], $0xffff  }
0x13d: {  	v18 =	vor.u32 v3, v6;
	v6 =	vbroadcast v14, $0x0;
	v14 =	vand.u32 $0x73, v16;
	v33 =	vld.idx.msk [tilespmem:v12+s16+$0x0], $0xffff  }
0x13e: {  	s30 =	simm.s32 $0x1A;
	v15 =	vand.u32 $0x74, v47;
	[tilespmem:s28+$0x0] =	vst v5;
	v12 =	vor.u32 v3, v8;
	v8 =	vbroadcast v14, $0x0;
	v45 =	vld.idx.msk [tilespmem:v23+s16+$0x0], $0xffff  }
0x13f: {  	v25 =	vmov s30;
	s29 =	simm.s32 $0x15;
	v10 =	vbroadcast v10, $0x0;
	v11 =	vbroadcast v15, $0x0;
	v5 =	vld.idx.msk [tilespmem:v52+s16+$0x0], $0xffff;
	[tilespmem:s28+$0xFFFFF970] =	vst v21  }
0x140: {  	s30 =	simm.s32 $0x1C;
	v14 =	vor.u32 v0, v7;
	[tilespmem:s28+$0xFFFFFCF0] =	vst v60;
	v15 =	vor.u32 v0, v8;
	v24 =	vld.idx.msk [tilespmem:v17+s16+$0x0], $0xffff;
	v17 =	vmov s29;
	s29 =	simm.s32 $0x17  }
0x141: {  	[tilespmem:s28+$0xFFFFFEF0] =	vst v44;
	v34 =	vld.idx.msk [tilespmem:v13+s16+$0x0], $0xffff;
	v13 =	vor.u32 v0, v6;
	v21 =	vmov s30;
	v49 =	vmov s29;
	s29 =	simm.s32 $0x19  }
0x142: {  	[tilespmem:s28+$0xFFFFFE70] =	vst v43;
	s30 =	simm.s32 $0x1E;
	v37 =	vld.idx.msk [tilespmem:v18+s16+$0x0], $0xffff;
	v18 =	vand.u32 $0x78, v50;
	v16 =	vand.u32 $0x75, v17;
	v19 =	vmov s29;
	s29 =	simm.s32 $0x1B  }
0x143: {  	v36 =	vld.idx.msk [tilespmem:v9+s16+$0x0], $0xffff;
	v20 =	vmov s30;
	v9 =	vbroadcast v16, $0x0;
	[tilespmem:s28+$0xFFFFFF70] =	vst v45;
	v26 =	vmov s29;
	s29 =	simm.s32 $0x1D  }
0x144: {  	[tilespmem:s28+$0xFFFFF870] =	vst v46;
	s30 =	simm.s32 $0x1F;
	v17 =	vand.u32 $0x77, v49;
	v16 =	vor.u32 v0, v11;
	v38 =	vld.idx.msk [tilespmem:v63+s16+$0x0], $0xffff;
	v23 =	vmov s29;
	s29 =	simm.s32 $0x20  }
.LBB2_5:
0x145: {  	p1 =	slt.u32 s29, $0x70;
	v39 =	vor.u32 v0, v9;
	v17 =	vbroadcast v17, $0x0;
	v40 =	vmov s30;
	v41 =	vld.idx.msk [tilespmem:v12+s16+$0x0], $0xffff;
	[tilespmem:s28+$0xFFFFF900] =	vst v22  }
0x146: {  	v12 =	vbroadcast v18, $0x0;
	v22 =	vld.idx.msk [tilespmem:v13+s16+$0x0], $0xffff;
	v42 =	vor.u32 v0, v10;
	v13 =	vand.u32 $0x7F, v40;
	[tilespmem:s28+$0xFFFFF980] =	vst v24  }
0x147: {  	v24 =	vld.idx.msk [tilespmem:v14+s16+$0x0], $0xffff;
	v40 =	vor.u32 v0, v17;
	v14 =	vand.u32 $0x79, v19;
	v43 =	vbroadcast v13, $0x0;
	[tilespmem:s28+$0xFFFFFA00] =	vst v27  }
0x148: {  	v44 =	vor.u32 v0, v12;
	v13 =	vand.u32 $0x7A, v25;
	v27 =	vld.idx.msk [tilespmem:v15+s16+$0x0], $0xffff;
	v19 =	vbroadcast v14, $0x0;
	[tilespmem:s28+$0xFFFFFA80] =	vst v28  }
0x149: {  	v18 =	vbroadcast v13, $0x0;
	v13 =	vand.u32 $0x7B, v26;
	v25 =	vld.idx.msk [tilespmem:v16+s16+$0x0], $0xffff;
	v26 =	vor.u32 v0, v43;
	[tilespmem:s28+$0xFFFFFB00] =	vst v29  }
0x14a: {  	v14 =	vand.u32 $0x7C, v21;
	v13 =	vbroadcast v13, $0x0;
	v28 =	vld.idx.msk [tilespmem:v39+s16+$0x0], $0xffff;
	v29 =	vor.u32 v0, v19;
	[tilespmem:s28+$0xFFFFFB80] =	vst v31  }
0x14b: {  	v15 =	vand.u32 $0x7D, v23;
	v14 =	vbroadcast v14, $0x0;
	v31 =	vor.u32 v0, v18;
	v21 =	vld.idx.msk [tilespmem:v42+s16+$0x0], $0xffff;
	[tilespmem:s28+$0xFFFFFC00] =	vst v32  }
0x14c: {  	v15 =	vbroadcast v15, $0x0;
	v16 =	vand.u32 $0x7E, v20;
	v32 =	vor.u32 v0, v13;
	v23 =	vld.idx.msk [tilespmem:v40+s16+$0x0], $0xffff;
	[tilespmem:s28+$0xFFFFFC80] =	vst v33  }
0x14d: {  	v16 =	vbroadcast v16, $0x0;
	v33 =	vor.u32 v0, v14;
	v20 =	vld.idx.msk [tilespmem:v44+s16+$0x0], $0xffff;
	[tilespmem:s28+$0xFFFFFD00] =	vst v34  }
0x14e: {  	v34 =	vor.u32 v0, v15;
	v26 =	vld.idx.msk [tilespmem:v26+s16+$0x0], $0xffff;
	[tilespmem:s28+$0xFFFFFD80] =	vst v35  }
0x14f: {  	v35 =	vor.u32 v0, v16;
	v29 =	vld.idx.msk [tilespmem:v29+s16+$0x0], $0xffff;
	[tilespmem:s28+$0xFFFFFE00] =	vst v30  }
0x150: {  	v30 =	vld.idx.msk [tilespmem:v31+s16+$0x0], $0xffff;
	v31 =	vor.u32 v1, v43;
	[tilespmem:s28+$0xFFFFFE80] =	vst v36  }
0x151: {  	v36 =	vor.u32 v1, v6;
	v32 =	vld.idx.msk [tilespmem:v32+s16+$0x0], $0xffff;
	[tilespmem:s28+$0xFFFFFF00] =	vst v37  }
0x152: {  	v37 =	vor.u32 v1, v7;
	v33 =	vld.idx.msk [tilespmem:v33+s16+$0x0], $0xffff;
	[tilespmem:s28+$0xFFFFFF80] =	vst v38  }
0x153: {  	v38 =	vor.u32 v1, v8;
	v34 =	vld.idx.msk [tilespmem:v34+s16+$0x0], $0xffff;
	[tilespmem:s28+$0xFFFFF880] =	vst v41;
	s28 =	sadd.s32 $0x800, s28  }
0x154: {  	v39 =	vor.u32 v1, v11;
	v35 =	vld.idx.msk [tilespmem:v35+s16+$0x0], $0xffff;
	[tilespmem:s28+$0xFFFFFFD0] =	vst v26  }
0x155: {  	[tilespmem:s28+$0xFFFFF8D0] =	vst v22;
	v22 =	vor.u32 v1, v9;
	v26 =	vld.idx.msk [tilespmem:v31+s16+$0x0], $0xffff  }
0x156: {  	v31 =	vld.idx.msk [tilespmem:v36+s16+$0x0], $0xffff;
	[tilespmem:s28+$0xFFFFF950] =	vst v24;
	v24 =	vor.u32 v1, v10  }
0x157: {  	v36 =	vld.idx.msk [tilespmem:v37+s16+$0x0], $0xffff;
	[tilespmem:s28+$0xFFFFF9D0] =	vst v27;
	v27 =	vor.u32 v2, v43  }
0x158: {  	v37 =	vld.idx.msk [tilespmem:v38+s16+$0x0], $0xffff;
	[tilespmem:s28+$0xFFFFFA50] =	vst v25;
	v25 =	vor.u32 v1, v17  }
0x159: {  	v38 =	vld.idx.msk [tilespmem:v39+s16+$0x0], $0xffff;
	[tilespmem:s28+$0xFFFFFAD0] =	vst v28;
	v28 =	vor.u32 v1, v12  }
0x15a: {  	v22 =	vld.idx.msk [tilespmem:v22+s16+$0x0], $0xffff;
	[tilespmem:s28+$0xFFFFFB50] =	vst v21;
	v21 =	vor.u32 v1, v19  }
0x15b: {  	v39 =	vor.u32 v1, v18;
	v24 =	vld.idx.msk [tilespmem:v24+s16+$0x0], $0xffff;
	[tilespmem:s28+$0xFFFFFFE0] =	vst v26  }
0x15c: {  	[tilespmem:s28+$0xFFFFFBD0] =	vst v23;
	v23 =	vor.u32 v1, v13;
	v26 =	vld.idx.msk [tilespmem:v27+s16+$0x0], $0xffff  }
0x15d: {  	v25 =	vld.idx.msk [tilespmem:v25+s16+$0x0], $0xffff;
	[tilespmem:s28+$0xFFFFFC50] =	vst v20;
	v20 =	vor.u32 v1, v14  }
0x15e: {  	v27 =	vld.idx.msk [tilespmem:v28+s16+$0x0], $0xffff;
	[tilespmem:s28+$0xFFFFFCD0] =	vst v29;
	v28 =	vor.u32 v3, v43  }
0x15f: {  	v29 =	vor.u32 v1, v15;
	v21 =	vld.idx.msk [tilespmem:v21+s16+$0x0], $0xffff;
	[tilespmem:s28+$0xFFFFFD50] =	vst v30  }
0x160: {  	v39 =	vld.idx.msk [tilespmem:v39+s16+$0x0], $0xffff;
	[tilespmem:s28+$0xFFFFFDD0] =	vst v32;
	v32 =	vor.u32 v1, v16  }
0x161: {  	v40 =	vor.u32 v1, v4;
	v30 =	vmov s29;
	v23 =	vld.idx.msk [tilespmem:v23+s16+$0x0], $0xffff;
	[tilespmem:s28+$0xFFFFFE50] =	vst v33  }
0x162: {  	v30 =	vand.u32 $0x70, v30;
	v33 =	vor.u32 v2, v6;
	v20 =	vld.idx.msk [tilespmem:v20+s16+$0x0], $0xffff;
	[tilespmem:s28+$0xFFFFFFF0] =	vst v26  }
0x163: {  	v30 =	vbroadcast v30, $0x0;
	v26 =	vor.u32 v2, v7;
	[tilespmem:s28+$0xFFFFFED0] =	vst v34;
	v28 =	vld.idx.msk [tilespmem:v28+s16+$0x0], $0xffff  }
0x164: {  	v34 =	vor.u32 v2, v8;
	v29 =	vld.idx.msk [tilespmem:v29+s16+$0x0], $0xffff;
	[tilespmem:s28+$0xFFFFFF50] =	vst v35  }
0x165: {  	v35 =	vor.u32 v0, v30;
	[tilespmem:s28+$0xFFFFF850] =	vst v5;
	v32 =	vld.idx.msk [tilespmem:v32+s16+$0x0], $0xffff  }
0x166: {  	v40 =	vld.idx.msk [tilespmem:v40+s16+$0x0], $0xffff;
	[tilespmem:s28+$0xFFFFF8E0] =	vst v31;
	v31 =	vor.u32 v2, v11  }
0x167: {  	v33 =	vld.idx.msk [tilespmem:v33+s16+$0x0], $0xffff;
	[tilespmem:s28+$0xFFFFF960] =	vst v36;
	v36 =	vor.u32 v2, v9  }
0x168: {  	v26 =	vld.idx.msk [tilespmem:v26+s16+$0x0], $0xffff;
	[tilespmem:s28+$0xFFFFF9E0] =	vst v37;
	v37 =	vor.u32 v2, v10  }
0x169: {  	v41 =	vor.u32 v2, v17;
	v34 =	vld.idx.msk [tilespmem:v34+s16+$0x0], $0xffff;
	[tilespmem:s28+$0x0] =	vst v28  }
0x16a: {  	v28 =	vor.u32 v2, v12;
	v5 =	vld.idx.msk [tilespmem:v35+s16+$0x0], $0xffff;
	[tilespmem:s28+$0xFFFFFA60] =	vst v38  }
0x16b: {  	v31 =	vld.idx.msk [tilespmem:v31+s16+$0x0], $0xffff;
	[tilespmem:s28+$0xFFFFFAE0] =	vst v22;
	v22 =	vor.u32 v2, v19  }
0x16c: {  	v35 =	vld.idx.msk [tilespmem:v36+s16+$0x0], $0xffff;
	[tilespmem:s28+$0xFFFFFB60] =	vst v24;
	v24 =	vor.u32 v2, v18  }
0x16d: {  	v36 =	vld.idx.msk [tilespmem:v37+s16+$0x0], $0xffff;
	[tilespmem:s28+$0xFFFFFBE0] =	vst v25;
	v25 =	vor.u32 v2, v13  }
0x16e: {  	v37 =	vld.idx.msk [tilespmem:v41+s16+$0x0], $0xffff;
	[tilespmem:s28+$0xFFFFFC60] =	vst v27;
	v27 =	vor.u32 v2, v14  }
0x16f: {  	v38 =	vld.idx.msk [tilespmem:v28+s16+$0x0], $0xffff;
	[tilespmem:s28+$0xFFFFFCE0] =	vst v21;
	v21 =	vor.u32 v2, v15  }
0x170: {  	v41 =	vld.idx.msk [tilespmem:v22+s16+$0x0], $0xffff;
	[tilespmem:s28+$0xFFFFFD60] =	vst v39;
	v22 =	vor.u32 v2, v16  }
0x171: {  	v28 =	vor.u32 v2, v4;
	v39 =	vld.idx.msk [tilespmem:v24+s16+$0x0], $0xffff;
	[tilespmem:s28+$0xFFFFFDE0] =	vst v23  }
0x172: {  	v6 =	vor.u32 v3, v6;
	v42 =	vld.idx.msk [tilespmem:v25+s16+$0x0], $0xffff;
	[tilespmem:s28+$0xFFFFFE60] =	vst v20  }
0x173: {  	v7 =	vor.u32 v3, v7;
	v43 =	vld.idx.msk [tilespmem:v27+s16+$0x0], $0xffff;
	[tilespmem:s28+$0xFFFFFEE0] =	vst v29  }
0x174: {  	v8 =	vor.u32 v3, v8;
	v44 =	vld.idx.msk [tilespmem:v21+s16+$0x0], $0xffff;
	[tilespmem:s28+$0xFFFFFF60] =	vst v32  }
0x175: {  	v11 =	vor.u32 v3, v11;
	[tilespmem:s28+$0xFFFFF860] =	vst v40;
	v40 =	vld.idx.msk [tilespmem:v22+s16+$0x0], $0xffff  }
0x176: {  	s30 =	sadd.s32 $0x1, s29;
	s31 =	sadd.s32 $0x2, s29;
	v9 =	vor.u32 v3, v9;
	v45 =	vld.idx.msk [tilespmem:v28+s16+$0x0], $0xffff;
	[tilespmem:s28+$0xFFFFF8F0] =	vst v33  }
0x177: {  	v46 =	vmov s31;
	s31 =	sadd.s32 $0x4, s29;
	v33 =	vmov s30;
	s30 =	sadd.s32 $0x3, s29;
	v22 =	vld.idx.msk [tilespmem:v6+s16+$0x0], $0xffff;
	[tilespmem:s28+$0xFFFFF970] =	vst v26;
	v6 =	vor.u32 v3, v10  }
0x178: {  	v47 =	vmov s31;
	s31 =	sadd.s32 $0x6, s29;
	v10 =	vmov s30;
	s30 =	sadd.s32 $0x5, s29;
	v24 =	vld.idx.msk [tilespmem:v7+s16+$0x0], $0xffff;
	[tilespmem:s28+$0xFFFFF9F0] =	vst v34;
	v7 =	vor.u32 v3, v17  }
0x179: {  	v48 =	vmov s31;
	s31 =	sadd.s32 $0x8, s29;
	v17 =	vmov s30;
	s30 =	sadd.s32 $0x7, s29;
	v27 =	vld.idx.msk [tilespmem:v8+s16+$0x0], $0xffff;
	[tilespmem:s28+$0xFFFFFA70] =	vst v31;
	v8 =	vor.u32 v3, v12  }
0x17a: {  	v50 =	vmov s31;
	s31 =	sadd.s32 $0xA, s29;
	v49 =	vmov s30;
	s30 =	sadd.s32 $0x9, s29;
	v28 =	vld.idx.msk [tilespmem:v11+s16+$0x0], $0xffff;
	[tilespmem:s28+$0xFFFFFAF0] =	vst v35;
	v11 =	vor.u32 v3, v19  }
0x17b: {  	v25 =	vmov s31;
	s31 =	sadd.s32 $0xC, s29;
	v19 =	vmov s30;
	s30 =	sadd.s32 $0xB, s29;
	v29 =	vld.idx.msk [tilespmem:v9+s16+$0x0], $0xffff;
	[tilespmem:s28+$0xFFFFFB70] =	vst v36;
	v9 =	vor.u32 v3, v18  }
0x17c: {  	v21 =	vmov s31;
	s31 =	sadd.s32 $0xE, s29;
	v26 =	vmov s30;
	s30 =	sadd.s32 $0xD, s29;
	v18 =	vor.u32 v3, v13;
	v31 =	vld.idx.msk [tilespmem:v6+s16+$0x0], $0xffff;
	[tilespmem:s28+$0xFFFFFBF0] =	vst v37  }
0x17d: {  	v20 =	vmov s31;
	v36 =	vor.u32 v3, v14;
	v23 =	vmov s30;
	v32 =	vld.idx.msk [tilespmem:v7+s16+$0x0], $0xffff;
	[tilespmem:s28+$0xFFFFFC70] =	vst v38  }
0x17e: {  	v6 =	vand.u32 $0x71, v33;
	v37 =	vor.u32 v3, v15;
	v7 =	vand.u32 $0x72, v46;
	v33 =	vld.idx.msk [tilespmem:v8+s16+$0x0], $0xffff;
	[tilespmem:s28+$0xFFFFFCF0] =	vst v41  }
0x17f: {  	v6 =	vbroadcast v6, $0x0;
	v38 =	vor.u32 v3, v16;
	v8 =	vand.u32 $0x73, v10;
	v34 =	vld.idx.msk [tilespmem:v11+s16+$0x0], $0xffff;
	[tilespmem:s28+$0xFFFFFD70] =	vst v39  }
.Ltmp1:
0x180: {  	v12 =	vor.u32 v3, v4;
	v4 =	vmovc v30;
	v7 =	vbroadcast v7, $0x0;
	v10 =	vand.u32 $0x74, v47;
	v35 =	vld.idx.msk [tilespmem:v9+s16+$0x0], $0xffff;
	[tilespmem:s28+$0xFFFFFDF0] =	vst v42;
	(pc) =	sbr.rel @p1 .LBB2_5-.Ltmp1, $4  }
0x181: {  	v13 =	vor.u32 v0, v6;
	v8 =	vbroadcast v8, $0x0;
	v9 =	vand.u32 $0x75, v17;
	v30 =	vld.idx.msk [tilespmem:v18+s16+$0x0], $0xffff;
	[tilespmem:s28+$0xFFFFFE70] =	vst v43  }
0x182: {  	v11 =	vbroadcast v10, $0x0;
	v10 =	vand.u32 $0x76, v48;
	v14 =	vor.u32 v0, v7;
	v36 =	vld.idx.msk [tilespmem:v36+s16+$0x0], $0xffff;
	[tilespmem:s28+$0xFFFFFEF0] =	vst v44  }
0x183: {  	v17 =	vand.u32 $0x77, v49;
	v15 =	vor.u32 v0, v8;
	v9 =	vbroadcast v9, $0x0;
	v37 =	vld.idx.msk [tilespmem:v37+s16+$0x0], $0xffff;
	[tilespmem:s28+$0xFFFFFF70] =	vst v40  }
0x184: {  	s30 =	sadd.s32 $0xF, s29;
	s29 =	sadd.s32 $0x10, s29;
	v10 =	vbroadcast v10, $0x0;
	v16 =	vor.u32 v0, v11;
	v18 =	vand.u32 $0x78, v50;
	[tilespmem:s28+$0xFFFFF870] =	vst v45;
	v38 =	vld.idx.msk [tilespmem:v38+s16+$0x0], $0xffff  }
0x185: {  	[tilespmem:s28+$0xFFFFF900] =	vst v22  }
0x186: {  	[tilespmem:s28+$0xFFFFF980] =	vst v24  }
0x187: {  	[tilespmem:s28+$0xFFFFFA00] =	vst v27  }
0x188: {  	[tilespmem:s28+$0xFFFFFA80] =	vst v28  }
0x189: {  	[tilespmem:s28+$0xFFFFFB00] =	vst v29  }
0x18a: {  	[tilespmem:s28+$0xFFFFFB80] =	vst v31  }
0x18b: {  	[tilespmem:s28+$0xFFFFFC00] =	vst v32  }
0x18c: {  	[tilespmem:s28+$0xFFFFFC80] =	vst v33  }
0x18d: {  	[tilespmem:s28+$0xFFFFFD00] =	vst v34  }
0x18e: {  	[tilespmem:s28+$0xFFFFFD80] =	vst v35  }
0x18f: {  	v60 =	vld.idx.msk [tilespmem:v12+s16+$0x0], $0xffff;
	v61 =	vor.u32 v0, v9;
	s31 =	sadd.s32 $0x800, s28;
	[tilespmem:s28+$0xFFFFFE00] =	vst v30  }
0x190: {  	v58 =	vmov s30;
	v12 =	vbroadcast v17, $0x0;
	v46 =	vld.idx.msk [tilespmem:v16+s16+$0x0], $0xffff;
	v63 =	vor.u32 v0, v10;
	[tilespmem:s31+$0xFFFFF850] =	vst v5  }
0x191: {  	v62 =	vld.idx.msk [tilespmem:v13+s16+$0x0], $0xffff;
	v13 =	vbroadcast v18, $0x0;
	v40 =	vand.u32 $0x79, v19;
	v34 =	vor.u32 v1, v11;
	[tilespmem:s28+$0xFFFFFE80] =	vst v36  }
0x192: {  	v39 =	vld.idx.msk [tilespmem:v14+s16+$0x0], $0xffff;
	v44 =	vand.u32 $0x7A, v25;
	v14 =	vbroadcast v40, $0x0;
	v42 =	vor.u32 v0, v12;
	[tilespmem:s28+$0xFFFFFF00] =	vst v37  }
0x193: {  	v43 =	vld.idx.msk [tilespmem:v15+s16+$0x0], $0xffff;
	v47 =	vand.u32 $0x7B, v26;
	v15 =	vbroadcast v44, $0x0;
	v45 =	vor.u32 v0, v13;
	[tilespmem:s28+$0xFFFFFF80] =	vst v38  }
0x194: {  	v21 =	vand.u32 $0x7C, v21;
	v16 =	vbroadcast v47, $0x0;
	v49 =	vor.u32 v0, v14;
	[tilespmem:s28+$0xFFFFF880] =	vst v60;
	v48 =	vld.idx.msk [tilespmem:v61+s16+$0x0], $0xffff  }
0x195: {  	v22 =	vand.u32 $0x7F, v58;
	v17 =	vbroadcast v21, $0x0;
	v51 =	vor.u32 v0, v15;
	[tilespmem:s31+$0xFFFFFA50] =	vst v46;
	v50 =	vld.idx.msk [tilespmem:v63+s16+$0x0], $0xffff  }
0x196: {  	v55 =	vand.u32 $0x7E, v20;
	v22 =	vbroadcast v22, $0x0;
	v53 =	vor.u32 v0, v16;
	[tilespmem:s31+$0xFFFFF8D0] =	vst v62;
	v40 =	vld.idx.msk [tilespmem:v34+s16+$0x0], $0xffff  }
0x197: {  	v19 =	vbroadcast v55, $0x0;
	v56 =	vor.u32 v0, v17;
	[tilespmem:s31+$0xFFFFF950] =	vst v39;
	v30 =	vld.idx.msk [tilespmem:v42+s16+$0x0], $0xffff  }
0x198: {  	v59 =	vor.u32 v0, v22;
	[tilespmem:s31+$0xFFFFF9D0] =	vst v43;
	v57 =	vld.idx.msk [tilespmem:v45+s16+$0x0], $0xffff  }
0x199: {  	v60 =	vor.u32 v0, v19;
	v27 =	vld.idx.msk [tilespmem:v49+s16+$0x0], $0xffff;
	[tilespmem:s31+$0xFFFFFAD0] =	vst v48  }
0x19a: {  	v62 =	vor.u32 v1, v7;
	v28 =	vld.idx.msk [tilespmem:v51+s16+$0x0], $0xffff;
	[tilespmem:s31+$0xFFFFFB50] =	vst v50  }
0x19b: {  	v52 =	vand.u32 $0x7D, v23;
	v63 =	vor.u32 v1, v8;
	v23 =	vld.idx.msk [tilespmem:v53+s16+$0x0], $0xffff;
	[tilespmem:s31+$0xFFFFFA60] =	vst v40  }
0x19c: {  	v35 =	vor.u32 v1, v9;
	v20 =	vld.idx.msk [tilespmem:v56+s16+$0x0], $0xffff;
	[tilespmem:s31+$0xFFFFFBD0] =	vst v30  }
0x19d: {  	v36 =	vor.u32 v1, v10;
	v24 =	vld.idx.msk [tilespmem:v59+s16+$0x0], $0xffff;
	[tilespmem:s31+$0xFFFFFC50] =	vst v57  }
0x19e: {  	v39 =	vor.u32 v1, v13;
	v26 =	vld.idx.msk [tilespmem:v60+s16+$0x0], $0xffff;
	[tilespmem:s31+$0xFFFFFCD0] =	vst v27  }
0x19f: {  	v18 =	vbroadcast v52, $0x0;
	v49 =	vor.u32 v1, v4;
	v37 =	vld.idx.msk [tilespmem:v62+s16+$0x0], $0xffff;
	[tilespmem:s31+$0xFFFFFD50] =	vst v28  }
0x1a0: {  	v55 =	vor.u32 v2, v11;
	v21 =	vld.idx.msk [tilespmem:v63+s16+$0x0], $0xffff;
	[tilespmem:s31+$0xFFFFFDD0] =	vst v23  }
0x1a1: {  	v59 =	vor.u32 v0, v18;
	v5 =	vld.idx.msk [tilespmem:v35+s16+$0x0], $0xffff;
	[tilespmem:s31+$0xFFFFFE50] =	vst v20  }
0x1a2: {  	v61 =	vor.u32 v1, v6;
	v20 =	vld.idx.msk [tilespmem:v36+s16+$0x0], $0xffff;
	[tilespmem:s31+$0xFFFFFFD0] =	vst v24  }
0x1a3: {  	v42 =	vor.u32 v1, v15;
	v45 =	vld.idx.msk [tilespmem:v39+s16+$0x0], $0xffff;
	[tilespmem:s31+$0xFFFFFF50] =	vst v26  }
0x1a4: {  	v44 =	vor.u32 v1, v17;
	v56 =	vld.idx.msk [tilespmem:v49+s16+$0x0], $0xffff;
	[tilespmem:s31+$0xFFFFF960] =	vst v37  }
0x1a5: {  	v41 =	vor.u32 v1, v22;
	v27 =	vld.idx.msk [tilespmem:v55+s16+$0x0], $0xffff;
	[tilespmem:s31+$0xFFFFF9E0] =	vst v21  }
0x1a6: {  	v43 =	vor.u32 v1, v16;
	v33 =	vld.idx.msk [tilespmem:v59+s16+$0x0], $0xffff;
	[tilespmem:s31+$0xFFFFFAE0] =	vst v5  }
0x1a7: {  	v53 =	vor.u32 v2, v8;
	v24 =	vld.idx.msk [tilespmem:v61+s16+$0x0], $0xffff;
	[tilespmem:s31+$0xFFFFFB60] =	vst v20  }
0x1a8: {  	v57 =	vor.u32 v2, v9;
	v23 =	vld.idx.msk [tilespmem:v42+s16+$0x0], $0xffff;
	[tilespmem:s31+$0xFFFFFC60] =	vst v45  }
0x1a9: {  	v51 =	vld.idx.msk [tilespmem:v44+s16+$0x0], $0xffff;
	v59 =	vor.u32 v2, v10;
	[tilespmem:s31+$0xFFFFF860] =	vst v56  }
0x1aa: {  	v54 =	vld.idx.msk [tilespmem:v41+s16+$0x0], $0xffff;
	v41 =	vor.u32 v1, v14;
	[tilespmem:s31+$0xFFFFFA70] =	vst v27  }
0x1ab: {  	v46 =	vor.u32 v1, v18;
	v5 =	vld.idx.msk [tilespmem:v43+s16+$0x0], $0xffff;
	[tilespmem:s31+$0xFFFFFED0] =	vst v33  }
0x1ac: {  	v48 =	vor.u32 v1, v19;
	v61 =	vld.idx.msk [tilespmem:v53+s16+$0x0], $0xffff;
	[tilespmem:s31+$0xFFFFF8E0] =	vst v24  }
0x1ad: {  	v37 =	vor.u32 v2, v17;
	v32 =	vld.idx.msk [tilespmem:v57+s16+$0x0], $0xffff;
	[tilespmem:s31+$0xFFFFFD60] =	vst v23  }
0x1ae: {  	v58 =	vor.u32 v2, v22;
	[tilespmem:s31+$0xFFFFFE60] =	vst v51;
	v34 =	vld.idx.msk [tilespmem:v59+s16+$0x0], $0xffff  }
0x1af: {  	v50 =	vor.u32 v2, v6;
	[tilespmem:s31+$0xFFFFFFE0] =	vst v54;
	v47 =	vld.idx.msk [tilespmem:v41+s16+$0x0], $0xffff  }
0x1b0: {  	v52 =	vor.u32 v2, v7;
	v29 =	vld.idx.msk [tilespmem:v46+s16+$0x0], $0xffff;
	[tilespmem:s31+$0xFFFFFDE0] =	vst v5  }
0x1b1: {  	v35 =	vor.u32 v2, v16;
	v54 =	vld.idx.msk [tilespmem:v48+s16+$0x0], $0xffff;
	[tilespmem:s31+$0xFFFFF9F0] =	vst v61  }
0x1b2: {  	v33 =	vor.u32 v2, v15;
	v45 =	vld.idx.msk [tilespmem:v37+s16+$0x0], $0xffff;
	[tilespmem:s31+$0xFFFFFAF0] =	vst v32  }
0x1b3: {  	v41 =	vor.u32 v2, v4;
	v25 =	vld.idx.msk [tilespmem:v58+s16+$0x0], $0xffff;
	[tilespmem:s31+$0xFFFFFB70] =	vst v34  }
0x1b4: {  	v46 =	vor.u32 v3, v8;
	v58 =	vld.idx.msk [tilespmem:v50+s16+$0x0], $0xffff;
	[tilespmem:s31+$0xFFFFFCE0] =	vst v47  }
0x1b5: {  	v51 =	vor.u32 v3, v10;
	v5 =	vld.idx.msk [tilespmem:v52+s16+$0x0], $0xffff;
	[tilespmem:s31+$0xFFFFFEE0] =	vst v29  }
0x1b6: {  	v38 =	vor.u32 v1, v12;
	v43 =	vld.idx.msk [tilespmem:v35+s16+$0x0], $0xffff;
	[tilespmem:s31+$0xFFFFFF60] =	vst v54  }
0x1b7: {  	v62 =	vor.u32 v2, v13;
	v26 =	vld.idx.msk [tilespmem:v33+s16+$0x0], $0xffff;
	[tilespmem:s31+$0xFFFFFE70] =	vst v45  }
0x1b8: {  	v63 =	vor.u32 v2, v14;
	v49 =	vld.idx.msk [tilespmem:v41+s16+$0x0], $0xffff;
	[tilespmem:s31+$0xFFFFFFF0] =	vst v25  }
0x1b9: {  	v40 =	vor.u32 v2, v19;
	v8 =	vld.idx.msk [tilespmem:v46+s16+$0x0], $0xffff;
	[tilespmem:s31+$0xFFFFF8F0] =	vst v58  }
0x1ba: {  	v50 =	vor.u32 v3, v9;
	v10 =	vld.idx.msk [tilespmem:v51+s16+$0x0], $0xffff;
	[tilespmem:s31+$0xFFFFF970] =	vst v5  }
0x1bb: {  	v55 =	vor.u32 v3, v17;
	v25 =	vld.idx.msk [tilespmem:v38+s16+$0x0], $0xffff;
	[tilespmem:s31+$0xFFFFFDF0] =	vst v43  }
0x1bc: {  	v22 =	vor.u32 v3, v22;
	v5 =	vld.idx.msk [tilespmem:v62+s16+$0x0], $0xffff;
	[tilespmem:s31+$0xFFFFFD70] =	vst v26  }
0x1bd: {  	v42 =	vor.u32 v3, v6;
	v39 =	vld.idx.msk [tilespmem:v63+s16+$0x0], $0xffff;
	[tilespmem:s31+$0xFFFFF870] =	vst v49  }
0x1be: {  	v44 =	vor.u32 v3, v7;
	v48 =	vld.idx.msk [tilespmem:v40+s16+$0x0], $0xffff;
	[tilespmem:s31+$0xFFFFFA00] =	vst v8  }
0x1bf: {  	v38 =	vor.u32 v2, v18;
	v9 =	vld.idx.msk [tilespmem:v50+s16+$0x0], $0xffff;
	[tilespmem:s31+$0xFFFFFB80] =	vst v10  }
0x1c0: {  	v4 =	vor.u32 v3, v4;
	v61 =	vld.idx.msk [tilespmem:v55+s16+$0x0], $0xffff;
	[tilespmem:s31+$0xFFFFFBE0] =	vst v25  }
0x1c1: {  	v60 =	vor.u32 v2, v12;
	v22 =	vld.idx.msk [tilespmem:v22+s16+$0x0], $0xffff;
	[tilespmem:s31+$0xFFFFFC70] =	vst v5  }
0x1c2: {  	v13 =	vor.u32 v3, v13;
	v6 =	vld.idx.msk [tilespmem:v42+s16+$0x0], $0xffff;
	[tilespmem:s31+$0xFFFFFCF0] =	vst v39  }
0x1c3: {  	v14 =	vor.u32 v3, v14;
	v7 =	vld.idx.msk [tilespmem:v44+s16+$0x0], $0xffff;
	[tilespmem:s31+$0xFFFFFF70] =	vst v48  }
0x1c4: {  	v47 =	vld.idx.msk [tilespmem:v38+s16+$0x0], $0xffff;
	v5 =	vor.u32 v3, v11;
	[tilespmem:s31+$0xFFFFFB00] =	vst v9  }
0x1c5: {  	v53 =	vor.u32 v3, v16;
	v4 =	vld.idx.msk [tilespmem:v4+s16+$0x0], $0xffff;
	[tilespmem:s31+$0xFFFFFE80] =	vst v61  }
0x1c6: {  	v59 =	vor.u32 v3, v19;
	[tilespmem:s31+$0x0] =	vst v22;
	v36 =	vld.idx.msk [tilespmem:v60+s16+$0x0], $0xffff  }
0x1c7: {  	v57 =	vor.u32 v3, v18;
	[tilespmem:s31+$0xFFFFF900] =	vst v6;
	v56 =	vld.idx.msk [tilespmem:v13+s16+$0x0], $0xffff  }
0x1c8: {  	v12 =	vor.u32 v3, v12;
	[tilespmem:s31+$0xFFFFF980] =	vst v7;
	v58 =	vld.idx.msk [tilespmem:v14+s16+$0x0], $0xffff  }
0x1c9: {  	v52 =	vor.u32 v3, v15;
	[tilespmem:s31+$0xFFFFFEF0] =	vst v47;
	v5 =	vld.idx.msk [tilespmem:v5+s16+$0x0], $0xffff  }
0x1ca: {  	v60 =	vld.idx.msk [tilespmem:v53+s16+$0x0], $0xffff;
	[tilespmem:s31+$0xFFFFF880] =	vst v4  }
0x1cb: {  	v63 =	vld.idx.msk [tilespmem:v59+s16+$0x0], $0xffff;
	[tilespmem:s31+$0xFFFFFBF0] =	vst v36  }
0x1cc: {  	v62 =	vld.idx.msk [tilespmem:v57+s16+$0x0], $0xffff;
	[tilespmem:s31+$0xFFFFFC80] =	vst v56  }
0x1cd: {  	[tilespmem:s31+$0xFFFFFD00] =	vst v58;
	v54 =	vld.idx.msk [tilespmem:v12+s16+$0x0], $0xffff  }
0x1ce: {  	[tilespmem:s31+$0xFFFFFA80] =	vst v5;
	v5 =	vld.idx.msk [tilespmem:v52+s16+$0x0], $0xffff  }
0x1cf: {  	p1 =	seq.s32 s24, $0x79;
	[tilespmem:s31+$0xFFFFFE00] =	vst v60  }
.Ltmp2:
0x1d0: {  	[tilespmem:s31+$0xFFFFFF80] =	vst v63;
	(pc) =	sbr.rel @p1 .LBB2_8-.Ltmp2, $4  }
0x1d1: {  	[tilespmem:s31+$0xFFFFFF00] =	vst v62  }
0x1d2: {  	s26 =	sadd.s32 s26, s6;
	[tilespmem:s31+$0xFFFFFC00] =	vst v54  }
0x1d3: {  	s26 =	sadd.s32 $0x10000, s26;
	[tilespmem:s31+$0xFFFFFD80] =	vst v5  }
0x1d4: {  	[hbm4b:s26+s3] =	stream.linear.scatter [tilespmem:s20], [sflag:$0x4], $0x4000, $0x38;
	[tilespmem:$0xC000] =	vst v63  }
0x1d5: {  	s25 =	sadd.s32 s11, s25  }
0x1d6: {  	s26 =	sshrl.u32 s25, $0x2  }
0x1d7: {  	s26 =	smulhi.u32 $0x218E7C01, s26;
	_ =	sdelay $0x1  }
0x1d8: {  	s26 =	sshrl.u32 s26, $0x8  }
0x1d9: {  	s26 =	smul.u32 $0x1E84, s26  }
.Ltmp3:
0x1da: {  	_ = 	snop;
	(pc) =	sbr.rel .LBB2_2-.Ltmp3, $4  }
0x1db: {  	s25 =	ssub.s32 s25, s26  }
0x1dc: {  	s25 =	sshll.u32 s25, $0x7  }
0x1dd: {  	s24 =	sadd.s32 $0x1, s24;
	s25 =	sadd.s32 s1, s25  }
0x1de: {  	[tilespmem:s16], [sflag:$0x2] =	stream.strided.gather [hbm4b:s25+s14], $0x2000, s15, s14, $0x38;
	[tilespmem:$0xC000] =	vst v63  }
.LBB2_8:
0x1df: {  	s24 =	simm.s32 $0x0;
	s31 =	simm.s32 $0x1;
	s25 =	simm.s32 $0x2  }
0x1e0: {  	s28 =	simm.s32 $0x4;
	s26 =	simm.s32 $0x5;
	s29 =	simm.s32 $0x6;
	v4 =	vmov s24;
	v5 =	vmov s31;
	v6 =	vmov s25  }
0x1e1: {  	s30 =	simm.s32 $0x7;
	s25 =	simm.s32 $0x3;
	v9 =	vmov s28;
	v10 =	vmov s26;
	v11 =	vmov s29  }
0x1e2: {  	s31 =	simm.s32 $0x8;
	v12 =	vmov s30;
	s26 =	simm.s32 $0x9;
	s28 =	simm.s32 $0xA;
	v4 =	vand.u32 $0x70, v4;
	v7 =	vmov s25  }
0x1e3: {  	s29 =	simm.s32 $0xB;
	v13 =	vmov s31;
	v21 =	vmov s26;
	v22 =	vmov s28  }
0x1e4: {  	s30 =	simm.s32 $0xC;
	v23 =	vmov s29;
	v5 =	vand.u32 $0x71, v5;
	v8 =	vbroadcast v4, $0x0  }
0x1e5: {  	_ =	swait.ge [sflag:s17], $0x2000;
	v24 =	vmov s30;
	v6 =	vand.u32 $0x72, v6;
	v17 =	vbroadcast v5, $0x0  }
0x1e6: {  	[sflag:s17] =	ssyncset.done $0x0;
	v5 =	vand.u32 $0x73, v7;
	v18 =	vbroadcast v6, $0x0;
	v4 =	vor.u32 v0, v8  }
0x1e7: {  	[sflag:s17] =	ssyncadd.s32 $0xFFFFE000;
	v6 =	vand.u32 $0x74, v9;
	v19 =	vbroadcast v5, $0x0;
	v7 =	vor.u32 v0, v17  }
0x1e8: {  	_ =	swait.ge [sflag:s21], $0x4000;
	v5 =	vand.u32 $0x75, v10;
	v20 =	vbroadcast v6, $0x0;
	v9 =	vor.u32 v0, v18  }
0x1e9: {  	v6 =	vand.u32 $0x76, v11;
	[sflag:s21] =	ssyncset.done $0x0;
	v16 =	vbroadcast v5, $0x0;
	v10 =	vor.u32 v0, v19  }
0x1ea: {  	v5 =	vand.u32 $0x77, v12;
	[sflag:s21] =	ssyncadd.s32 $0xFFFFC000;
	v15 =	vbroadcast v6, $0x0;
	v11 =	vor.u32 v0, v20  }
0x1eb: {  	s31 =	simm.s32 $0xD;
	v6 =	vand.u32 $0x78, v13;
	v14 =	vbroadcast v5, $0x0;
	v27 =	vld.idx.msk [tilespmem:v4+s3+$0x0], $0xffff;
	v4 =	vor.u32 v0, v16  }
0x1ec: {  	v25 =	vmov s31;
	v12 =	vbroadcast v6, $0x0;
	v28 =	vld.idx.msk [tilespmem:v7+s3+$0x0], $0xffff;
	v7 =	vor.u32 v0, v15  }
0x1ed: {  	s28 =	simm.s32 $0xF;
	v37 =	vor.u32 v1, v17;
	v38 =	vor.u32 v1, v18;
	v6 =	vor.u32 v0, v14;
	v29 =	vld.idx.msk [tilespmem:v9+s3+$0x0], $0xffff  }
0x1ee: {  	v5 =	vmov s28;
	v30 =	vor.u32 v0, v12;
	v9 =	vand.u32 $0x79, v21;
	v21 =	vld.idx.msk [tilespmem:v10+s3+$0x0], $0xffff  }
0x1ef: {  	v5 =	vand.u32 $0x7F, v5;
	v13 =	vbroadcast v9, $0x0;
	v9 =	vand.u32 $0x7A, v22;
	v22 =	vld.idx.msk [tilespmem:v11+s3+$0x0], $0xffff  }
0x1f0: {  	v5 =	vbroadcast v5, $0x0;
	v11 =	vbroadcast v9, $0x0;
	v9 =	vand.u32 $0x7B, v23;
	v4 =	vld.idx.msk [tilespmem:v4+s3+$0x0], $0xffff  }
0x1f1: {  	s26 =	simm.s32 $0xE;
	v50 =	vor.u32 v1, v8;
	v10 =	vbroadcast v9, $0x0;
	v9 =	vand.u32 $0x7C, v24;
	v24 =	vld.idx.msk [tilespmem:v7+s3+$0x0], $0xffff  }
0x1f2: {  	s24 =	simm.s32 $0x4400;
	v26 =	vmov s26;
	v23 =	vor.u32 v0, v5;
	v7 =	vand.u32 $0x7D, v25;
	v25 =	vld.idx.msk [tilespmem:v6+s3+$0x0], $0xffff  }
0x1f3: {  	v39 =	vor.u32 v1, v19;
	[tilespmem:s24+$0xFFFFFC80] =	vst v28;
	v6 =	vbroadcast v7, $0x0;
	v7 =	vand.u32 $0x7E, v26;
	v26 =	vld.idx.msk [tilespmem:v30+s3+$0x0], $0xffff  }
0x1f4: {  	v40 =	vor.u32 v1, v20;
	[tilespmem:s24+$0xFFFFFD00] =	vst v29;
	v44 =	vld.idx.msk [tilespmem:v37+s3+$0x0], $0xffff  }
0x1f5: {  	v31 =	vor.u32 v0, v13;
	[tilespmem:s24+$0xFFFFFC00] =	vst v27;
	v45 =	vld.idx.msk [tilespmem:v38+s3+$0x0], $0xffff  }
0x1f6: {  	v32 =	vor.u32 v0, v11;
	v9 =	vbroadcast v9, $0x0;
	v53 =	vld.idx.msk [tilespmem:v50+s3+$0x0], $0xffff  }
0x1f7: {  	v33 =	vor.u32 v0, v10;
	[tilespmem:s24+$0xFFFFFD80] =	vst v21;
	v23 =	vld.idx.msk [tilespmem:v23+s3+$0x0], $0xffff  }
0x1f8: {  	v30 =	vor.u32 v0, v9;
	[tilespmem:s24+$0xFFFFFE00] =	vst v22;
	v46 =	vld.idx.msk [tilespmem:v39+s3+$0x0], $0xffff  }
0x1f9: {  	v29 =	vor.u32 v1, v15;
	v47 =	vld.idx.msk [tilespmem:v40+s3+$0x0], $0xffff  }
0x1fa: {  	v22 =	vor.u32 v1, v14;
	v31 =	vld.idx.msk [tilespmem:v31+s3+$0x0], $0xffff  }
0x1fb: {  	v61 =	vor.u32 v2, v8;
	v32 =	vld.idx.msk [tilespmem:v32+s3+$0x0], $0xffff  }
0x1fc: {  	v34 =	vor.u32 v0, v6;
	v33 =	vld.idx.msk [tilespmem:v33+s3+$0x0], $0xffff  }
0x1fd: {  	v36 =	vor.u32 v1, v5;
	v7 =	vbroadcast v7, $0x0;
	[tilespmem:s24+$0xFFFFFF00] =	vst v24;
	v30 =	vld.idx.msk [tilespmem:v30+s3+$0x0], $0xffff  }
0x1fe: {  	v54 =	vor.u32 v2, v20;
	[tilespmem:s24+$0xFFFFFF80] =	vst v25;
	v29 =	vld.idx.msk [tilespmem:v29+s3+$0x0], $0xffff  }
0x1ff: {  	v35 =	vor.u32 v0, v7;
	v22 =	vld.idx.msk [tilespmem:v22+s3+$0x0], $0xffff;
	[tilespmem:s24+$0xFFFFFC10] =	vst v53  }
0x200: {  	v24 =	vor.u32 v1, v13;
	[tilespmem:s24+$0xFFFFFD90] =	vst v46;
	v46 =	vld.idx.msk [tilespmem:v61+s3+$0x0], $0xffff  }
0x201: {  	v48 =	vor.u32 v1, v11;
	[tilespmem:s24+$0x380] =	vst v23;
	v34 =	vld.idx.msk [tilespmem:v34+s3+$0x0], $0xffff  }
0x202: {  	v25 =	vor.u32 v1, v10;
	[tilespmem:s24+$0xFFFFFE10] =	vst v47;
	v28 =	vld.idx.msk [tilespmem:v36+s3+$0x0], $0xffff  }
0x203: {  	[tilespmem:s24+$0x0] =	vst v26;
	v23 =	vor.u32 v1, v16;
	v36 =	vld.idx.msk [tilespmem:v54+s3+$0x0], $0xffff  }
0x204: {  	v26 =	vor.u32 v1, v9;
	[tilespmem:s24+$0x80] =	vst v31;
	v35 =	vld.idx.msk [tilespmem:v35+s3+$0x0], $0xffff  }
0x205: {  	v56 =	vor.u32 v2, v15;
	[tilespmem:s24+$0x100] =	vst v32;
	v24 =	vld.idx.msk [tilespmem:v24+s3+$0x0], $0xffff  }
0x206: {  	v57 =	vor.u32 v2, v14;
	v32 =	vld.idx.msk [tilespmem:v48+s3+$0x0], $0xffff;
	[tilespmem:s24+$0x180] =	vst v33  }
0x207: {  	[tilespmem:s24+$0xFFFFFE80] =	vst v4;
	v4 =	vor.u32 v1, v12;
	v25 =	vld.idx.msk [tilespmem:v25+s3+$0x0], $0xffff  }
0x208: {  	v51 =	vor.u32 v2, v19;
	[tilespmem:s24+$0x200] =	vst v30;
	v23 =	vld.idx.msk [tilespmem:v23+s3+$0x0], $0xffff  }
0x209: {  	v21 =	vor.u32 v2, v5;
	[tilespmem:s24+$0xFFFFFF10] =	vst v29;
	v26 =	vld.idx.msk [tilespmem:v26+s3+$0x0], $0xffff  }
0x20a: {  	v31 =	vor.u32 v1, v6;
	[tilespmem:s24+$0xFFFFFF90] =	vst v22;
	v38 =	vld.idx.msk [tilespmem:v56+s3+$0x0], $0xffff  }
0x20b: {  	v49 =	vor.u32 v1, v7;
	[tilespmem:s24+$0xFFFFFC90] =	vst v44;
	v59 =	vld.idx.msk [tilespmem:v57+s3+$0x0], $0xffff  }
0x20c: {  	v30 =	vor.u32 v2, v17;
	[tilespmem:s24+$0x390] =	vst v28;
	v28 =	vld.idx.msk [tilespmem:v4+s3+$0x0], $0xffff  }
0x20d: {  	v29 =	vor.u32 v2, v11;
	[tilespmem:s24+$0x280] =	vst v34;
	v34 =	vld.idx.msk [tilespmem:v51+s3+$0x0], $0xffff  }
0x20e: {  	v22 =	vor.u32 v2, v10;
	v21 =	vld.idx.msk [tilespmem:v21+s3+$0x0], $0xffff;
	[tilespmem:s24+$0x300] =	vst v35  }
0x20f: {  	v55 =	vor.u32 v2, v16;
	v31 =	vld.idx.msk [tilespmem:v31+s3+$0x0], $0xffff;
	[tilespmem:s24+$0x90] =	vst v24  }
0x210: {  	v14 =	vor.u32 v3, v14;
	v27 =	vld.idx.msk [tilespmem:v49+s3+$0x0], $0xffff;
	[tilespmem:s24+$0x110] =	vst v32  }
0x211: {  	v58 =	vor.u32 v2, v12;
	v30 =	vld.idx.msk [tilespmem:v30+s3+$0x0], $0xffff;
	[tilespmem:s24+$0x190] =	vst v25  }
0x212: {  	v15 =	vor.u32 v3, v15;
	v41 =	vld.idx.msk [tilespmem:v29+s3+$0x0], $0xffff;
	[tilespmem:s24+$0xFFFFFE90] =	vst v23  }
0x213: {  	v5 =	vor.u32 v3, v5;
	v42 =	vld.idx.msk [tilespmem:v22+s3+$0x0], $0xffff;
	[tilespmem:s24+$0xFFFFFF20] =	vst v38  }
0x214: {  	v24 =	vor.u32 v2, v6;
	[tilespmem:s24+$0xFFFFFFA0] =	vst v59;
	v37 =	vld.idx.msk [tilespmem:v55+s3+$0x0], $0xffff  }
0x215: {  	v19 =	vor.u32 v3, v19;
	[tilespmem:s24+$0x10] =	vst v28;
	v32 =	vld.idx.msk [tilespmem:v14+s3+$0x0], $0xffff  }
0x216: {  	v23 =	vor.u32 v2, v13;
	[tilespmem:s24+$0x3A0] =	vst v21;
	v35 =	vld.idx.msk [tilespmem:v58+s3+$0x0], $0xffff  }
0x217: {  	v17 =	vor.u32 v3, v17;
	[tilespmem:s24+$0x290] =	vst v31;
	v31 =	vld.idx.msk [tilespmem:v15+s3+$0x0], $0xffff  }
0x218: {  	v28 =	vor.u32 v2, v9;
	v5 =	vld.idx.msk [tilespmem:v5+s3+$0x0], $0xffff  }
0x219: {  	s29 =	simm.s32 $0x10;
	v20 =	vor.u32 v3, v20;
	[tilespmem:s24+$0xFFFFFDA0] =	vst v34;
	v44 =	vld.idx.msk [tilespmem:v24+s3+$0x0], $0xffff  }
0x21a: {  	v10 =	vor.u32 v3, v10;
	v4 =	vmov s29;
	[tilespmem:s24+$0x310] =	vst v27;
	v27 =	vld.idx.msk [tilespmem:v19+s3+$0x0], $0xffff  }
0x21b: {  	v4 =	vand.u32 $0x70, v4;
	v21 =	vor.u32 v2, v18;
	[tilespmem:s24+$0xFFFFFCA0] =	vst v30;
	v60 =	vld.idx.msk [tilespmem:v23+s3+$0x0], $0xffff  }
0x21c: {  	s31 =	simm.s32 $0x12;
	v16 =	vor.u32 v3, v16;
	v4 =	vbroadcast v4, $0x0;
	[tilespmem:s24+$0x210] =	vst v26;
	v22 =	vld.idx.msk [tilespmem:v17+s3+$0x0], $0xffff  }
0x21d: {  	s30 =	simm.s32 $0x11;
	v62 =	vmov s31;
	s31 =	simm.s32 $0x16;
	v63 =	vor.u32 v3, v7;
	v11 =	vor.u32 v3, v11;
	[tilespmem:s24+$0xFFFFFE20] =	vst v36;
	v43 =	vld.idx.msk [tilespmem:v28+s3+$0x0], $0xffff  }
0x21e: {  	v48 =	vmov s31;
	s29 =	simm.s32 $0x14;
	v52 =	vor.u32 v0, v4;
	v30 =	vmov s30;
	[tilespmem:s24+$0x1A0] =	vst v42;
	v28 =	vld.idx.msk [tilespmem:v20+s3+$0x0], $0xffff  }
0x21f: {  	[tilespmem:s24+$0xFFFFFD10] =	vst v45;
	s31 =	simm.s32 $0x1A;
	v47 =	vmov s29;
	s29 =	simm.s32 $0x18;
	v23 =	vor.u32 v2, v7;
	v14 =	vand.u32 $0x71, v30;
	v30 =	vld.idx.msk [tilespmem:v10+s3+$0x0], $0xffff  }
0x220: {  	v12 =	vor.u32 v3, v12;
	v50 =	vmov s29;
	v25 =	vmov s31;
	[tilespmem:s24+$0xFFFFFEA0] =	vst v37;
	v21 =	vld.idx.msk [tilespmem:v21+s3+$0x0], $0xffff  }
0x221: {  	s28 =	simm.s32 $0x13;
	v13 =	vor.u32 v3, v13;
	v9 =	vor.u32 v3, v9;
	v15 =	vand.u32 $0x72, v62;
	[tilespmem:s24+$0x120] =	vst v41;
	v29 =	vld.idx.msk [tilespmem:v16+s3+$0x0], $0xffff  }
0x222: {  	s31 =	simm.s32 $0x1E;
	v18 =	vor.u32 v3, v18;
	v17 =	vmov s28;
	s28 =	simm.s32 $0x17;
	v7 =	vbroadcast v15, $0x0;
	[tilespmem:s24+$0x20] =	vst v35;
	v35 =	vld.idx.msk [tilespmem:v11+s3+$0x0], $0xffff  }
0x223: {  	v15 =	vand.u32 $0x74, v47;
	v49 =	vmov s28;
	s28 =	simm.s32 $0x1B;
	v20 =	vmov s31;
	[tilespmem:s24+$0x3B0] =	vst v5;
	v5 =	vld.idx.msk [tilespmem:v52+s3+$0x0], $0xffff  }
0x224: {  	v10 =	vand.u32 $0x76, v48;
	v26 =	vmov s28;
	v16 =	vor.u32 v3, v6;
	v45 =	vld.idx.msk [tilespmem:v23+s3+$0x0], $0xffff  }
0x225: {  	v6 =	vbroadcast v14, $0x0;
	v14 =	vand.u32 $0x73, v17;
	v11 =	vbroadcast v15, $0x0;
	v33 =	vld.idx.msk [tilespmem:v12+s3+$0x0], $0xffff;
	[tilespmem:s24+$0xA0] =	vst v60  }
0x226: {  	s30 =	simm.s32 $0x15;
	v10 =	vbroadcast v10, $0x0;
	v12 =	vor.u32 v3, v8;
	v8 =	vbroadcast v14, $0x0;
	v34 =	vld.idx.msk [tilespmem:v13+s3+$0x0], $0xffff;
	[tilespmem:s24+$0xFFFFFD20] =	vst v21  }
0x227: {  	s29 =	simm.s32 $0x1C;
	v14 =	vor.u32 v0, v7;
	v13 =	vor.u32 v0, v6;
	[tilespmem:s24+$0x220] =	vst v43;
	v24 =	vld.idx.msk [tilespmem:v18+s3+$0x0], $0xffff;
	v18 =	vmov s30  }
0x228: {  	[tilespmem:s24+$0x2A0] =	vst v44;
	v15 =	vor.u32 v0, v8;
	v21 =	vmov s29;
	v36 =	vld.idx.msk [tilespmem:v9+s3+$0x0], $0xffff;
	s30 =	simm.s32 $0x19;
	v17 =	vand.u32 $0x75, v18  }
0x229: {  	v37 =	vld.idx.msk [tilespmem:v16+s3+$0x0], $0xffff;
	v16 =	vor.u32 v0, v11;
	v19 =	vmov s30;
	s30 =	simm.s32 $0x1D;
	v9 =	vbroadcast v17, $0x0;
	[tilespmem:s24+$0x320] =	vst v45  }
0x22a: {  	s25 =	simm.s32 $0x20;
	s26 =	simm.s32 $0x1F;
	[tilespmem:s24+$0xFFFFFC20] =	vst v46;
	v18 =	vand.u32 $0x78, v50;
	v23 =	vmov s30;
	v17 =	vand.u32 $0x77, v49;
	v38 =	vld.idx.msk [tilespmem:v63+s3+$0x0], $0xffff  }
.LBB2_9:
0x22b: {  	p1 =	slt.u32 s25, $0x70;
	v39 =	vor.u32 v0, v9;
	v17 =	vbroadcast v17, $0x0;
	v40 =	vmov s26;
	v41 =	vld.idx.msk [tilespmem:v12+s3+$0x0], $0xffff;
	[tilespmem:s24+$0xFFFFFCB0] =	vst v22  }
0x22c: {  	v12 =	vbroadcast v18, $0x0;
	v22 =	vld.idx.msk [tilespmem:v13+s3+$0x0], $0xffff;
	v42 =	vor.u32 v0, v10;
	v13 =	vand.u32 $0x7F, v40;
	[tilespmem:s24+$0xFFFFFD30] =	vst v24  }
0x22d: {  	v24 =	vld.idx.msk [tilespmem:v14+s3+$0x0], $0xffff;
	v40 =	vor.u32 v0, v17;
	v14 =	vand.u32 $0x79, v19;
	v43 =	vbroadcast v13, $0x0;
	[tilespmem:s24+$0xFFFFFDB0] =	vst v27  }
0x22e: {  	v44 =	vor.u32 v0, v12;
	v13 =	vand.u32 $0x7A, v25;
	v27 =	vld.idx.msk [tilespmem:v15+s3+$0x0], $0xffff;
	v19 =	vbroadcast v14, $0x0;
	[tilespmem:s24+$0xFFFFFE30] =	vst v28  }
0x22f: {  	v18 =	vbroadcast v13, $0x0;
	v13 =	vand.u32 $0x7B, v26;
	v25 =	vld.idx.msk [tilespmem:v16+s3+$0x0], $0xffff;
	v26 =	vor.u32 v0, v43;
	[tilespmem:s24+$0xFFFFFEB0] =	vst v29  }
0x230: {  	v14 =	vand.u32 $0x7C, v21;
	v13 =	vbroadcast v13, $0x0;
	v28 =	vld.idx.msk [tilespmem:v39+s3+$0x0], $0xffff;
	v29 =	vor.u32 v0, v19;
	[tilespmem:s24+$0xFFFFFF30] =	vst v31  }
0x231: {  	v15 =	vand.u32 $0x7D, v23;
	v14 =	vbroadcast v14, $0x0;
	v31 =	vor.u32 v0, v18;
	v21 =	vld.idx.msk [tilespmem:v42+s3+$0x0], $0xffff;
	[tilespmem:s24+$0xFFFFFFB0] =	vst v32  }
0x232: {  	v15 =	vbroadcast v15, $0x0;
	v16 =	vand.u32 $0x7E, v20;
	v32 =	vor.u32 v0, v13;
	v23 =	vld.idx.msk [tilespmem:v40+s3+$0x0], $0xffff;
	[tilespmem:s24+$0x30] =	vst v33  }
0x233: {  	v16 =	vbroadcast v16, $0x0;
	v33 =	vor.u32 v0, v14;
	v20 =	vld.idx.msk [tilespmem:v44+s3+$0x0], $0xffff;
	[tilespmem:s24+$0xB0] =	vst v34  }
0x234: {  	v34 =	vor.u32 v0, v15;
	v26 =	vld.idx.msk [tilespmem:v26+s3+$0x0], $0xffff;
	[tilespmem:s24+$0x130] =	vst v35  }
0x235: {  	v35 =	vor.u32 v0, v16;
	v29 =	vld.idx.msk [tilespmem:v29+s3+$0x0], $0xffff;
	[tilespmem:s24+$0x1B0] =	vst v30  }
0x236: {  	v30 =	vld.idx.msk [tilespmem:v31+s3+$0x0], $0xffff;
	v31 =	vor.u32 v1, v43;
	[tilespmem:s24+$0x230] =	vst v36  }
0x237: {  	v36 =	vor.u32 v1, v6;
	v32 =	vld.idx.msk [tilespmem:v32+s3+$0x0], $0xffff;
	[tilespmem:s24+$0x2B0] =	vst v37  }
0x238: {  	v37 =	vor.u32 v1, v7;
	v33 =	vld.idx.msk [tilespmem:v33+s3+$0x0], $0xffff;
	[tilespmem:s24+$0x330] =	vst v38  }
0x239: {  	v38 =	vor.u32 v1, v8;
	v34 =	vld.idx.msk [tilespmem:v34+s3+$0x0], $0xffff;
	[tilespmem:s24+$0xFFFFFC30] =	vst v41;
	s24 =	sadd.s32 $0x800, s24  }
0x23a: {  	v39 =	vor.u32 v1, v11;
	v35 =	vld.idx.msk [tilespmem:v35+s3+$0x0], $0xffff;
	[tilespmem:s24+$0x380] =	vst v26  }
0x23b: {  	[tilespmem:s24+$0xFFFFFC80] =	vst v22;
	v22 =	vor.u32 v1, v9;
	v26 =	vld.idx.msk [tilespmem:v31+s3+$0x0], $0xffff  }
0x23c: {  	v31 =	vld.idx.msk [tilespmem:v36+s3+$0x0], $0xffff;
	[tilespmem:s24+$0xFFFFFD00] =	vst v24;
	v24 =	vor.u32 v1, v10  }
0x23d: {  	v36 =	vld.idx.msk [tilespmem:v37+s3+$0x0], $0xffff;
	[tilespmem:s24+$0xFFFFFD80] =	vst v27;
	v27 =	vor.u32 v2, v43  }
0x23e: {  	v37 =	vld.idx.msk [tilespmem:v38+s3+$0x0], $0xffff;
	[tilespmem:s24+$0xFFFFFE00] =	vst v25;
	v25 =	vor.u32 v1, v17  }
0x23f: {  	v38 =	vld.idx.msk [tilespmem:v39+s3+$0x0], $0xffff;
	[tilespmem:s24+$0xFFFFFE80] =	vst v28;
	v28 =	vor.u32 v1, v12  }
0x240: {  	v22 =	vld.idx.msk [tilespmem:v22+s3+$0x0], $0xffff;
	[tilespmem:s24+$0xFFFFFF00] =	vst v21;
	v21 =	vor.u32 v1, v19  }
0x241: {  	v39 =	vor.u32 v1, v18;
	v24 =	vld.idx.msk [tilespmem:v24+s3+$0x0], $0xffff;
	[tilespmem:s24+$0x390] =	vst v26  }
0x242: {  	[tilespmem:s24+$0xFFFFFF80] =	vst v23;
	v23 =	vor.u32 v1, v13;
	v26 =	vld.idx.msk [tilespmem:v27+s3+$0x0], $0xffff  }
0x243: {  	v25 =	vld.idx.msk [tilespmem:v25+s3+$0x0], $0xffff;
	[tilespmem:s24+$0x0] =	vst v20;
	v20 =	vor.u32 v1, v14  }
0x244: {  	v27 =	vld.idx.msk [tilespmem:v28+s3+$0x0], $0xffff;
	[tilespmem:s24+$0x80] =	vst v29;
	v28 =	vor.u32 v3, v43  }
0x245: {  	v29 =	vor.u32 v1, v15;
	v21 =	vld.idx.msk [tilespmem:v21+s3+$0x0], $0xffff;
	[tilespmem:s24+$0x100] =	vst v30  }
0x246: {  	v39 =	vld.idx.msk [tilespmem:v39+s3+$0x0], $0xffff;
	[tilespmem:s24+$0x180] =	vst v32;
	v32 =	vor.u32 v1, v16  }
0x247: {  	v40 =	vor.u32 v1, v4;
	v30 =	vmov s25;
	v23 =	vld.idx.msk [tilespmem:v23+s3+$0x0], $0xffff;
	[tilespmem:s24+$0x200] =	vst v33  }
0x248: {  	v30 =	vand.u32 $0x70, v30;
	v33 =	vor.u32 v2, v6;
	v20 =	vld.idx.msk [tilespmem:v20+s3+$0x0], $0xffff;
	[tilespmem:s24+$0x3A0] =	vst v26  }
0x249: {  	v30 =	vbroadcast v30, $0x0;
	v26 =	vor.u32 v2, v7;
	[tilespmem:s24+$0x280] =	vst v34;
	v28 =	vld.idx.msk [tilespmem:v28+s3+$0x0], $0xffff  }
0x24a: {  	v34 =	vor.u32 v2, v8;
	v29 =	vld.idx.msk [tilespmem:v29+s3+$0x0], $0xffff;
	[tilespmem:s24+$0x300] =	vst v35  }
0x24b: {  	v35 =	vor.u32 v0, v30;
	[tilespmem:s24+$0xFFFFFC00] =	vst v5;
	v32 =	vld.idx.msk [tilespmem:v32+s3+$0x0], $0xffff  }
0x24c: {  	v40 =	vld.idx.msk [tilespmem:v40+s3+$0x0], $0xffff;
	[tilespmem:s24+$0xFFFFFC90] =	vst v31;
	v31 =	vor.u32 v2, v11  }
0x24d: {  	v33 =	vld.idx.msk [tilespmem:v33+s3+$0x0], $0xffff;
	[tilespmem:s24+$0xFFFFFD10] =	vst v36;
	v36 =	vor.u32 v2, v9  }
0x24e: {  	v26 =	vld.idx.msk [tilespmem:v26+s3+$0x0], $0xffff;
	[tilespmem:s24+$0xFFFFFD90] =	vst v37;
	v37 =	vor.u32 v2, v10  }
0x24f: {  	v41 =	vor.u32 v2, v17;
	v34 =	vld.idx.msk [tilespmem:v34+s3+$0x0], $0xffff;
	[tilespmem:s24+$0x3B0] =	vst v28  }
0x250: {  	v28 =	vor.u32 v2, v12;
	v5 =	vld.idx.msk [tilespmem:v35+s3+$0x0], $0xffff;
	[tilespmem:s24+$0xFFFFFE10] =	vst v38  }
0x251: {  	v31 =	vld.idx.msk [tilespmem:v31+s3+$0x0], $0xffff;
	[tilespmem:s24+$0xFFFFFE90] =	vst v22;
	v22 =	vor.u32 v2, v19  }
0x252: {  	v35 =	vld.idx.msk [tilespmem:v36+s3+$0x0], $0xffff;
	[tilespmem:s24+$0xFFFFFF10] =	vst v24;
	v24 =	vor.u32 v2, v18  }
0x253: {  	v36 =	vld.idx.msk [tilespmem:v37+s3+$0x0], $0xffff;
	[tilespmem:s24+$0xFFFFFF90] =	vst v25;
	v25 =	vor.u32 v2, v13  }
0x254: {  	v37 =	vld.idx.msk [tilespmem:v41+s3+$0x0], $0xffff;
	[tilespmem:s24+$0x10] =	vst v27;
	v27 =	vor.u32 v2, v14  }
0x255: {  	v38 =	vld.idx.msk [tilespmem:v28+s3+$0x0], $0xffff;
	[tilespmem:s24+$0x90] =	vst v21;
	v21 =	vor.u32 v2, v15  }
0x256: {  	v41 =	vld.idx.msk [tilespmem:v22+s3+$0x0], $0xffff;
	[tilespmem:s24+$0x110] =	vst v39;
	v22 =	vor.u32 v2, v16  }
0x257: {  	v28 =	vor.u32 v2, v4;
	v39 =	vld.idx.msk [tilespmem:v24+s3+$0x0], $0xffff;
	[tilespmem:s24+$0x190] =	vst v23  }
0x258: {  	v6 =	vor.u32 v3, v6;
	v42 =	vld.idx.msk [tilespmem:v25+s3+$0x0], $0xffff;
	[tilespmem:s24+$0x210] =	vst v20  }
0x259: {  	v7 =	vor.u32 v3, v7;
	v43 =	vld.idx.msk [tilespmem:v27+s3+$0x0], $0xffff;
	[tilespmem:s24+$0x290] =	vst v29  }
0x25a: {  	v8 =	vor.u32 v3, v8;
	v44 =	vld.idx.msk [tilespmem:v21+s3+$0x0], $0xffff;
	[tilespmem:s24+$0x310] =	vst v32  }
0x25b: {  	v11 =	vor.u32 v3, v11;
	[tilespmem:s24+$0xFFFFFC10] =	vst v40;
	v40 =	vld.idx.msk [tilespmem:v22+s3+$0x0], $0xffff  }
0x25c: {  	s26 =	sadd.s32 $0x1, s25;
	s28 =	sadd.s32 $0x2, s25;
	v9 =	vor.u32 v3, v9;
	v45 =	vld.idx.msk [tilespmem:v28+s3+$0x0], $0xffff;
	[tilespmem:s24+$0xFFFFFCA0] =	vst v33  }
0x25d: {  	v46 =	vmov s28;
	s28 =	sadd.s32 $0x4, s25;
	v33 =	vmov s26;
	s26 =	sadd.s32 $0x3, s25;
	v22 =	vld.idx.msk [tilespmem:v6+s3+$0x0], $0xffff;
	[tilespmem:s24+$0xFFFFFD20] =	vst v26;
	v6 =	vor.u32 v3, v10  }
0x25e: {  	v47 =	vmov s28;
	s28 =	sadd.s32 $0x6, s25;
	v10 =	vmov s26;
	s26 =	sadd.s32 $0x5, s25;
	v24 =	vld.idx.msk [tilespmem:v7+s3+$0x0], $0xffff;
	[tilespmem:s24+$0xFFFFFDA0] =	vst v34;
	v7 =	vor.u32 v3, v17  }
0x25f: {  	v48 =	vmov s28;
	s28 =	sadd.s32 $0x8, s25;
	v17 =	vmov s26;
	s26 =	sadd.s32 $0x7, s25;
	v27 =	vld.idx.msk [tilespmem:v8+s3+$0x0], $0xffff;
	[tilespmem:s24+$0xFFFFFE20] =	vst v31;
	v8 =	vor.u32 v3, v12  }
0x260: {  	v50 =	vmov s28;
	s28 =	sadd.s32 $0xA, s25;
	v49 =	vmov s26;
	s26 =	sadd.s32 $0x9, s25;
	v28 =	vld.idx.msk [tilespmem:v11+s3+$0x0], $0xffff;
	[tilespmem:s24+$0xFFFFFEA0] =	vst v35;
	v11 =	vor.u32 v3, v19  }
0x261: {  	v25 =	vmov s28;
	s28 =	sadd.s32 $0xC, s25;
	v19 =	vmov s26;
	s26 =	sadd.s32 $0xB, s25;
	v29 =	vld.idx.msk [tilespmem:v9+s3+$0x0], $0xffff;
	[tilespmem:s24+$0xFFFFFF20] =	vst v36;
	v9 =	vor.u32 v3, v18  }
0x262: {  	v21 =	vmov s28;
	s28 =	sadd.s32 $0xE, s25;
	v26 =	vmov s26;
	s26 =	sadd.s32 $0xD, s25;
	v18 =	vor.u32 v3, v13;
	v31 =	vld.idx.msk [tilespmem:v6+s3+$0x0], $0xffff;
	[tilespmem:s24+$0xFFFFFFA0] =	vst v37  }
0x263: {  	v20 =	vmov s28;
	v36 =	vor.u32 v3, v14;
	v23 =	vmov s26;
	v32 =	vld.idx.msk [tilespmem:v7+s3+$0x0], $0xffff;
	[tilespmem:s24+$0x20] =	vst v38  }
0x264: {  	v6 =	vand.u32 $0x71, v33;
	v37 =	vor.u32 v3, v15;
	v7 =	vand.u32 $0x72, v46;
	v33 =	vld.idx.msk [tilespmem:v8+s3+$0x0], $0xffff;
	[tilespmem:s24+$0xA0] =	vst v41  }
0x265: {  	v6 =	vbroadcast v6, $0x0;
	v38 =	vor.u32 v3, v16;
	v8 =	vand.u32 $0x73, v10;
	v34 =	vld.idx.msk [tilespmem:v11+s3+$0x0], $0xffff;
	[tilespmem:s24+$0x120] =	vst v39  }
.Ltmp4:
0x266: {  	v12 =	vor.u32 v3, v4;
	v4 =	vmovc v30;
	v7 =	vbroadcast v7, $0x0;
	v10 =	vand.u32 $0x74, v47;
	v35 =	vld.idx.msk [tilespmem:v9+s3+$0x0], $0xffff;
	[tilespmem:s24+$0x1A0] =	vst v42;
	(pc) =	sbr.rel @p1 .LBB2_9-.Ltmp4, $4  }
0x267: {  	v13 =	vor.u32 v0, v6;
	v8 =	vbroadcast v8, $0x0;
	v9 =	vand.u32 $0x75, v17;
	v30 =	vld.idx.msk [tilespmem:v18+s3+$0x0], $0xffff;
	[tilespmem:s24+$0x220] =	vst v43  }
0x268: {  	v11 =	vbroadcast v10, $0x0;
	v10 =	vand.u32 $0x76, v48;
	v14 =	vor.u32 v0, v7;
	v36 =	vld.idx.msk [tilespmem:v36+s3+$0x0], $0xffff;
	[tilespmem:s24+$0x2A0] =	vst v44  }
0x269: {  	v17 =	vand.u32 $0x77, v49;
	v15 =	vor.u32 v0, v8;
	v9 =	vbroadcast v9, $0x0;
	v37 =	vld.idx.msk [tilespmem:v37+s3+$0x0], $0xffff;
	[tilespmem:s24+$0x320] =	vst v40  }
0x26a: {  	s26 =	sadd.s32 $0xF, s25;
	s25 =	sadd.s32 $0x10, s25;
	v10 =	vbroadcast v10, $0x0;
	v16 =	vor.u32 v0, v11;
	v18 =	vand.u32 $0x78, v50;
	[tilespmem:s24+$0xFFFFFC20] =	vst v45;
	v38 =	vld.idx.msk [tilespmem:v38+s3+$0x0], $0xffff  }
0x26b: {  	[tilespmem:s24+$0xFFFFFCB0] =	vst v22  }
0x26c: {  	[tilespmem:s24+$0xFFFFFD30] =	vst v24  }
0x26d: {  	[tilespmem:s24+$0xFFFFFDB0] =	vst v27  }
0x26e: {  	[tilespmem:s24+$0xFFFFFE30] =	vst v28  }
0x26f: {  	[tilespmem:s24+$0xFFFFFEB0] =	vst v29  }
0x270: {  	[tilespmem:s24+$0xFFFFFF30] =	vst v31  }
0x271: {  	[tilespmem:s24+$0xFFFFFFB0] =	vst v32  }
0x272: {  	[tilespmem:s24+$0x30] =	vst v33  }
0x273: {  	[tilespmem:s24+$0xB0] =	vst v34  }
0x274: {  	[tilespmem:s24+$0x130] =	vst v35  }
0x275: {  	v60 =	vld.idx.msk [tilespmem:v12+s3+$0x0], $0xffff;
	v61 =	vor.u32 v0, v9;
	s31 =	sadd.s32 $0x800, s24;
	[tilespmem:s24+$0x1B0] =	vst v30  }
0x276: {  	v58 =	vmov s26;
	v12 =	vbroadcast v17, $0x0;
	v46 =	vld.idx.msk [tilespmem:v16+s3+$0x0], $0xffff;
	v63 =	vor.u32 v0, v10;
	[tilespmem:s31+$0xFFFFFC00] =	vst v5  }
0x277: {  	v62 =	vld.idx.msk [tilespmem:v13+s3+$0x0], $0xffff;
	v13 =	vbroadcast v18, $0x0;
	v40 =	vand.u32 $0x79, v19;
	v34 =	vor.u32 v1, v11;
	[tilespmem:s24+$0x230] =	vst v36  }
0x278: {  	v39 =	vld.idx.msk [tilespmem:v14+s3+$0x0], $0xffff;
	v44 =	vand.u32 $0x7A, v25;
	v14 =	vbroadcast v40, $0x0;
	v42 =	vor.u32 v0, v12;
	[tilespmem:s24+$0x2B0] =	vst v37  }
0x279: {  	v43 =	vld.idx.msk [tilespmem:v15+s3+$0x0], $0xffff;
	v47 =	vand.u32 $0x7B, v26;
	v15 =	vbroadcast v44, $0x0;
	v45 =	vor.u32 v0, v13;
	[tilespmem:s24+$0x330] =	vst v38  }
0x27a: {  	v21 =	vand.u32 $0x7C, v21;
	v16 =	vbroadcast v47, $0x0;
	v49 =	vor.u32 v0, v14;
	[tilespmem:s24+$0xFFFFFC30] =	vst v60;
	v48 =	vld.idx.msk [tilespmem:v61+s3+$0x0], $0xffff  }
0x27b: {  	v22 =	vand.u32 $0x7F, v58;
	v17 =	vbroadcast v21, $0x0;
	v51 =	vor.u32 v0, v15;
	[tilespmem:s31+$0xFFFFFE00] =	vst v46;
	v50 =	vld.idx.msk [tilespmem:v63+s3+$0x0], $0xffff  }
0x27c: {  	v55 =	vand.u32 $0x7E, v20;
	v22 =	vbroadcast v22, $0x0;
	v53 =	vor.u32 v0, v16;
	[tilespmem:s31+$0xFFFFFC80] =	vst v62;
	v40 =	vld.idx.msk [tilespmem:v34+s3+$0x0], $0xffff  }
0x27d: {  	v19 =	vbroadcast v55, $0x0;
	v56 =	vor.u32 v0, v17;
	[tilespmem:s31+$0xFFFFFD00] =	vst v39;
	v30 =	vld.idx.msk [tilespmem:v42+s3+$0x0], $0xffff  }
0x27e: {  	v59 =	vor.u32 v0, v22;
	[tilespmem:s31+$0xFFFFFD80] =	vst v43;
	v57 =	vld.idx.msk [tilespmem:v45+s3+$0x0], $0xffff  }
0x27f: {  	v60 =	vor.u32 v0, v19;
	v27 =	vld.idx.msk [tilespmem:v49+s3+$0x0], $0xffff;
	[tilespmem:s31+$0xFFFFFE80] =	vst v48  }
0x280: {  	v62 =	vor.u32 v1, v7;
	v28 =	vld.idx.msk [tilespmem:v51+s3+$0x0], $0xffff;
	[tilespmem:s31+$0xFFFFFF00] =	vst v50  }
0x281: {  	v52 =	vand.u32 $0x7D, v23;
	v63 =	vor.u32 v1, v8;
	v23 =	vld.idx.msk [tilespmem:v53+s3+$0x0], $0xffff;
	[tilespmem:s31+$0xFFFFFE10] =	vst v40  }
0x282: {  	v35 =	vor.u32 v1, v9;
	v20 =	vld.idx.msk [tilespmem:v56+s3+$0x0], $0xffff;
	[tilespmem:s31+$0xFFFFFF80] =	vst v30  }
0x283: {  	v36 =	vor.u32 v1, v10;
	v24 =	vld.idx.msk [tilespmem:v59+s3+$0x0], $0xffff;
	[tilespmem:s31+$0x0] =	vst v57  }
0x284: {  	v39 =	vor.u32 v1, v13;
	v26 =	vld.idx.msk [tilespmem:v60+s3+$0x0], $0xffff;
	[tilespmem:s31+$0x80] =	vst v27  }
0x285: {  	v18 =	vbroadcast v52, $0x0;
	v49 =	vor.u32 v1, v4;
	v37 =	vld.idx.msk [tilespmem:v62+s3+$0x0], $0xffff;
	[tilespmem:s31+$0x100] =	vst v28  }
0x286: {  	v55 =	vor.u32 v2, v11;
	v21 =	vld.idx.msk [tilespmem:v63+s3+$0x0], $0xffff;
	[tilespmem:s31+$0x180] =	vst v23  }
0x287: {  	v59 =	vor.u32 v0, v18;
	v5 =	vld.idx.msk [tilespmem:v35+s3+$0x0], $0xffff;
	[tilespmem:s31+$0x200] =	vst v20  }
0x288: {  	v61 =	vor.u32 v1, v6;
	v20 =	vld.idx.msk [tilespmem:v36+s3+$0x0], $0xffff;
	[tilespmem:s31+$0x380] =	vst v24  }
0x289: {  	v42 =	vor.u32 v1, v15;
	v45 =	vld.idx.msk [tilespmem:v39+s3+$0x0], $0xffff;
	[tilespmem:s31+$0x300] =	vst v26  }
0x28a: {  	v44 =	vor.u32 v1, v17;
	v56 =	vld.idx.msk [tilespmem:v49+s3+$0x0], $0xffff;
	[tilespmem:s31+$0xFFFFFD10] =	vst v37  }
0x28b: {  	v41 =	vor.u32 v1, v22;
	v27 =	vld.idx.msk [tilespmem:v55+s3+$0x0], $0xffff;
	[tilespmem:s31+$0xFFFFFD90] =	vst v21  }
0x28c: {  	v43 =	vor.u32 v1, v16;
	v33 =	vld.idx.msk [tilespmem:v59+s3+$0x0], $0xffff;
	[tilespmem:s31+$0xFFFFFE90] =	vst v5  }
0x28d: {  	v53 =	vor.u32 v2, v8;
	v24 =	vld.idx.msk [tilespmem:v61+s3+$0x0], $0xffff;
	[tilespmem:s31+$0xFFFFFF10] =	vst v20  }
0x28e: {  	v57 =	vor.u32 v2, v9;
	v23 =	vld.idx.msk [tilespmem:v42+s3+$0x0], $0xffff;
	[tilespmem:s31+$0x10] =	vst v45  }
0x28f: {  	v51 =	vld.idx.msk [tilespmem:v44+s3+$0x0], $0xffff;
	v59 =	vor.u32 v2, v10;
	[tilespmem:s31+$0xFFFFFC10] =	vst v56  }
0x290: {  	v54 =	vld.idx.msk [tilespmem:v41+s3+$0x0], $0xffff;
	v41 =	vor.u32 v1, v14;
	[tilespmem:s31+$0xFFFFFE20] =	vst v27  }
0x291: {  	v46 =	vor.u32 v1, v18;
	v5 =	vld.idx.msk [tilespmem:v43+s3+$0x0], $0xffff;
	[tilespmem:s31+$0x280] =	vst v33  }
0x292: {  	v48 =	vor.u32 v1, v19;
	v61 =	vld.idx.msk [tilespmem:v53+s3+$0x0], $0xffff;
	[tilespmem:s31+$0xFFFFFC90] =	vst v24  }
0x293: {  	v37 =	vor.u32 v2, v17;
	v32 =	vld.idx.msk [tilespmem:v57+s3+$0x0], $0xffff;
	[tilespmem:s31+$0x110] =	vst v23  }
0x294: {  	v58 =	vor.u32 v2, v22;
	[tilespmem:s31+$0x210] =	vst v51;
	v34 =	vld.idx.msk [tilespmem:v59+s3+$0x0], $0xffff  }
0x295: {  	v50 =	vor.u32 v2, v6;
	[tilespmem:s31+$0x390] =	vst v54;
	v47 =	vld.idx.msk [tilespmem:v41+s3+$0x0], $0xffff  }
0x296: {  	v52 =	vor.u32 v2, v7;
	v29 =	vld.idx.msk [tilespmem:v46+s3+$0x0], $0xffff;
	[tilespmem:s31+$0x190] =	vst v5  }
0x297: {  	v35 =	vor.u32 v2, v16;
	v54 =	vld.idx.msk [tilespmem:v48+s3+$0x0], $0xffff;
	[tilespmem:s31+$0xFFFFFDA0] =	vst v61  }
0x298: {  	v33 =	vor.u32 v2, v15;
	v45 =	vld.idx.msk [tilespmem:v37+s3+$0x0], $0xffff;
	[tilespmem:s31+$0xFFFFFEA0] =	vst v32  }
0x299: {  	v41 =	vor.u32 v2, v4;
	v25 =	vld.idx.msk [tilespmem:v58+s3+$0x0], $0xffff;
	[tilespmem:s31+$0xFFFFFF20] =	vst v34  }
0x29a: {  	v46 =	vor.u32 v3, v8;
	v58 =	vld.idx.msk [tilespmem:v50+s3+$0x0], $0xffff;
	[tilespmem:s31+$0x90] =	vst v47  }
0x29b: {  	v51 =	vor.u32 v3, v10;
	v5 =	vld.idx.msk [tilespmem:v52+s3+$0x0], $0xffff;
	[tilespmem:s31+$0x290] =	vst v29  }
0x29c: {  	v38 =	vor.u32 v1, v12;
	v43 =	vld.idx.msk [tilespmem:v35+s3+$0x0], $0xffff;
	[tilespmem:s31+$0x310] =	vst v54  }
0x29d: {  	v62 =	vor.u32 v2, v13;
	v26 =	vld.idx.msk [tilespmem:v33+s3+$0x0], $0xffff;
	[tilespmem:s31+$0x220] =	vst v45  }
0x29e: {  	v63 =	vor.u32 v2, v14;
	v49 =	vld.idx.msk [tilespmem:v41+s3+$0x0], $0xffff;
	[tilespmem:s31+$0x3A0] =	vst v25  }
0x29f: {  	v40 =	vor.u32 v2, v19;
	v8 =	vld.idx.msk [tilespmem:v46+s3+$0x0], $0xffff;
	[tilespmem:s31+$0xFFFFFCA0] =	vst v58  }
0x2a0: {  	v50 =	vor.u32 v3, v9;
	v10 =	vld.idx.msk [tilespmem:v51+s3+$0x0], $0xffff;
	[tilespmem:s31+$0xFFFFFD20] =	vst v5  }
0x2a1: {  	v55 =	vor.u32 v3, v17;
	v25 =	vld.idx.msk [tilespmem:v38+s3+$0x0], $0xffff;
	[tilespmem:s31+$0x1A0] =	vst v43  }
0x2a2: {  	v22 =	vor.u32 v3, v22;
	v5 =	vld.idx.msk [tilespmem:v62+s3+$0x0], $0xffff;
	[tilespmem:s31+$0x120] =	vst v26  }
0x2a3: {  	v42 =	vor.u32 v3, v6;
	v39 =	vld.idx.msk [tilespmem:v63+s3+$0x0], $0xffff;
	[tilespmem:s31+$0xFFFFFC20] =	vst v49  }
0x2a4: {  	v44 =	vor.u32 v3, v7;
	v48 =	vld.idx.msk [tilespmem:v40+s3+$0x0], $0xffff;
	[tilespmem:s31+$0xFFFFFDB0] =	vst v8  }
0x2a5: {  	v38 =	vor.u32 v2, v18;
	v9 =	vld.idx.msk [tilespmem:v50+s3+$0x0], $0xffff;
	[tilespmem:s31+$0xFFFFFF30] =	vst v10  }
0x2a6: {  	v4 =	vor.u32 v3, v4;
	v61 =	vld.idx.msk [tilespmem:v55+s3+$0x0], $0xffff;
	[tilespmem:s31+$0xFFFFFF90] =	vst v25  }
0x2a7: {  	v60 =	vor.u32 v2, v12;
	v22 =	vld.idx.msk [tilespmem:v22+s3+$0x0], $0xffff;
	[tilespmem:s31+$0x20] =	vst v5  }
0x2a8: {  	v13 =	vor.u32 v3, v13;
	v6 =	vld.idx.msk [tilespmem:v42+s3+$0x0], $0xffff;
	[tilespmem:s31+$0xA0] =	vst v39  }
0x2a9: {  	v14 =	vor.u32 v3, v14;
	v7 =	vld.idx.msk [tilespmem:v44+s3+$0x0], $0xffff;
	[tilespmem:s31+$0x320] =	vst v48  }
0x2aa: {  	v47 =	vld.idx.msk [tilespmem:v38+s3+$0x0], $0xffff;
	v5 =	vor.u32 v3, v11;
	[tilespmem:s31+$0xFFFFFEB0] =	vst v9  }
0x2ab: {  	v53 =	vor.u32 v3, v16;
	v4 =	vld.idx.msk [tilespmem:v4+s3+$0x0], $0xffff;
	[tilespmem:s31+$0x230] =	vst v61  }
0x2ac: {  	v59 =	vor.u32 v3, v19;
	[tilespmem:s31+$0x3B0] =	vst v22;
	v36 =	vld.idx.msk [tilespmem:v60+s3+$0x0], $0xffff  }
0x2ad: {  	v57 =	vor.u32 v3, v18;
	[tilespmem:s31+$0xFFFFFCB0] =	vst v6;
	v56 =	vld.idx.msk [tilespmem:v13+s3+$0x0], $0xffff  }
0x2ae: {  	v12 =	vor.u32 v3, v12;
	[tilespmem:s31+$0xFFFFFD30] =	vst v7;
	v58 =	vld.idx.msk [tilespmem:v14+s3+$0x0], $0xffff  }
0x2af: {  	v52 =	vor.u32 v3, v15;
	[tilespmem:s31+$0x2A0] =	vst v47;
	v5 =	vld.idx.msk [tilespmem:v5+s3+$0x0], $0xffff  }
0x2b0: {  	v60 =	vld.idx.msk [tilespmem:v53+s3+$0x0], $0xffff;
	[tilespmem:s31+$0xFFFFFC30] =	vst v4  }
0x2b1: {  	v63 =	vld.idx.msk [tilespmem:v59+s3+$0x0], $0xffff;
	[tilespmem:s31+$0xFFFFFFA0] =	vst v36  }
0x2b2: {  	v62 =	vld.idx.msk [tilespmem:v57+s3+$0x0], $0xffff;
	[tilespmem:s31+$0x30] =	vst v56  }
0x2b3: {  	[tilespmem:s31+$0xB0] =	vst v58;
	v54 =	vld.idx.msk [tilespmem:v12+s3+$0x0], $0xffff  }
0x2b4: {  	[tilespmem:s31+$0xFFFFFE30] =	vst v5;
	v5 =	vld.idx.msk [tilespmem:v52+s3+$0x0], $0xffff  }
0x2b5: {  	[tilespmem:s31+$0x1B0] =	vst v60  }
0x2b6: {  	[tilespmem:s31+$0x330] =	vst v63  }
0x2b7: {  	[tilespmem:s31+$0x2B0] =	vst v62  }
0x2b8: {  	[tilespmem:s31+$0xFFFFFFB0] =	vst v54  }
0x2b9: {  	s23 =	sadd.s32 $0x1, s23;
	[tilespmem:s31+$0x130] =	vst v5  }
0x2ba: {  	[hbm4b:s12+s3] =	stream.linear.scatter [tilespmem:s18], [sflag:$0x3], $0x4000, $0x38;
	[tilespmem:$0xC000] =	vst v63  }
0x2bb: {  	p1 =	sne.s32 s23, s13;
	_ =	swait.ge [sflag:s22], $0x4000  }
.Ltmp5:
0x2bc: {  	[sflag:s22] =	ssyncset.done $0x0;
	(pc) =	sbr.rel @p1 .LBB2_1-.Ltmp5, $4  }
0x2bd: {  	[sflag:s22] =	ssyncadd.s32 $0xFFFFC000  }
0x2be: {  	_ =	swait.ge [sflag:s21], $0x4000  }
0x2bf: {  	[sflag:s21] =	ssyncset.done $0x0  }
0x2c0: {  	[sflag:s21] =	ssyncadd.s32 $0xFFFFC000  }
0x2c1: {  	_ =	sfence.sel $0x180000  }
0x2c2: {  	[bflag:$0x0] =	sbarrier.arrive $0xFFFF  }
0x2c3: {  	p0 =	sne.s32 s2, $0x0;
	_ =	strace $0x90000047  }
0x2c4: {  	s0 =	sadd.s32 @!p0 $0x100000, s0;
	[bflag:$0x2] =	sbarrier.arrive $0xFFFF  }
0x2c5: {  	[sflag:s0] =	ssyncadd.tile.s32 @!p0 $0x1;
	_ =	shalt  }
.Lfunc_end2:
_tile_overlayer_lowered:
.L_overlay_start_2:
0x2c6: {  	(tag) =	ssettag $0x2  }
0x2c7: {  	s0 =	rddreg [dreg:$0x0];
	s2 =	stileid.u32  }
0x2c8: {  	s1 =	rddreg [dreg:$0x1];
	p0 =	sne.s32 s2, $0x0  }
0x2c9: {  	s3 =	rddreg [dreg:$0x2];
	[bflag:$0x3] =	sbarrier.arrive $0xFFFF;
	s2 =	simm.s32 @!p0 $0x1C05  }
0x2ca: {  	[timem:s3], [sflag:s2] =	dma.local @!p0 [hbm:s0], s1  }
0x2cb: {  	s0 =	simm.s32 @!p0 $0x5  }
0x2cc: {  	_ =	swait.ge @!p0 [sflag:s0], s1  }
0x2cd: {  	s1 =	ssub.s32 @!p0 $0x0, s1;
	[sflag:s0] =	ssyncset.done @!p0 $0x0  }
0x2ce: {  	[sflag:s0] =	ssyncadd.s32 @!p0 s1  }
0x2cf: {  	[bflag:$0x3] =	sbarrier.arrive $0xFFFF  }
0x2d0: {  	_ =	shalt  }

// kernel: kernel.7.cloned.1.call-start
scs
__scs_entry_jumppad:
0x0: {  	(pc) =	sbr.rel $0x88, $3  }
0x1: {  	(tag) =	ssettag $0x0;
	lr =	simm.s32 $0x1  }
0x2: {  	[smem:$0x3F9F] =	sst lr;
	_ =	strace $0xD0000000  }
0x3: {  	_ = 	snop  }
0x4: {  	_ = 	snop  }
0x5: {  	_ = 	snop  }
0x6: {  	_ = 	snop  }
0x7: {  	_ = 	snop  }
__scs_overlays_trampoline_lowered:
0x8: {  	[smem:$0x3FAE] =	sst s0  }
0x9: {  	[smem:$0x3FAF] =	sst s1  }
0xa: {  	[smem:$0x3FB0] =	sst s2  }
0xb: {  	[smem:$0x3FB1] =	sst s3  }
0xc: {  	[smem:$0x3FB2] =	sst s4  }
0xd: {  	[smem:$0x3FB3] =	sst s5  }
0xe: {  	[smem:$0x3FB4] =	sst s6  }
0xf: {  	[smem:$0x3FB5] =	sst s7  }
0x10: {  	[smem:$0x3FB6] =	sst s8  }
0x11: {  	[smem:$0x3FB7] =	sst s9;
	s0 =	simm.s32 @!p0 $0x0  }
0x12: {  	s1 =	sld [smem:$0x3F9D];
	s0 =	simm.s32 @p0 $0x1  }
0x13: {  	[smem:$0x3FB8] =	sst s0;
	s0 =	simm.s32 @!p1 $0x0  }
0x14: {  	s2 =	sld [smem:$0x3F9C];
	s0 =	simm.s32 @p1 $0x1  }
0x15: {  	[smem:$0x3FB9] =	sst s0;
	s0 =	simm.s32 @!p2 $0x0  }
0x16: {  	s3 =	sld [smem:$0x3FDB];
	s0 =	simm.s32 @p2 $0x1  }
0x17: {  	s4 =	simm.s32 $0x1BF5;
	[smem:$0x3FBB] =	sst s0  }
0x18: {  	s0 =	sld [smem:$0x3F9E];
	_ =	swait.ge [sflag:s4], $0x0  }
0x19: {  	s7 =	sld [smem:$0x3F9F]  }
0x1a: {  	s8 =	sadd.s32 $0xFFFFE003, lr  }
0x1b: {  	s9 =	sadd.s32 $0xFFFFFEF7, lr;
	s5 =	simm.s32 $0xFFFFFFFF;
	p2 =	slt.u32 s8, $0xFFFFF086  }
0x1c: {  	p1 =	slt.u32 s9, $0xF7A;
	s5 =	simm.s32 @!p2 $0x0  }
0x1d: {  	s5 =	simm.s32 @p1 $0x1;
	p0 =	seq.s32 s7, s2  }
0x1e: {  	s7 =	smul.u32 @!p0 $0xF7A, s2;
	p2 =	seq.s32 @!p0 s5, $0x0  }
0x1f: {  	s9 =	smul.u32 $0xF7A, s1;
	s8 =	simm.s32 @!p0 $0x1BF5;
	p2 =	por !p2, p0  }
0x20: {  	[sflag:s8] =	ssyncset.s32 @!p0 $0xFFFFF086;
	s6 =	sadd.s32 @!p0 s3, s7;
	s7 =	simm.s32 @!p0 $0x108  }
0x21: {  	s3 =	sadd.s32 s3, s9;
	s6 =	sadd.s32 @!p0 $0x88, s6;
	s7 =	simm.s32 @p2 $0x1082  }
0x22: {  	[simem:s7], [sflag:s8] =	dma.local @!p0 [hbm:s6], $0xF7A  }
0x23: {  	s9 =	sor.u32 $0xD0000000, s2;
	s6 =	simm.s32 $0x108;
	_ =	swait.ge @!p0 [sflag:s8], $0x0  }
0x24: {  	s3 =	sadd.s32 $0x88, s3;
	s6 =	simm.s32 @!p1 $0x1082;
	[sflag:s4] =	ssyncset.s32 $0xFFFFF086  }
0x25: {  	[simem:s6], [sflag:s4] =	dma.local [hbm:s3], $0xF7A  }
0x26: {  	[smem:$0x3F9F] =	sst s1;
	(tag) =	ssettag s2;
	_ =	strace s9  }
0x27: {  	s1 =	sld [smem:$0x3FAF]  }
0x28: {  	s2 =	sld [smem:$0x3FB0]  }
0x29: {  	s4 =	sld [smem:$0x3FB2]  }
0x2a: {  	p0 =	seq.s32 s5, $0x0;
	s5 =	sld [smem:$0x3FB3]  }
0x2b: {  	s6 =	sld [smem:$0x3FB4]  }
0x2c: {  	s7 =	sld [smem:$0x3FB5]  }
0x2d: {  	s3 =	simm.s32 $0x108;
	s8 =	sld [smem:$0x3FB6]  }
0x2e: {  	s3 =	simm.s32 @!p0 $0x1082;
	s9 =	sld [smem:$0x3FB7]  }
0x2f: {  	lr =	sadd.s32 s0, s3;
	s0 =	sld [smem:$0x3FAE]  }
0x30: {  	s3 =	sld [smem:$0x3FB1]  }
0x31: {  	[smem:$0x3FBA] =	sst s10  }
0x32: {  	s10 =	sld [smem:$0x3FB8];
	_ =	sdelay $0x3  }
0x33: {  	p0 =	seq.s32 s10, $0x1;
	s10 =	sld [smem:$0x3FBA];
	_ =	sdelay $0x3  }
0x34: {  	[smem:$0x3FBA] =	sst s10  }
0x35: {  	s10 =	sld [smem:$0x3FB9];
	_ =	sdelay $0x3  }
0x36: {  	p1 =	seq.s32 s10, $0x1;
	s10 =	sld [smem:$0x3FBA];
	_ =	sdelay $0x3  }
0x37: {  	[smem:$0x3FBA] =	sst s10  }
0x38: {  	s10 =	sld [smem:$0x3FBB]  }
0x39: {  	_ = 	snop;
	(pc) =	sbr.ind lr, $3  }
0x3a: {  	_ = 	snop  }
0x3b: {  	_ = 	snop  }
0x3c: {  	p2 =	seq.s32 s10, $0x1;
	s10 =	sld [smem:$0x3FBA]  }
0x3d: {  	_ =	shalt  }
0x3e: {  	_ =	shalt  }
0x3f: {  	_ =	shalt  }
0x40: {  	_ =	shalt  }
0x41: {  	_ =	shalt  }
0x42: {  	_ =	shalt  }
0x43: {  	_ =	shalt  }
0x44: {  	_ =	shalt  }
0x45: {  	_ =	shalt  }
0x46: {  	_ =	shalt  }
0x47: {  	_ =	shalt  }
0x48: {  	_ =	shalt  }
0x49: {  	_ =	shalt  }
0x4a: {  	_ =	shalt  }
0x4b: {  	_ =	shalt  }
0x4c: {  	_ =	shalt  }
0x4d: {  	_ =	shalt  }
0x4e: {  	_ =	shalt  }
0x4f: {  	_ =	shalt  }
0x50: {  	_ =	shalt  }
0x51: {  	_ =	shalt  }
0x52: {  	_ =	shalt  }
0x53: {  	_ =	shalt  }
0x54: {  	_ =	shalt  }
0x55: {  	_ =	shalt  }
0x56: {  	_ =	shalt  }
0x57: {  	_ =	shalt  }
0x58: {  	_ =	shalt  }
0x59: {  	_ =	shalt  }
0x5a: {  	_ =	shalt  }
0x5b: {  	_ =	shalt  }
0x5c: {  	_ =	shalt  }
0x5d: {  	_ =	shalt  }
0x5e: {  	_ =	shalt  }
0x5f: {  	_ =	shalt  }
0x60: {  	_ =	shalt  }
0x61: {  	_ =	shalt  }
0x62: {  	_ =	shalt  }
0x63: {  	_ =	shalt  }
0x64: {  	_ =	shalt  }
0x65: {  	_ =	shalt  }
0x66: {  	_ =	shalt  }
0x67: {  	_ =	shalt  }
0x68: {  	_ =	shalt  }
0x69: {  	_ =	shalt  }
0x6a: {  	_ =	shalt  }
0x6b: {  	_ =	shalt  }
0x6c: {  	_ =	shalt  }
0x6d: {  	_ =	shalt  }
0x6e: {  	_ =	shalt  }
0x6f: {  	_ =	shalt  }
0x70: {  	_ =	shalt  }
0x71: {  	_ =	shalt  }
0x72: {  	_ =	shalt  }
0x73: {  	_ =	shalt  }
0x74: {  	_ =	shalt  }
0x75: {  	_ =	shalt  }
0x76: {  	_ =	shalt  }
0x77: {  	_ =	shalt  }
0x78: {  	_ =	shalt  }
0x79: {  	_ =	shalt  }
0x7a: {  	_ =	shalt  }
0x7b: {  	_ =	shalt  }
0x7c: {  	_ =	shalt  }
0x7d: {  	_ =	shalt  }
0x7e: {  	_ =	shalt  }
0x7f: {  	_ =	shalt  }
0x80: {  	_ =	shalt  }
0x81: {  	_ =	shalt  }
0x82: {  	_ =	shalt  }
0x83: {  	_ =	shalt  }
0x84: {  	_ =	shalt  }
0x85: {  	_ =	shalt  }
0x86: {  	_ =	shalt  }
0x87: {  	_ =	shalt  }
.Lfunc_end0:
.L_simem_size_0:
called_computation.2_lowered:
.L_overlay_start_0:
0x88: {  	s2 =	sld [smem:$0x3FD9]  }
0x89: {  	s3 =	sld [smem:$0x3FFE];
	_ =	sdelay $0x1  }
0x8a: {  	s1 =	srdreg.scid  }
0x8b: {  	s0 =	sand.u32 $0x1, s1  }
0x8c: {  	s17 =	sshll.u32 s0, $0xA;
	s2 =	sadd.s32 s3, s2  }
0x8d: {  	s2 =	sadd.s32 s2, s17  }
0x8e: {  	[smem:$0x3FC6] =	sst s2  }
0x8f: {  	_ = 	snop  }
0x90: {  	s2 =	sld [smem:$0x3FD0];
	(tm) =	ssettm $0x1  }
0x91: {  	s18 =	sld [smem:$0x3FFB];
	_ =	sdelay $0x3  }
0x92: {  	_ =	strace s18  }
0x93: {  	s3 =	sld [smem:$0x3FFC];
	_ =	sdelay $0x3  }
0x94: {  	_ =	strace s3  }
0x95: {  	s3 =	sld [smem:$0x3FFD];
	_ =	sdelay $0x3  }
0x96: {  	_ =	strace s3  }
0x97: {  	_ =	strace $0x8FFFFFFF  }
0x98: {  	s19 =	sld [smem:$0x3FDB];
	_ =	sdelay $0x1  }
0x99: {  	s4 =	simm.s32 $_scs_section_size  }
0x9a: {  	s5 =	simm.s32 $_size__tile_overlayer_lowered;
	s6 =	simm.s32 $_tile_overlayer_lowered  }
0x9b: {  	s22 =	simm.s32 $0x1BFF;
	s21 =	sshll.u32 s6, $0x1;
	s3 =	sadd.s32 s4, s19  }
0x9c: {  	s7 =	simm.s32 $0x0;
	s20 =	sshll.u32 s5, $0x1;
	s5 =	sadd.s32 s21, s3  }
0x9d: {  	[timem:s7], [sflag:s22] =	dma.local [hbm:s5], s20  }
0x9e: {  	_ =	swait.ge [sflag:s22], s20  }
0x9f: {  	s4 =	ssub.s32 $0x0, s20;
	[sflag:s22] =	ssyncset.done $0x0  }
0xa0: {  	[sflag:s22] =	ssyncadd.s32 s4;
	_ =	sdelay $0x1  }
0xa1: {  	s23 =	simm.s32 $0x1B8B  }
0xa2: {  	_ =	swait.ge [sflag:s23], $0x1  }
0xa3: {  	[sflag:s23] =	ssyncset.done $0x0  }
0xa4: {  	s25 =	simm.s32 $0x1B8E;
	s24 =	sld [smem:$0x3FFE];
	[sflag:s23] =	ssyncadd.s32 $0xFFFFFFFF  }
0xa5: {  	s26 =	simm.s32 $execute0_lowered;
	[smem:$0x3FD2] =	sst s25  }
0xa6: {  	s5 =	sshll.u32 s26, $0x1;
	_ =	strace $0x80000049;
	[dreg:$0x1] =	wrdreg $0xFFFFFFFF  }
0xa7: {  	s28 =	simm.s32 $_size_execute0_lowered;
	s3 =	sadd.s32 s3, s5;
	[dreg:$0x0] =	wrdreg $0x0  }
0xa8: {  	s5 =	sshll.u32 s28, $0x1;
	[dreg:$0x2] =	wrdreg s3  }
0xa9: {  	[dreg:$0x3] =	wrdreg s5  }
0xaa: {  	[dreg:$0x4] =	wrdreg $0xC0  }
0xab: {  	_ =	task [dreg:s7], $0x5FFFF  }
0xac: {  	[dreg:$0x1] =	wrdreg $0xFFFFFFFF  }
0xad: {  	[dreg:$0x0] =	wrdreg $0x60  }
0xae: {  	[dreg:$0x2] =	wrdreg s2  }
0xaf: {  	[dreg:$0x3] =	wrdreg s24  }
0xb0: {  	[dreg:$0x4] =	wrdreg $0x9  }
0xb1: {  	_ =	task.clear_ibuf [dreg:s7], $0x5FFFF;
	_ =	strace $0x90000049  }
0xb2: {  	s29 =	simm.s32 $0x9;
	_ =	strace $0x8000004B  }
0xb3: {  	_ =	swait.ge [sflag:s29], $0x1  }
0xb4: {  	[sflag:s29] =	ssyncadd.s32 $0xFFFFFFFF  }
0xb5: {  	_ =	strace $0x9000004B  }
0xb6: {  	_ =	sfence  }
0xb7: {  	s30 =	sld [smem:$0x0];
	_ =	sdelay $0x2  }
0xb8: {  	s31 =	sshll.u32 s1, $0xD;
	s1 =	sshrl.u32 s1, $0x2  }
0xb9: {  	s3 =	sand.u32 $0x4000, s31;
	s1 =	sadd.s32 s1, s30  }
0xba: {  	s0 =	sor.u32 s3, s0;
	s1 =	sshll.u32 s1, $0x11  }
0xbb: {  	s0 =	sor.u32 s1, s0  }
0xbc: {  	s0 =	sadd.s32 $0x8F2B, s0  }
0xbd: {  	[sflag:s0] =	ssyncadd.remote.s32 $0x1  }
0xbe: {  	_ =	sfence.sel $0xFFFF  }
0xbf: {  	[dreg:$0x0] =	wrdreg $0xFFFFFFFF;
	(pc) =	sbr.abs _section_cstart, $3  }
0xc0: {  	[dreg:$0x1] =	wrdreg $0xFFFFFFFF  }
0xc1: {  	_ =	task.clear_ibuf [dreg:s7], $0x2FFFF;
	_ =	strace $0x9FFFFFFF  }
0xc2: {  	(tm) =	ssettm $0x7FFFFFFF  }
0xc3: {  	_ =	shalt  }
tec
execute0_lowered:
.L_overlay_start_1:
0x0: {  	(tag) =	ssettag $0x1  }
0x1: {  	s0 =	rddreg [dreg:$0x0]  }
0x2: {  	s1 =	rddreg [dreg:$0x1]  }
0x3: {  	s2 =	simm.s32 $0x0;
	s3 =	srdreg.scid;
	s7 =	stileid.u32  }
0x4: {  	s15 =	simm.s32 $0x1;
	s16 =	simm.s32 $0x200;
	s17 =	simm.s32 $0x2  }
0x5: {  	s18 =	simm.s32 $0x4200;
	s19 =	simm.s32 $0x7;
	s20 =	simm.s32 $0x9  }
0x6: {  	s21 =	simm.s32 $0x8200;
	s22 =	simm.s32 $0x8;
	s28 =	simm.s32 $0xC  }
0x7: {  	s29 =	simm.s32 $0x0;
	[smem:$0x7FF] =	sst s2;
	s9 =	sand.u32 $0x1, s3  }
0x8: {  	s4 =	sshll.u32 s7, $0x8;
	s3 =	sadd.s32 $0x1600, s1;
	s23 =	sshll.u32 s7, $0xC  }
0x9: {  	_ =	strace $0x8000004A;
	s5 =	sshll.u32 s9, $0x7;
	s6 =	ssub.s32 $0x2, s9  }
0xa: {  	s1 =	sadd.s32 s23, s1;
	s9 =	sshll.u32 s9, $0xB;
	s23 =	simm.s32 $0xA  }
0xb: {  	s10 =	sor.u32 s5, s4;
	s24 =	sshrl.u32 s6, $0x1;
	s1 =	sadd.s32 s9, s1  }
0xc: {  	s25 =	sshrl.u32 s10, $0x3;
	s8 =	ssub.s32 s6, s24;
	s11 =	sor.u32 $0x5000, s10  }
0xd: {  	s12 =	sor.u32 $0x4000, s10;
	s9 =	sadd.s32 $0xF43E00, s1;
	s24 =	simm.s32 $0xC200  }
.Ltmp0:
0xe: {  	s4 =	sadd.s32 s0, s25;
	s8 =	smax.u32 s8, $0x1;
	(pc) =	sbr.rel .LBB2_1-.Ltmp0, $4  }
0xf: {  	s11 =	sshrl.u32 s11, $0x3;
	s31 =	sshrl.u32 s12, $0x3;
	s12 =	simm.s32 $0x80  }
0x10: {  	s25 =	simm.s32 $0x5;
	s26 =	sadd.s32 $0x200, s4;
	s30 =	sadd.s32 $0x400, s4  }
0x11: {  	s7 =	sadd.s32 $0x600, s4;
	s10 =	sadd.s32 s11, s0;
	[dreg:$0x3] =	wrdreg s26  }
0x12: {  	s11 =	sadd.s32 s31, s0;
	[dreg:$0x4] =	wrdreg s30;
	s26 =	simm.s32 $0x6  }
.LBB2_10:
0x13: {  	s29 =	sadd.s32 $0x1, s29  }
0x14: {  	_ =	swait.ge [sflag:s20], $0x4000;
	p0 =	sne.s32 s29, s8  }
.Ltmp1:
0x15: {  	[sflag:s20] =	ssyncset.done $0x0;
	(pc) =	sbr.rel @!p0 .LBB2_11-.Ltmp1, $4  }
0x16: {  	[sflag:s20] =	ssyncadd.s32 $0xFFFFC000  }
0x17: {  	_ =	swait.ge [sflag:s23], $0x4000  }
0x18: {  	[sflag:s23] =	ssyncset.done $0x0  }
0x19: {  	[sflag:s23] =	ssyncadd.s32 $0xFFFFC000  }
.LBB2_1:
0x1a: {  	[tilespmem:s2], [sflag:$0x1] =	stream.linear.gather [hbm4b:s4+s2], $0x80, $0x38;
	[tilespmem:$0x10200] =	vst v63  }
0x1b: {  	s0 =	rddreg [dreg:$0x3]  }
0x1c: {  	[tilespmem:s12], [sflag:$0x2] =	stream.linear.gather [hbm4b:s0+s2], $0x80, $0x38;
	[tilespmem:$0x10200] =	vst v63  }
0x1d: {  	s13 =	rddreg [dreg:$0x4];
	s1 =	simm.s32 $0x100  }
0x1e: {  	[tilespmem:s1], [sflag:$0x3] =	stream.linear.gather [hbm4b:s13+s2], $0x80, $0x38;
	[tilespmem:$0x10200] =	vst v63  }
0x1f: {  	s14 =	simm.s32 $0x180  }
0x20: {  	[tilespmem:s14], [sflag:$0x4] =	stream.linear.gather [hbm4b:s7+s2], $0x80, $0x38;
	[tilespmem:$0x10200] =	vst v63  }
0x21: {  	_ =	swait.ge [sflag:s15], $0x80  }
0x22: {  	[sflag:s15] =	ssyncset.done $0x0  }
0x23: {  	[sflag:s15] =	ssyncadd.s32 $0xFFFFFF80  }
0x24: {  	[tilespmem:s16], [sflag:$0x5] =	stream.indirect.gather [hbm4b:s3+s12], $0x80, s2, s12, $0xb8;
	[tilespmem:$0x10200] =	vst v63  }
.Ltmp2:
0x25: {  	_ = 	snop;
	(pc) =	sbr.rel .LBB2_2-.Ltmp2, $4  }
0x26: {  	_ =	swait.ge [sflag:s17], $0x80  }
0x27: {  	s30 =	smov.u32 s11;
	s31 =	smov.u32 s10;
	[sflag:s17] =	ssyncset.done $0x0  }
0x28: {  	s0 =	simm.s32 $0x0;
	s1 =	simm.s32 $0x0;
	[sflag:s17] =	ssyncadd.s32 $0xFFFFFF80  }
0x29: {  	[tilespmem:s18], [sflag:$0x6] =	stream.indirect.gather [hbm4b:s3+s12], $0x80, s12, s12, $0xb8;
	[tilespmem:$0x10200] =	vst v63  }
.LBB2_8:
0x2a: {  	_ =	swait.ge [sflag:s19], $0x4000  }
0x2b: {  	[sflag:s19] =	ssyncset.done $0x0  }
0x2c: {  	[sflag:s19] =	ssyncadd.s32 $0xFFFFC000  }
0x2d: {  	_ =	swait.ge [sflag:s20], $0x4000  }
0x2e: {  	[sflag:s20] =	ssyncset.done $0x0  }
0x2f: {  	s5 =	sadd.s32 s0, s9;
	[sflag:s20] =	ssyncadd.s32 $0xFFFFC000  }
0x30: {  	[hbm4b:s5+s2] =	stream.linear.scatter [tilespmem:s21], [sflag:$0xB], $0x4000, $0x38;
	[tilespmem:$0x10200] =	vst v63  }
0x31: {  	_ =	swait.ge [sflag:s15], $0x80  }
0x32: {  	[sflag:s15] =	ssyncset.done $0x0  }
0x33: {  	p0 =	sgt.u32 s1, $0x16;
	[sflag:s15] =	ssyncadd.s32 $0xFFFFFF80  }
0x34: {  	[tilespmem:s16], [sflag:$0x5] =	stream.indirect.gather [hbm4b:s3+s12], $0x80, s2, s12, $0xb8;
	[tilespmem:$0x10200] =	vst v63  }
0x35: {  	s6 =	simm.s32 @!p0 $0x0;
	s13 =	simm.s32 @!p0 $0x100  }
0x36: {  	[tilespmem:s13], [sflag:$0x3] =	stream.linear.gather @!p0 [hbm4b:s30+s6], $0x80, $0x38;
	[tilespmem:$0x10200] =	vst v63  }
0x37: {  	_ =	swait.ge [sflag:s22], $0x4000  }
0x38: {  	[sflag:s22] =	ssyncset.done $0x0  }
0x39: {  	[sflag:s22] =	ssyncadd.s32 $0xFFFFC000  }
0x3a: {  	_ =	swait.ge [sflag:s23], $0x4000  }
0x3b: {  	[sflag:s23] =	ssyncset.done $0x0  }
0x3c: {  	s5 =	sadd.s32 $0x10000, s5;
	[sflag:s23] =	ssyncadd.s32 $0xFFFFC000  }
0x3d: {  	[hbm4b:s5+s2] =	stream.linear.scatter [tilespmem:s24], [sflag:$0xC], $0x4000, $0x38;
	[tilespmem:$0x10200] =	vst v63  }
0x3e: {  	_ =	swait.ge [sflag:s17], $0x80  }
0x3f: {  	[sflag:s17] =	ssyncset.done $0x0  }
0x40: {  	[sflag:s17] =	ssyncadd.s32 $0xFFFFFF80  }
0x41: {  	[tilespmem:s18], [sflag:$0x6] =	stream.indirect.gather [hbm4b:s3+s12], $0x80, s12, s12, $0xb8;
	[tilespmem:$0x10200] =	vst v63  }
0x42: {  	s5 =	simm.s32 @!p0 $0x180  }
0x43: {  	[tilespmem:s5], [sflag:$0x4] =	stream.linear.gather @!p0 [hbm4b:s31+s6], $0x80, $0x38;
	[tilespmem:$0x10200] =	vst v63  }
.LBB2_9:
0x44: {  	s0 =	sadd.s32 $0x20000, s0  }
0x45: {  	p0 =	sne.s32 s0, $0x320000  }
.Ltmp3:
0x46: {  	_ = 	snop;
	(pc) =	sbr.rel @!p0 .LBB2_10-.Ltmp3, $2  }
0x47: {  	_ =	sdelay $0x2  }
0x48: {  	s1 =	sadd.s32 $0x1, s1;
	s31 =	sadd.s32 $0x400, s31;
	s30 =	sadd.s32 $0x400, s30  }
.LBB2_2:
0x49: {  	s13 =	sand.u32 $0x1, s1  }
0x4a: {  	p0 =	seq.s32 s13, $0x1  }
.Ltmp4:
0x4b: {  	_ = 	snop;
	(pc) =	sbr.rel @p0 .LBB2_8-.Ltmp4, $1  }
0x4c: {  	_ =	sdelay $0x3  }
0x4d: {  	_ =	swait.ge [sflag:s25], $0x4000  }
0x4e: {  	p1 =	seq.s32 s0, $0x0;
	[sflag:s25] =	ssyncset.done $0x0  }
0x4f: {  	s13 =	simm.s32 @!p1 $0xB;
	[sflag:s25] =	ssyncadd.s32 $0xFFFFC000  }
0x50: {  	p0 =	seq.s32 s0, $0x300000;
	_ =	swait.ge @!p1 [sflag:s13], $0x4000  }
0x51: {  	p2 =	slt.u32 @!p0 s1, $0x17;
	[sflag:s13] =	ssyncset.done @!p1 $0x0  }
0x52: {  	p2 =	por p0, !p2;
	[sflag:s13] =	ssyncadd.s32 @!p1 $0xFFFFC000;
	s13 =	sadd.s32 s0, s9  }
0x53: {  	[hbm4b:s13+s2] =	stream.linear.scatter [tilespmem:s16], [sflag:$0x9], $0x4000, $0x38;
	[tilespmem:$0x10200] =	vst v63  }
.Ltmp5:
0x54: {  	s14 =	simm.s32 @!p0 $0x3;
	(pc) =	sbr.rel @p2 .LBB2_4-.Ltmp5, $4  }
0x55: {  	_ =	swait.ge @!p0 [sflag:s14], $0x80  }
0x56: {  	s5 =	simm.s32 @!p0 $0x100;
	[sflag:s14] =	ssyncset.done @!p0 $0x0  }
0x57: {  	s6 =	simm.s32 @!p0 $0x8200;
	[sflag:s14] =	ssyncadd.s32 @!p0 $0xFFFFFF80;
	s14 =	simm.s32 @!p0 $0x80  }
0x58: {  	[tilespmem:s6], [sflag:$0x7] =	stream.indirect.gather @!p0 [hbm4b:s3+s14], $0x80, s5, s14, $0xb8;
	[tilespmem:$0x10200] =	vst v63  }
0x59: {  	[tilespmem:s2], [sflag:$0x1] =	stream.linear.gather [hbm4b:s30+s2], $0x80, $0x38;
	[tilespmem:$0x10200] =	vst v63  }
.Ltmp6:
0x5a: {  	_ = 	snop;
	(pc) =	sbr.rel @!p1 .LBB2_6-.Ltmp6, $4  }
.Ltmp7:
0x5b: {  	_ = 	snop;
	(pc) =	sbr.rel @p1 .LBB2_7-.Ltmp7, $4  }
0x5c: {  	_ =	swait.ge [sflag:s26], $0x4000  }
0x5d: {  	[sflag:s26] =	ssyncset.done $0x0  }
0x5e: {  	p2 =	por $0x1, $0x1;
	[sflag:s26] =	ssyncadd.s32 $0xFFFFC000  }
0x5f: {  	_ = 	snop  }
.LBB2_4:
0x60: {  	_ =	swait.ge [sflag:s26], $0x4000  }
0x61: {  	[sflag:s26] =	ssyncset.done $0x0  }
0x62: {  	p2 =	por $0x0, $0x0;
	[sflag:s26] =	ssyncadd.s32 $0xFFFFC000  }
.LBB2_6:
0x63: {  	_ =	swait.ge [sflag:s28], $0x4000  }
0x64: {  	[sflag:s28] =	ssyncset.done $0x0  }
0x65: {  	[sflag:s28] =	ssyncadd.s32 $0xFFFFC000  }
.LBB2_7:
0x66: {  	s5 =	sadd.s32 $0x10000, s13  }
0x67: {  	[hbm4b:s5+s2] =	stream.linear.scatter [tilespmem:s18], [sflag:$0xA], $0x4000, $0x38;
	[tilespmem:$0x10200] =	vst v63  }
0x68: {  	s5 =	simm.s32 @!p0 $0x4  }
0x69: {  	_ =	swait.ge @!p0 [sflag:s5], $0x80  }
.Ltmp8:
0x6a: {  	s6 =	simm.s32 @!p0 $0x180;
	[sflag:s5] =	ssyncset.done @!p0 $0x0;
	(pc) =	sbr.rel .LBB2_9-.Ltmp8, $4  }
0x6b: {  	s13 =	simm.s32 @!p0 $0xC200;
	[sflag:s5] =	ssyncadd.s32 @!p0 $0xFFFFFF80;
	s5 =	simm.s32 @!p0 $0x80  }
0x6c: {  	[tilespmem:s13], [sflag:$0x8] =	stream.indirect.gather @!p0 [hbm4b:s3+s5], $0x80, s6, s5, $0xb8;
	[tilespmem:$0x10200] =	vst v63  }
0x6d: {  	s5 =	simm.s32 @p2 $0x0;
	s6 =	simm.s32 @p2 $0x80  }
0x6e: {  	[tilespmem:s6], [sflag:$0x2] =	stream.linear.gather @p2 [hbm4b:s31+s5], $0x80, $0x38;
	[tilespmem:$0x10200] =	vst v63  }
.LBB2_11:
0x6f: {  	_ =	sfence.sel $0x180000  }
0x70: {  	[bflag:$0x0] =	sbarrier.arrive $0xFFFF  }
0x71: {  	_ =	strace $0x9000004A  }
0x72: {  	s0 =	stileid.u32;
	[bflag:$0x2] =	sbarrier.arrive $0xFFFF  }
0x73: {  	p0 =	sne.s32 s0, $0x0;
	s0 =	rddreg [dreg:$0x2]  }
0x74: {  	s0 =	sadd.s32 @!p0 $0x100000, s0  }
0x75: {  	[sflag:s0] =	ssyncadd.tile.s32 @!p0 $0x1;
	_ =	shalt  }
.Lfunc_end2:
_tile_overlayer_lowered:
.L_overlay_start_2:
0x76: {  	(tag) =	ssettag $0x2  }
0x77: {  	s0 =	rddreg [dreg:$0x0];
	s2 =	stileid.u32  }
0x78: {  	s1 =	rddreg [dreg:$0x1];
	p0 =	sne.s32 s2, $0x0  }
0x79: {  	s3 =	rddreg [dreg:$0x2];
	[bflag:$0x3] =	sbarrier.arrive $0xFFFF;
	s2 =	simm.s32 @!p0 $0x1C0D  }
0x7a: {  	[timem:s3], [sflag:s2] =	dma.local @!p0 [hbm:s0], s1  }
0x7b: {  	s0 =	simm.s32 @!p0 $0xD  }
0x7c: {  	_ =	swait.ge @!p0 [sflag:s0], s1  }
0x7d: {  	s1 =	ssub.s32 @!p0 $0x0, s1;
	[sflag:s0] =	ssyncset.done @!p0 $0x0  }
0x7e: {  	[sflag:s0] =	ssyncadd.s32 @!p0 s1  }
0x7f: {  	[bflag:$0x3] =	sbarrier.arrive $0xFFFF  }
0x80: {  	_ =	shalt  }

// kernel: sparse-core-data-format-call.cloned.1.call-start
scs
called_computation_lowered:
.L_overlay_start_0:
0x0: {  	s2 =	sld [smem:$0x3FD9]  }
0x1: {  	s3 =	sld [smem:$0x3FFE];
	_ =	sdelay $0x1  }
0x2: {  	s1 =	srdreg.scid  }
0x3: {  	s0 =	sand.u32 $0x1, s1  }
0x4: {  	s18 =	sshll.u32 s0, $0xA;
	s2 =	sadd.s32 s3, s2  }
0x5: {  	s2 =	sadd.s32 s2, s18  }
0x6: {  	[smem:$0x3FC6] =	sst s2  }
0x7: {  	_ = 	snop  }
0x8: {  	s2 =	sld [smem:$0x3FD0];
	(tm) =	ssettm $0x1  }
0x9: {  	s19 =	sld [smem:$0x3FFB];
	_ =	sdelay $0x3  }
0xa: {  	_ =	strace s19  }
0xb: {  	s3 =	sld [smem:$0x3FFC];
	_ =	sdelay $0x3  }
0xc: {  	_ =	strace s3  }
0xd: {  	s3 =	sld [smem:$0x3FFD];
	_ =	sdelay $0x3  }
0xe: {  	_ =	strace s3  }
0xf: {  	_ =	strace $0x8FFFFFFF  }
0x10: {  	s20 =	sld [smem:$0x3FDB];
	_ =	sdelay $0x1  }
0x11: {  	s4 =	simm.s32 $_scs_section_size  }
0x12: {  	s5 =	simm.s32 $_size__tile_overlayer_lowered;
	s6 =	simm.s32 $_tile_overlayer_lowered  }
0x13: {  	s23 =	simm.s32 $0x1BFF;
	s22 =	sshll.u32 s6, $0x1;
	s3 =	sadd.s32 s4, s20  }
0x14: {  	s7 =	simm.s32 $0x0;
	s21 =	sshll.u32 s5, $0x1;
	s5 =	sadd.s32 s22, s3  }
0x15: {  	[timem:s7], [sflag:s23] =	dma.local [hbm:s5], s21  }
0x16: {  	_ =	swait.ge [sflag:s23], s21  }
0x17: {  	s4 =	ssub.s32 $0x0, s21;
	[sflag:s23] =	ssyncset.done $0x0  }
0x18: {  	[sflag:s23] =	ssyncadd.s32 s4;
	_ =	sdelay $0x1  }
0x19: {  	s24 =	simm.s32 $0x1B8B  }
0x1a: {  	_ =	swait.ge [sflag:s24], $0x1  }
0x1b: {  	[sflag:s24] =	ssyncset.done $0x0  }
0x1c: {  	s26 =	simm.s32 $0x1B8E;
	s25 =	sld [smem:$0x3FFE];
	[sflag:s24] =	ssyncadd.s32 $0xFFFFFFFF  }
0x1d: {  	s27 =	simm.s32 $execute0_lowered;
	[smem:$0x3FD2] =	sst s26  }
0x1e: {  	s5 =	sshll.u32 s27, $0x1;
	_ =	strace $0x8000004C;
	[dreg:$0x1] =	wrdreg $0xFFFFFFFF  }
0x1f: {  	s28 =	simm.s32 $_size_execute0_lowered;
	s3 =	sadd.s32 s3, s5;
	[dreg:$0x0] =	wrdreg $0x0  }
0x20: {  	s5 =	sshll.u32 s28, $0x1;
	[dreg:$0x2] =	wrdreg s3  }
0x21: {  	[dreg:$0x3] =	wrdreg s5  }
0x22: {  	[dreg:$0x4] =	wrdreg $0xC0  }
0x23: {  	_ =	task [dreg:s7], $0x5FFFF  }
0x24: {  	[dreg:$0x1] =	wrdreg $0xFFFFFFFF  }
0x25: {  	[dreg:$0x0] =	wrdreg $0x60  }
0x26: {  	[dreg:$0x2] =	wrdreg s25  }
0x27: {  	[dreg:$0x3] =	wrdreg s2  }
0x28: {  	[dreg:$0x4] =	wrdreg $0x9  }
0x29: {  	_ =	task.clear_ibuf [dreg:s7], $0x5FFFF;
	_ =	strace $0x9000004C  }
0x2a: {  	s29 =	simm.s32 $0x9;
	_ =	strace $0x8000004E  }
0x2b: {  	_ =	swait.ge [sflag:s29], $0x1  }
0x2c: {  	[sflag:s29] =	ssyncadd.s32 $0xFFFFFFFF  }
0x2d: {  	_ =	strace $0x9000004E  }
0x2e: {  	_ =	sfence  }
0x2f: {  	s30 =	sld [smem:$0x0];
	_ =	sdelay $0x2  }
0x30: {  	s31 =	sshll.u32 s1, $0xD;
	s1 =	sshrl.u32 s1, $0x2  }
0x31: {  	s3 =	sand.u32 $0x4000, s31;
	s1 =	sadd.s32 s1, s30  }
0x32: {  	s0 =	sor.u32 s3, s0;
	s1 =	sshll.u32 s1, $0x11  }
0x33: {  	s0 =	sor.u32 s1, s0  }
0x34: {  	s0 =	sadd.s32 $0x8F2B, s0  }
0x35: {  	[sflag:s0] =	ssyncadd.remote.s32 $0x1  }
0x36: {  	_ =	sfence.sel $0xFFFF  }
0x37: {  	[dreg:$0x0] =	wrdreg $0xFFFFFFFF;
	(pc) =	sbr.abs _section_cstart, $3  }
0x38: {  	[dreg:$0x1] =	wrdreg $0xFFFFFFFF  }
0x39: {  	_ =	task.clear_ibuf [dreg:s7], $0x2FFFF;
	_ =	strace $0x9FFFFFFF  }
0x3a: {  	(tm) =	ssettm $0x7FFFFFFF  }
0x3b: {  	_ =	shalt  }
tec
execute0_lowered:
.L_overlay_start_1:
0x0: {  	(tag) =	ssettag $0x1  }
0x1: {  	s0 =	srdreg.scid  }
0x2: {  	s1 =	sshll.u32 s0, $0x4  }
0x3: {  	s5 =	rddreg [dreg:$0x0];
	s0 =	stileid.u32;
	s1 =	sand.u32 $0x10, s1  }
0x4: {  	s3 =	rddreg [dreg:$0x1];
	s31 =	simm.s32 $0x2;
	s4 =	sor.u32 s0, s1  }
0x5: {  	s13 =	simm.s32 $0x0;
	s9 =	simm.s32 $0x400;
	s2 =	sshll.u32 s4, $0x7  }
0x6: {  	s10 =	simm.s32 $0x8000;
	s14 =	simm.s32 $0x0;
	s6 =	ssub.s32 $0x1000, s2  }
0x7: {  	s1 =	rddreg [dreg:$0x2];
	_ =	strace $0x8000004D;
	s7 =	sand.u32 $0xF80, s6  }
0x8: {  	s4 =	sshll.u32 s4, $0xB;
	p0 =	sne.s32 s7, $0x0;
	s7 =	simm.s32 $0x1  }
.Ltmp0:
0x9: {  	s6 =	sshrl.u32 s6, $0xC;
	s7 =	simm.s32 @!p0 $0x0;
	(pc) =	sbr.rel .LBB1_1-.Ltmp0, $4  }
0xa: {  	s8 =	sadd.s32 s4, s5;
	s4 =	simm.s32 $0x1;
	s30 =	sadd.s32 s7, s6  }
0xb: {  	s11 =	simm.s32 $0x0;
	[sflag:s4] =	ssyncpa.u1 $0x0;
	s5 =	smul.u32 $0x19, s30  }
0xc: {  	s12 =	simm.s32 $0x0;
	[sflag:s31] =	ssyncpa.u1 $0x0;
	p0 =	por $0x0, $0x0  }
0xd: {  	s6 =	sadd.s32 $0xE00, s8;
	s7 =	sadd.s32 $0x10E00, s8;
	s8 =	sadd.s32 $0x1, s5  }
.LBB1_7:
0xe: {  	s15 =	sadd.s32 $0x2, s11  }
0xf: {  	p2 =	sgt.s32 s15, $0x31  }
0x10: {  	s15 =	simm.s32 @p2 $0x0;
	p2 =	sne.s32 s12, s8  }
.Ltmp1:
0x11: {  	p1 =	slt.u32 s12, $0x2;
	(pc) =	sbr.rel @!p2 .LBB1_8-.Ltmp1, $4  }
0x12: {  	s13 =	simm.s32 @!p1 $0x2  }
0x13: {  	s16 =	sadd.s32 $0x1, s12;
	s14 =	smov.u32 s11;
	_ =	swait.ge @!p1 [sflag:s13], $0x4000  }
0x14: {  	p0 =	por !p0, !p0;
	s12 =	smov.u32 s16;
	[sflag:s13] =	ssyncset.done @!p1 $0x0  }
0x15: {  	s11 =	smov.u32 s15;
	[sflag:s13] =	ssyncadd.s32 @!p1 $0xFFFFC000;
	s13 =	smov.u32 s2  }
.LBB1_1:
0x16: {  	p1 =	sge.u32 s12, s5  }
0x17: {  	s15 =	sxor.u32 @!p1 $0xFFFFFFFF, s12  }
0x18: {  	s16 =	sshll.u32 @!p1 s11, $0x10;
	s18 =	simm.s32 @!p1 $0x40;
	s15 =	sshll.u32 @!p1 s15, $0xE  }
0x19: {  	s19 =	simm.s32 @!p1 $0x80;
	s17 =	sadd.s32 @!p1 s16, s6;
	s15 =	sand.u32 @!p1 $0x4000, s15  }
0x1a: {  	[tilespmem:s15], [sflag:$0x1] =	stream.strided.gather @!p1 [hbm4b:s17+s18], $0x2000, s19, s18, $0x38;
	[tilespmem:$0x10100] =	vst v63  }
0x1b: {  	s31 =	sadd.s32 $0xFFFFFFFF, s12;
	s16 =	sadd.s32 @!p1 s16, s7;
	s15 =	sor.u32 @!p1 $0x2000, s15  }
0x1c: {  	[tilespmem:s15], [sflag:$0x1] =	stream.strided.gather @!p1 [hbm4b:s16+s18], $0x2000, s19, s18, $0x38;
	[tilespmem:$0x10100] =	vst v63  }
0x1d: {  	p1 =	sge.u32 s31, s5  }
.Ltmp2:
0x1e: {  	_ = 	snop;
	(pc) =	sbr.rel @p1 .LBB1_7-.Ltmp2, $1  }
0x1f: {  	_ =	sdelay $0x3  }
0x20: {  	s15 =	simm.s32 $0x1;
	s17 =	sand.u32 $0x1, s12  }
0x21: {  	_ =	swait.ge [sflag:s4], $0x4000;
	s15 =	simm.s32 @!p0 $0x0;
	s17 =	smul.u32 $0x10200, s17  }
0x22: {  	p2 =	por $0x1, $0x1;
	[sflag:s4] =	ssyncset.done $0x0;
	s16 =	smul.u32 $0x10200, s15  }
0x23: {  	s18 =	sshll.u32 s15, $0x10;
	[sflag:s4] =	ssyncadd.s32 $0xFFFFC000;
	s30 =	sshrl.u32 s17, $0x2  }
0x24: {  	s31 =	sshrl.u32 s18, $0x2;
	s18 =	simm.s32 $0x0;
	s16 =	sshrl.u32 s16, $0x2  }
0x25: {  	s15 =	sor.u32 $0x8000, s30;
	s17 =	sadd.s32 $0x20, s31;
	s16 =	sor.u32 $0x8000, s16  }
.LBB1_3:
0x26: {  	s19 =	sshll.u32 s18, $0xD  }
0x27: {  	s19 =	sand.u32 $0x3FFFE000, s19  }
0x28: {  	s21 =	sadd.s32 s19, s17  }
0x29: {  	s31 =	smul.u32 $0x8100, s18;
	v3 =	vld [tilespmem:s21+$0x10]  }
0x2a: {  	v1 =	vld [tilespmem:s21+$0xFFFFFFF0]  }
0x2b: {  	s18 =	sshra.s32 s31, $0x2;
	v0 =	vld [tilespmem:s21+$0x0]  }
0x2c: {  	s18 =	sadd.s32 s18, s16;
	v2 =	vld [tilespmem:s21+$0xFFFFFFE0]  }
0x2d: {  	s19 =	sadd.s32 $0x0, s18  }
0x2e: {  	p1 =	por p2, p2;
	s20 =	simm.s32 $0x4;
	s21 =	sadd.s32 $0x40, s21;
	[tilespmem:s19+$0x1830 ss:$0x81] =	vst.msk $0xffff, v3  }
.LBB1_4:
0x2f: {  	v3 =	vld [tilespmem:s21+$0x10];
	p2 =	sne.s32 s20, $0x1FC;
	[tilespmem:s19+$0x810 ss:$0x81] =	vst.msk $0xffff, v1;
	s22 =	smov.u32 s20;
	s20 =	sadd.s32 $0x4, s20  }
.Ltmp3:
0x30: {  	v1 =	vld [tilespmem:s21+$0xFFFFFFF0];
	[tilespmem:s19+$0x1020 ss:$0x81] =	vst.msk $0xffff, v0;
	(pc) =	sbr.rel @p2 .LBB1_4-.Ltmp3, $4  }
0x31: {  	v0 =	vld [tilespmem:s21+$0x0];
	[tilespmem:s19+$0x0 ss:$0x81] =	vst.msk $0xffff, v2  }
0x32: {  	s19 =	sshra.s32 s22, $0x2;
	v2 =	vld [tilespmem:s21+$0xFFFFFFE0]  }
0x33: {  	s19 =	sadd.s32 s19, s18  }
0x34: {  	s21 =	sadd.s32 $0x40, s21;
	[tilespmem:s19+$0x1830 ss:$0x81] =	vst.msk $0xffff, v3  }
.Ltmp4:
0x35: {  	(pc) =	sbr.rel @p1 .LBB1_3-.Ltmp4, $4  }
0x36: {  	_ = 	snop  }
0x37: {  	[tilespmem:s19+$0x810 ss:$0x81] =	vst.msk $0xffff, v1  }
0x38: {  	[tilespmem:s19+$0x1020 ss:$0x81] =	vst.msk $0xffff, v0  }
0x39: {  	s18 =	simm.s32 $0x1;
	p2 =	por $0x0, $0x0;
	[tilespmem:s19+$0x0 ss:$0x81] =	vst.msk $0xffff, v2  }
.Ltmp5:
0x3a: {  	(pc) =	sbr.rel .LBB1_7-.Ltmp5, $4  }
0x3b: {  	s14 =	sshll.u32 s14, $0xF  }
0x3c: {  	s14 =	sadd.s32 s3, s14  }
0x3d: {  	s13 =	sadd.s32 s13, s14  }
0x3e: {  	[hbm4b:s13+s9] =	stream.strided.scatter [tilespmem:s15], [sflag:$0x2], $0x4000, s10, s9, $0x20;
	[tilespmem:$0x10100] =	vst v63  }
.LBB1_8:
0x3f: {  	_ =	sfence.sel $0x180000  }
0x40: {  	s2 =	simm.s32 $0x1;
	[bflag:$0x0] =	sbarrier.arrive $0xFFFF  }
0x41: {  	s31 =	simm.s32 $0x2;
	[sflag:s2] =	ssyncpa.u1 $0x1  }
0x42: {  	[sflag:s31] =	ssyncpa.u1 $0x1  }
0x43: {  	p0 =	sne.s32 s0, $0x0;
	_ =	strace $0x9000004D  }
0x44: {  	s0 =	sadd.s32 @!p0 $0x100000, s1;
	[bflag:$0x2] =	sbarrier.arrive $0xFFFF  }
0x45: {  	[sflag:s0] =	ssyncadd.tile.s32 @!p0 $0x1;
	_ =	shalt  }
.Lfunc_end1:
_tile_overlayer_lowered:
.L_overlay_start_2:
0x46: {  	(tag) =	ssettag $0x2  }
0x47: {  	s0 =	rddreg [dreg:$0x0];
	s2 =	stileid.u32  }
0x48: {  	s1 =	rddreg [dreg:$0x1];
	p0 =	sne.s32 s2, $0x0  }
0x49: {  	s3 =	rddreg [dreg:$0x2];
	[bflag:$0x3] =	sbarrier.arrive $0xFFFF;
	s2 =	simm.s32 @!p0 $0x1C01  }
0x4a: {  	[timem:s3], [sflag:s2] =	dma.local @!p0 [hbm:s0], s1  }
0x4b: {  	s0 =	simm.s32 @!p0 $0x1  }
0x4c: {  	_ =	swait.ge @!p0 [sflag:s0], s1  }
0x4d: {  	s1 =	ssub.s32 @!p0 $0x0, s1;
	[sflag:s0] =	ssyncset.done @!p0 $0x0  }
0x4e: {  	[sflag:s0] =	ssyncadd.s32 @!p0 s1  }
0x4f: {  	[bflag:$0x3] =	sbarrier.arrive $0xFFFF  }
0x50: {  	_ =	shalt  }

</sc_bundles>
